<compile_context>
chip_gen: v7x
topology: tpu7x:2x2x1
jax: 0.10.2.dev20260603
libtpu: 0.0.44.dev20260713+nightly
codegen_flags: <defaults>
</compile_context>

<pallas_src>
import functools

import jax
import jax.numpy as jnp
from jax import lax
from jax.experimental import pallas as pl
from jax.experimental.pallas import tpu as pltpu
from jax.experimental.pallas import tpu_sc as plsc

N = 10000
NPAD = 10240
E = 320000
D = 128
NC = 2
NS = 16
NW = NC * NS
EPW = E // NW
B = 80
NB = EPW // B
ROWS_PT = NPAD // NS
DROWS_PT = NPAD // NS

_mesh = plsc.VectorSubcoreMesh(core_axis_name="c", subcore_axis_name="s")


NQ = 2
NQI = NB // NQ
QN = 2
NQUAD = NB // QN


def _stage_idx(dst_buf, src_buf, off):
    for k in range(B // 16):
        o = pl.multiple_of(off + 16 * k, 8)
        dst_buf[pl.ds(pl.multiple_of(16 * k, 8), 16)] = src_buf[pl.ds(o, 16)]


@functools.partial(
    pl.kernel,
    mesh=_mesh,
    out_type=[
        jax.ShapeDtypeStruct((NPAD,), jnp.float32),
        jax.ShapeDtypeStruct((NPAD,), jnp.float32),
    ],
    scratch_types=[
        pltpu.VMEM_SHARED((NPAD,), jnp.float32),
        pltpu.VMEM((DROWS_PT,), jnp.float32),
        pltpu.VMEM((B,), jnp.float32),
        pltpu.VMEM((EPW,), jnp.int32),
    ]
    + [pltpu.VMEM((B,), jnp.int32) for _ in range(NQ)]
    + [pltpu.SemaphoreType.DMA for _ in range(NQ)],
)
def _deg_kernel(dst_hbm, out0, out1, acc, initv, val, didx_all, *rest):
    didx_b = rest[:NQ]
    ssem = rest[NQ:]
    cid = lax.axis_index("c")
    sid = lax.axis_index("s")
    wid = sid * NC + cid

    fill = jnp.where(cid == 0, 1.0, 0.0).astype(jnp.float32)
    filled = jnp.broadcast_to(fill, (16,))

    def _fill_init(i, _):
        initv[pl.ds(pl.multiple_of(i * 16, 16), 16)] = filled
        return 0

    lax.fori_loop(0, DROWS_PT // 16, _fill_init, 0)

    def _fill_ones(i, _):
        val[pl.ds(pl.multiple_of(i * 16, 16), 16)] = jnp.ones((16,), jnp.float32)
        return 0

    lax.fori_loop(0, B // 16, _fill_ones, 0)

    ebase = pl.multiple_of(wid * EPW, 8)
    pltpu.sync_copy(dst_hbm.at[pl.ds(ebase, EPW)], didx_all)

    ioff = pl.multiple_of(sid * DROWS_PT, 8)
    pltpu.sync_copy(initv, acc.at[pl.ds(ioff, DROWS_PT)])
    plsc.subcore_barrier()

    def _quad(i, _):
        for k in range(NQ):
            _stage_idx(didx_b[k], didx_all, (i * NQ + k) * B)
        descs = [
            pltpu.async_copy(val, acc.at[didx_b[k]], ssem[k], add=True)
            for k in range(NQ)
        ]
        for d in descs:
            d.wait()
        return 0

    lax.fori_loop(0, NQI, _quad, 0)
    _stage_idx(didx_b[0], didx_all, (NB - 1) * B)
    pltpu.sync_copy(val, acc.at[didx_b[0]], add=True)

    plsc.subcore_barrier()

    @pl.when(cid == 0)
    def _():
        pltpu.sync_copy(acc.at[pl.ds(ioff, DROWS_PT)], out0.at[pl.ds(ioff, DROWS_PT)])

    @pl.when(cid == 1)
    def _():
        pltpu.sync_copy(acc.at[pl.ds(ioff, DROWS_PT)], out1.at[pl.ds(ioff, DROWS_PT)])


@functools.partial(
    pl.kernel,
    mesh=_mesh,
    out_type=[
        jax.ShapeDtypeStruct((NPAD, D), jnp.float32),
        jax.ShapeDtypeStruct((NPAD, D), jnp.float32),
    ],
    scratch_types=[
        pltpu.VMEM_SHARED((NPAD, D), jnp.float32),
    ]
    + [pltpu.VMEM((B, D), jnp.float32) for _ in range(2 * QN)]
    + [pltpu.VMEM((B,), jnp.int32) for _ in range(2 * QN)]
    + [pltpu.VMEM((B,), jnp.int32) for _ in range(2 * QN)]
    + [pltpu.SemaphoreType.DMA for _ in range(8)],
)
def _scatter_kernel(x_hbm, zeros_hbm, src_hbm, dst_hbm, out0, out1,
                    acc, *rest):
    rows = [rest[QN * p:QN * p + QN] for p in range(2)]
    sidx = [rest[2 * QN + QN * p:3 * QN + QN * p] for p in range(2)]
    didx = [rest[4 * QN + QN * p:5 * QN + QN * p] for p in range(2)]
    is_sem = rest[6 * QN:6 * QN + 2]
    id_sem = rest[6 * QN + 2:6 * QN + 4]
    gsem = rest[6 * QN + 4:6 * QN + 6]
    ssem = rest[6 * QN + 6:6 * QN + 8]
    cid = lax.axis_index("c")
    sid = lax.axis_index("s")
    wid = sid * NC + cid

    ebase = pl.multiple_of(wid * EPW, 8)

    def _eoff(i, k):
        return pl.multiple_of(ebase + (i * QN + k) * B, 8)

    def _fire_sidx(i, p):
        for k in range(QN):
            pltpu.async_copy(src_hbm.at[pl.ds(_eoff(i, k), B)], sidx[p][k], is_sem[p])

    def _drain_sidx(i, p):
        for k in range(QN):
            pltpu.make_async_copy(
                src_hbm.at[pl.ds(_eoff(i, k), B)], sidx[p][k], is_sem[p]).wait()

    def _fire_didx(i, p):
        for k in range(QN):
            pltpu.async_copy(dst_hbm.at[pl.ds(_eoff(i, k), B)], didx[p][k], id_sem[p])

    def _drain_didx(i, p):
        for k in range(QN):
            pltpu.make_async_copy(
                dst_hbm.at[pl.ds(_eoff(i, k), B)], didx[p][k], id_sem[p]).wait()

    def _fire_gathers(p):
        for k in range(QN):
            pltpu.async_copy(x_hbm.at[sidx[p][k]], rows[p][k], gsem[p])

    def _drain_gathers(p):
        for k in range(QN):
            pltpu.make_async_copy(x_hbm.at[sidx[p][k]], rows[p][k], gsem[p]).wait()

    def _fire_scatters(p):
        for k in range(QN):
            pltpu.async_copy(rows[p][k], acc.at[didx[p][k]], ssem[p], add=True)

    def _drain_scatters(p):
        for k in range(QN):
            pltpu.make_async_copy(rows[p][k], acc.at[didx[p][k]], ssem[p]).wait()

    _fire_sidx(0, 0)
    _fire_didx(0, 0)
    _fire_sidx(1, 1)

    roff = pl.multiple_of(sid * ROWS_PT, 8)
    @pl.when(cid == 0)
    def _():
        pltpu.sync_copy(x_hbm.at[pl.ds(roff, ROWS_PT)], acc.at[pl.ds(roff, ROWS_PT)])

    @pl.when(cid == 1)
    def _():
        pltpu.sync_copy(zeros_hbm.at[pl.ds(roff, ROWS_PT)], acc.at[pl.ds(roff, ROWS_PT)])

    plsc.subcore_barrier()

    _drain_sidx(0, 0)
    _fire_gathers(0)

    def _quad_body(i, p):
        q = 1 - p

        @pl.when(i + 1 < NQUAD)
        def _():
            @pl.when(i >= 1)
            def _():
                _drain_scatters(q)

            _fire_didx(i + 1, q)
            _drain_sidx(i + 1, q)
            _fire_gathers(q)

        _drain_gathers(p)

        @pl.when(i + 2 < NQUAD)
        def _():
            _fire_sidx(i + 2, p)

        _drain_didx(i, p)
        _fire_scatters(p)

    def _quad(i, _):
        @pl.when(i % 2 == 0)
        def _():
            _quad_body(i, 0)

        @pl.when(i % 2 == 1)
        def _():
            _quad_body(i, 1)

        return 0

    lax.fori_loop(0, NQUAD, _quad, 0)

    _drain_scatters((NQUAD - 2) % 2)
    _drain_scatters((NQUAD - 1) % 2)

    eoff = pl.multiple_of(ebase + (NB - 1) * B, 8)
    pltpu.sync_copy(src_hbm.at[pl.ds(eoff, B)], sidx[0][0])
    pltpu.sync_copy(dst_hbm.at[pl.ds(eoff, B)], didx[0][0])
    pltpu.async_copy(x_hbm.at[sidx[0][0]], rows[0][0], gsem[0]).wait()
    pltpu.sync_copy(rows[0][0], acc.at[didx[0][0]], add=True)

    plsc.subcore_barrier()

    @pl.when(cid == 0)
    def _():
        pltpu.sync_copy(acc.at[pl.ds(roff, ROWS_PT)], out0.at[pl.ds(roff, ROWS_PT)])

    @pl.when(cid == 1)
    def _():
        pltpu.sync_copy(acc.at[pl.ds(roff, ROWS_PT)], out1.at[pl.ds(roff, ROWS_PT)])


def _scale_body(x_ref, d0_ref, d1_ref, o_ref):
    dis = lax.rsqrt(d0_ref[...] + d1_ref[...])
    o_ref[...] = x_ref[...] * dis


def _scale_x(x, d0, d1):
    return pl.pallas_call(
        _scale_body,
        out_shape=jax.ShapeDtypeStruct((NPAD, D), jnp.float32),
    )(x, d0, d1)


_RB = 2048


def _mid_body(r0_ref, r1_ref, d0_ref, d1_ref, w1_ref, b1_ref, w2_ref, o_ref):
    dis = lax.rsqrt(d0_ref[...] + d1_ref[...])
    y = (r0_ref[...] + r1_ref[...]) * dis
    m = jnp.dot(w1_ref[...], w2_ref[...], preferred_element_type=jnp.float32)
    t = jnp.dot(y, m, preferred_element_type=jnp.float32)
    t = t + jnp.dot(b1_ref[...].reshape(1, 256), w2_ref[...],
                    preferred_element_type=jnp.float32)
    o_ref[...] = t * dis


def _mid(r0, r1, d0, d1, W1, b1, W2):
    grid = (NPAD // _RB,)
    row_spec = pl.BlockSpec((_RB, D), lambda i: (i, 0))
    deg_spec = pl.BlockSpec((_RB, 1), lambda i: (i, 0))
    return pl.pallas_call(
        _mid_body,
        grid=grid,
        in_specs=[
            row_spec,
            row_spec,
            deg_spec,
            deg_spec,
            pl.BlockSpec((D, 256), lambda i: (0, 0)),
            pl.BlockSpec((256,), lambda i: (0,)),
            pl.BlockSpec((256, D), lambda i: (0, 0)),
        ],
        out_specs=row_spec,
        out_shape=jax.ShapeDtypeStruct((NPAD, D), jnp.float32),
    )(r0, r1, d0, d1, W1, b1, W2)


def _final_body(q0_ref, q1_ref, d0_ref, d1_ref, b2_ref, o_ref):
    dis = lax.rsqrt(d0_ref[...] + d1_ref[...])
    o_ref[...] = jnp.maximum((q0_ref[...] + q1_ref[...]) * dis + b2_ref[...], 0.0)


def _final(q0, q1, d0, d1, b2):
    grid = (NPAD // _RB,)
    row_spec = pl.BlockSpec((_RB, D), lambda i: (i, 0))
    deg_spec = pl.BlockSpec((_RB, 1), lambda i: (i, 0))
    return pl.pallas_call(
        _final_body,
        grid=grid,
        in_specs=[
            row_spec,
            row_spec,
            deg_spec,
            deg_spec,
            pl.BlockSpec((D,), lambda i: (0,)),
        ],
        out_specs=row_spec,
        out_shape=jax.ShapeDtypeStruct((NPAD, D), jnp.float32),
    )(q0, q1, d0, d1, b2)


def kernel(X, edge_index, W1, b1, W2, b2):
    src = edge_index[0].astype(jnp.int32)
    dst = edge_index[1].astype(jnp.int32)
    xpad = jnp.pad(X, ((0, NPAD - N), (0, 0)))
    zeros = jnp.zeros((NPAD, D), jnp.float32)

    dp0, dp1 = _deg_kernel(dst)
    d0 = dp0.reshape(NPAD, 1)
    d1 = dp1.reshape(NPAD, 1)

    x0 = _scale_x(xpad, d0, d1)
    r0, r1 = _scatter_kernel(x0, zeros, src, dst)
    t0 = _mid(r0, r1, d0, d1, W1, b1, W2)
    q0, q1 = _scatter_kernel(t0, zeros, src, dst)
    return _final(q0, q1, d0, d1, b2)[:N]

# --- scband reference (transcript-rebuilt; emitter-appended) ---
"""Pipeline reference for scband-gcn-11218454577938 (READ-ONLY COPY).

The authoritative reference and input builder live on the scoring server;
editing this copy changes nothing except your own understanding.
"""

import jax, jax.numpy as jnp
import numpy as np

N_NODES = 10000
N_EDGES = 320000
D_FEAT = 128
D_HID = 256


def setup_inputs(seed: int = 0) -> dict:
    key = jax.random.key(seed)
    k1, k2, k3, k4, k5, k6 = jax.random.split(key, 6)
    X = jax.random.normal(k1, (N_NODES, D_FEAT), dtype=jnp.float32)
    edge_index = jax.random.randint(k2, (2, N_EDGES), 0, N_NODES, dtype=jnp.int64)
    # GCNConv layer 1 params (in=D_FEAT, out=D_HID)
    W1 = jax.random.normal(k3, (D_FEAT, D_HID), dtype=jnp.float32) * (1.0 / np.sqrt(D_FEAT))
    b1 = jnp.zeros((D_HID,), dtype=jnp.float32)
    # GCNConv layer 2 params (in=D_HID, out=D_FEAT)
    W2 = jax.random.normal(k4, (D_HID, D_FEAT), dtype=jnp.float32) * (1.0 / np.sqrt(D_HID))
    b2 = jnp.zeros((D_FEAT,), dtype=jnp.float32)
    return {"X": X, "edge_index": edge_index, "W1": W1, "b1": b1, "W2": W2, "b2": b2}


def _gcn_conv(x, src, dst, W, b):
    # Symmetric-normalized GCN conv with self-loops (PyG GCNConv semantics):
    # out = D^{-1/2} (A + I) D^{-1/2} X W + b
    n = x.shape[0]
    deg = jnp.zeros((n,), dtype=x.dtype).at[dst].add(1.0)
    deg_inv_sqrt = jnp.where(deg > 0, jax.lax.rsqrt(jnp.maximum(deg, 1e-12)), 0.0)
    norm = deg_inv_sqrt[src] * deg_inv_sqrt[dst]
    h = x @ W
    msg = h[src] * norm[:, None]
    out = jnp.zeros((n, W.shape[1]), dtype=x.dtype).at[dst].add(msg)
    return out + b


def reference(X, edge_index, W1, b1, W2, b2):
    n = X.shape[0]
    loop = jnp.arange(n, dtype=edge_index.dtype)
    src = jnp.concatenate([edge_index[0], loop])
    dst = jnp.concatenate([edge_index[1], loop])
    h = _gcn_conv(X, src, dst, W1, b1)
    # nn.Dropout(0.2) is identity in eval/inference mode
    h = _gcn_conv(h, src, dst, W2, b2)
    return jax.nn.relu(h)

if __name__ == "__main__":
    import jax
    _d = setup_inputs()
    print(jax.jit(kernel)(*tuple(_d.values())))

</pallas_src>

<mosaic_0001>
#map = affine_map<(d0, d1) -> (0, 0)>
#map1 = affine_map<(d0, d1) -> (0)>
module attributes {stable_mosaic.version = 14 : i64} {
  func.func @_scatter_kernel(%arg0: i32, %arg1: i32, %arg2: memref<10240x128xf32, #tpu.memory_space<hbm>>, %arg3: memref<10240x128xf32, #tpu.memory_space<hbm>>, %arg4: memref<320000xi32, #tpu.memory_space<hbm>>, %arg5: memref<320000xi32, #tpu.memory_space<hbm>>, %arg6: memref<10240x128xf32, #tpu.memory_space<hbm>>, %arg7: memref<10240x128xf32, #tpu.memory_space<hbm>>, %arg8: memref<10240x128xf32, #tpu.memory_space<vmem_shared>>, %arg9: memref<80x128xf32, #tpu.memory_space<vmem>>, %arg10: memref<80x128xf32, #tpu.memory_space<vmem>>, %arg11: memref<80x128xf32, #tpu.memory_space<vmem>>, %arg12: memref<80x128xf32, #tpu.memory_space<vmem>>, %arg13: memref<80xi32, #tpu.memory_space<vmem>>, %arg14: memref<80xi32, #tpu.memory_space<vmem>>, %arg15: memref<80xi32, #tpu.memory_space<vmem>>, %arg16: memref<80xi32, #tpu.memory_space<vmem>>, %arg17: memref<80xi32, #tpu.memory_space<vmem>>, %arg18: memref<80xi32, #tpu.memory_space<vmem>>, %arg19: memref<80xi32, #tpu.memory_space<vmem>>, %arg20: memref<80xi32, #tpu.memory_space<vmem>>, %arg21: memref<!tpu.dma_semaphore, #tpu.memory_space<semaphore_mem>>, %arg22: memref<!tpu.dma_semaphore, #tpu.memory_space<semaphore_mem>>, %arg23: memref<!tpu.dma_semaphore, #tpu.memory_space<semaphore_mem>>, %arg24: memref<!tpu.dma_semaphore, #tpu.memory_space<semaphore_mem>>, %arg25: memref<!tpu.dma_semaphore, #tpu.memory_space<semaphore_mem>>, %arg26: memref<!tpu.dma_semaphore, #tpu.memory_space<semaphore_mem>>, %arg27: memref<!tpu.dma_semaphore, #tpu.memory_space<semaphore_mem>>, %arg28: memref<!tpu.dma_semaphore, #tpu.memory_space<semaphore_mem>>) attributes {dimension_semantics = [#tpu.dimension_semantics<core_parallel>, #tpu.dimension_semantics<subcore_parallel>], iteration_bounds = array<i64: 2, 16>, scalar_prefetch = 0 : i64, scratch_operands = 21 : i64, tpu.core_type = #tpu.core_type<sc_vector_subcore>, window_params = [{transform_indices = #map}, {transform_indices = #map}, {transform_indices = #map1}, {transform_indices = #map1}, {transform_indices = #map}, {transform_indices = #map}]} {
    %mul3A = arith.constant 2 : i32
    %mul3A_0 = arith.muli %arg1, %mul3A : i32
    %add3A = arith.addi %mul3A_0, %arg0 : i32
    %mul3A_1 = arith.constant 10000 : i32
    %mul3A_2 = arith.muli %add3A, %mul3A_1 : i32
    %multiple_of3A = tpu.assume_multiple %mul3A_2, 8 : i32
    %add3A_3 = arith.constant 0 : i32
    %add3A_4 = arith.addi %multiple_of3A, %add3A_3 : i32
    %multiple_of3A_5 = tpu.assume_multiple %add3A_4, 8 : i32
    %dma_start3A = tpu.memref_slice %arg4[%multiple_of3A_5] : memref<320000xi32, #tpu.memory_space<hbm>> -> memref<80xi32, #tpu.memory_space<hbm>>
    %dma_start3A_6 = tpu.memref_slice %arg4[%multiple_of3A_5] : memref<320000xi32, #tpu.memory_space<hbm>> -> memref<80xi32, #tpu.memory_space<hbm>>
    tpu.enqueue_dma source(%dma_start3A_6 : memref<80xi32, #tpu.memory_space<hbm>>) target(%arg13 : memref<80xi32, #tpu.memory_space<vmem>>) target_semaphore(%arg21 : memref<!tpu.dma_semaphore, #tpu.memory_space<semaphore_mem>>)
    %add3A_7 = arith.constant 80 : i32
    %add3A_8 = arith.addi %multiple_of3A, %add3A_7 : i32
    %multiple_of3A_9 = tpu.assume_multiple %add3A_8, 8 : i32
    %dma_start3A_10 = tpu.memref_slice %arg4[%multiple_of3A_9] : memref<320000xi32, #tpu.memory_space<hbm>> -> memref<80xi32, #tpu.memory_space<hbm>>
    %dma_start3A_11 = tpu.memref_slice %arg4[%multiple_of3A_9] : memref<320000xi32, #tpu.memory_space<hbm>> -> memref<80xi32, #tpu.memory_space<hbm>>
    tpu.enqueue_dma source(%dma_start3A_11 : memref<80xi32, #tpu.memory_space<hbm>>) target(%arg14 : memref<80xi32, #tpu.memory_space<vmem>>) target_semaphore(%arg21 : memref<!tpu.dma_semaphore, #tpu.memory_space<semaphore_mem>>)
    %add3A_12 = arith.constant 0 : i32
    %add3A_13 = arith.addi %multiple_of3A, %add3A_12 : i32
    %multiple_of3A_14 = tpu.assume_multiple %add3A_13, 8 : i32
    %dma_start3A_15 = tpu.memref_slice %arg5[%multiple_of3A_14] : memref<320000xi32, #tpu.memory_space<hbm>> -> memref<80xi32, #tpu.memory_space<hbm>>
    %dma_start3A_16 = tpu.memref_slice %arg5[%multiple_of3A_14] : memref<320000xi32, #tpu.memory_space<hbm>> -> memref<80xi32, #tpu.memory_space<hbm>>
    tpu.enqueue_dma source(%dma_start3A_16 : memref<80xi32, #tpu.memory_space<hbm>>) target(%arg17 : memref<80xi32, #tpu.memory_space<vmem>>) target_semaphore(%arg23 : memref<!tpu.dma_semaphore, #tpu.memory_space<semaphore_mem>>)
    %add3A_17 = arith.constant 80 : i32
    %add3A_18 = arith.addi %multiple_of3A, %add3A_17 : i32
    %multiple_of3A_19 = tpu.assume_multiple %add3A_18, 8 : i32
    %dma_start3A_20 = tpu.memref_slice %arg5[%multiple_of3A_19] : memref<320000xi32, #tpu.memory_space<hbm>> -> memref<80xi32, #tpu.memory_space<hbm>>
    %dma_start3A_21 = tpu.memref_slice %arg5[%multiple_of3A_19] : memref<320000xi32, #tpu.memory_space<hbm>> -> memref<80xi32, #tpu.memory_space<hbm>>
    tpu.enqueue_dma source(%dma_start3A_21 : memref<80xi32, #tpu.memory_space<hbm>>) target(%arg18 : memref<80xi32, #tpu.memory_space<vmem>>) target_semaphore(%arg23 : memref<!tpu.dma_semaphore, #tpu.memory_space<semaphore_mem>>)
    %add3A_22 = arith.constant 160 : i32
    %add3A_23 = arith.addi %multiple_of3A, %add3A_22 : i32
    %multiple_of3A_24 = tpu.assume_multiple %add3A_23, 8 : i32
    %dma_start3A_25 = tpu.memref_slice %arg4[%multiple_of3A_24] : memref<320000xi32, #tpu.memory_space<hbm>> -> memref<80xi32, #tpu.memory_space<hbm>>
    %dma_start3A_26 = tpu.memref_slice %arg4[%multiple_of3A_24] : memref<320000xi32, #tpu.memory_space<hbm>> -> memref<80xi32, #tpu.memory_space<hbm>>
    tpu.enqueue_dma source(%dma_start3A_26 : memref<80xi32, #tpu.memory_space<hbm>>) target(%arg15 : memref<80xi32, #tpu.memory_space<vmem>>) target_semaphore(%arg22 : memref<!tpu.dma_semaphore, #tpu.memory_space<semaphore_mem>>)
    %add3A_27 = arith.constant 240 : i32
    %add3A_28 = arith.addi %multiple_of3A, %add3A_27 : i32
    %multiple_of3A_29 = tpu.assume_multiple %add3A_28, 8 : i32
    %dma_start3A_30 = tpu.memref_slice %arg4[%multiple_of3A_29] : memref<320000xi32, #tpu.memory_space<hbm>> -> memref<80xi32, #tpu.memory_space<hbm>>
    %dma_start3A_31 = tpu.memref_slice %arg4[%multiple_of3A_29] : memref<320000xi32, #tpu.memory_space<hbm>> -> memref<80xi32, #tpu.memory_space<hbm>>
    tpu.enqueue_dma source(%dma_start3A_31 : memref<80xi32, #tpu.memory_space<hbm>>) target(%arg16 : memref<80xi32, #tpu.memory_space<vmem>>) target_semaphore(%arg22 : memref<!tpu.dma_semaphore, #tpu.memory_space<semaphore_mem>>)
    %mul3A_32 = arith.constant 640 : i32
    %mul3A_33 = arith.muli %arg1, %mul3A_32 : i32
    %multiple_of3A_34 = tpu.assume_multiple %mul3A_33, 8 : i32
    %eq3A = arith.constant 0 : i32
    %eq3A_35 = arith.cmpi eq, %arg0, %eq3A : i32
    %convert_element_type3A = arith.extui %eq3A_35 : i1 to i32
    %cond3A = arith.constant 0 : i32
    %cond3A_36 = arith.cmpi ne, %convert_element_type3A, %cond3A : i32
    scf.if %cond3A_36 {
      "tpu.region"() ({
        %run_scoped3A = tpu.sem_alloc : memref<!tpu.dma_semaphore, #tpu.memory_space<semaphore_mem>>
        %dma_start3A_95 = arith.constant 0 : i32
        %dma_start3A_96 = tpu.memref_slice %arg8[%multiple_of3A_34, %dma_start3A_95] : memref<10240x128xf32, #tpu.memory_space<vmem_shared>> -> memref<640x128xf32, #tpu.memory_space<vmem_shared>>
        %dma_start3A_97 = arith.constant 0 : i32
        %dma_start3A_98 = tpu.memref_slice %arg2[%multiple_of3A_34, %dma_start3A_97] : memref<10240x128xf32, #tpu.memory_space<hbm>> -> memref<640x128xf32, #tpu.memory_space<hbm>>
        tpu.enqueue_dma source(%dma_start3A_98 : memref<640x128xf32, #tpu.memory_space<hbm>>) target(%dma_start3A_96 : memref<640x128xf32, #tpu.memory_space<vmem_shared>>) target_semaphore(%run_scoped3A : memref<!tpu.dma_semaphore, #tpu.memory_space<semaphore_mem>>)
        %dma_wait3A_99 = arith.constant 0 : i32
        %dma_wait3A_100 = tpu.memref_slice %arg8[%multiple_of3A_34, %dma_wait3A_99] : memref<10240x128xf32, #tpu.memory_space<vmem_shared>> -> memref<640x128xf32, #tpu.memory_space<vmem_shared>>
        %dma_wait3A_101 = arith.constant 0 : i32
        %dma_wait3A_102 = tpu.memref_slice %arg2[%multiple_of3A_34, %dma_wait3A_101] : memref<10240x128xf32, #tpu.memory_space<hbm>> -> memref<640x128xf32, #tpu.memory_space<hbm>>
        tpu.wait_dma2 semaphore(%run_scoped3A : memref<!tpu.dma_semaphore, #tpu.memory_space<semaphore_mem>>) src(%dma_wait3A_102 : memref<640x128xf32, #tpu.memory_space<hbm>>) dst(%dma_wait3A_100 : memref<640x128xf32, #tpu.memory_space<vmem_shared>>)
        tpu.yield
      }) : () -> ()
    } else {
    }
    %eq3A_37 = arith.constant 1 : i32
    %eq3A_38 = arith.cmpi eq, %arg0, %eq3A_37 : i32
    %convert_element_type3A_39 = arith.extui %eq3A_38 : i1 to i32
    %cond3A_40 = arith.constant 0 : i32
    %cond3A_41 = arith.cmpi ne, %convert_element_type3A_39, %cond3A_40 : i32
    scf.if %cond3A_41 {
      "tpu.region"() ({
        %run_scoped3A = tpu.sem_alloc : memref<!tpu.dma_semaphore, #tpu.memory_space<semaphore_mem>>
        %dma_start3A_95 = arith.constant 0 : i32
        %dma_start3A_96 = tpu.memref_slice %arg8[%multiple_of3A_34, %dma_start3A_95] : memref<10240x128xf32, #tpu.memory_space<vmem_shared>> -> memref<640x128xf32, #tpu.memory_space<vmem_shared>>
        %dma_start3A_97 = arith.constant 0 : i32
        %dma_start3A_98 = tpu.memref_slice %arg3[%multiple_of3A_34, %dma_start3A_97] : memref<10240x128xf32, #tpu.memory_space<hbm>> -> memref<640x128xf32, #tpu.memory_space<hbm>>
        tpu.enqueue_dma source(%dma_start3A_98 : memref<640x128xf32, #tpu.memory_space<hbm>>) target(%dma_start3A_96 : memref<640x128xf32, #tpu.memory_space<vmem_shared>>) target_semaphore(%run_scoped3A : memref<!tpu.dma_semaphore, #tpu.memory_space<semaphore_mem>>)
        %dma_wait3A_99 = arith.constant 0 : i32
        %dma_wait3A_100 = tpu.memref_slice %arg8[%multiple_of3A_34, %dma_wait3A_99] : memref<10240x128xf32, #tpu.memory_space<vmem_shared>> -> memref<640x128xf32, #tpu.memory_space<vmem_shared>>
        %dma_wait3A_101 = arith.constant 0 : i32
        %dma_wait3A_102 = tpu.memref_slice %arg3[%multiple_of3A_34, %dma_wait3A_101] : memref<10240x128xf32, #tpu.memory_space<hbm>> -> memref<640x128xf32, #tpu.memory_space<hbm>>
        tpu.wait_dma2 semaphore(%run_scoped3A : memref<!tpu.dma_semaphore, #tpu.memory_space<semaphore_mem>>) src(%dma_wait3A_102 : memref<640x128xf32, #tpu.memory_space<hbm>>) dst(%dma_wait3A_100 : memref<640x128xf32, #tpu.memory_space<vmem_shared>>)
        tpu.yield
      }) : () -> ()
    } else {
    }
    %barrier3A = arith.constant 0 : index
    tpu.barrier barrier_id(%barrier3A)
    %add3A_42 = arith.constant 0 : i32
    %add3A_43 = arith.addi %multiple_of3A, %add3A_42 : i32
    %multiple_of3A_44 = tpu.assume_multiple %add3A_43, 8 : i32
    %dma_wait3A = tpu.memref_slice %arg4[%multiple_of3A_44] : memref<320000xi32, #tpu.memory_space<hbm>> -> memref<80xi32, #tpu.memory_space<hbm>>
    %dma_wait3A_45 = tpu.memref_slice %arg4[%multiple_of3A_44] : memref<320000xi32, #tpu.memory_space<hbm>> -> memref<80xi32, #tpu.memory_space<hbm>>
    tpu.wait_dma2 semaphore(%arg21 : memref<!tpu.dma_semaphore, #tpu.memory_space<semaphore_mem>>) src(%dma_wait3A_45 : memref<80xi32, #tpu.memory_space<hbm>>) dst(%arg13 : memref<80xi32, #tpu.memory_space<vmem>>)
    %add3A_46 = arith.constant 80 : i32
    %add3A_47 = arith.addi %multiple_of3A, %add3A_46 : i32
    %multiple_of3A_48 = tpu.assume_multiple %add3A_47, 8 : i32
    %dma_wait3A_49 = tpu.memref_slice %arg4[%multiple_of3A_48] : memref<320000xi32, #tpu.memory_space<hbm>> -> memref<80xi32, #tpu.memory_space<hbm>>
    %dma_wait3A_50 = tpu.memref_slice %arg4[%multiple_of3A_48] : memref<320000xi32, #tpu.memory_space<hbm>> -> memref<80xi32, #tpu.memory_space<hbm>>
    tpu.wait_dma2 semaphore(%arg21 : memref<!tpu.dma_semaphore, #tpu.memory_space<semaphore_mem>>) src(%dma_wait3A_50 : memref<80xi32, #tpu.memory_space<hbm>>) dst(%arg14 : memref<80xi32, #tpu.memory_space<vmem>>)
    %dma_start3A_51 = arith.constant 0 : i32
    %dma_start3A_52 = arith.constant 0 : i32
    %dma_start3A_53 = tpu.memref_slice %arg2[%dma_start3A_51, %dma_start3A_52] : memref<10240x128xf32, #tpu.memory_space<hbm>> -> memref<10240x128xf32, #tpu.memory_space<hbm>>
    tpu.enqueue_indirect_dma source(%dma_start3A_53 : memref<10240x128xf32, #tpu.memory_space<hbm>>) target(%arg9 : memref<80x128xf32, #tpu.memory_space<vmem>>) offsets(%arg13 : memref<80xi32, #tpu.memory_space<vmem>>) semaphore(%arg25 : memref<!tpu.dma_semaphore, #tpu.memory_space<semaphore_mem>>)
    %dma_start3A_54 = arith.constant 0 : i32
    %dma_start3A_55 = arith.constant 0 : i32
    %dma_start3A_56 = tpu.memref_slice %arg2[%dma_start3A_54, %dma_start3A_55] : memref<10240x128xf32, #tpu.memory_space<hbm>> -> memref<10240x128xf32, #tpu.memory_space<hbm>>
    tpu.enqueue_indirect_dma source(%dma_start3A_56 : memref<10240x128xf32, #tpu.memory_space<hbm>>) target(%arg10 : memref<80x128xf32, #tpu.memory_space<vmem>>) offsets(%arg14 : memref<80xi32, #tpu.memory_space<vmem>>) semaphore(%arg25 : memref<!tpu.dma_semaphore, #tpu.memory_space<semaphore_mem>>)
    %scan3A = arith.constant 0 : i32
    %scan3A_57 = arith.constant 0 : i32
    %scan3A_58 = arith.constant 62 : i32
    %scan3A_59 = arith.addi %scan3A_57, %scan3A_58 : i32
    %scan3A_60 = arith.constant 1 : i32
    %scan3A_61 = scf.for %scan3A_95 = %scan3A_57 to %scan3A_59 step %scan3A_60 iter_args(%scan3A_96 = %scan3A) -> (i32)  : i32 {
      %jit3A = arith.constant 2 : i32
      %eq3A_97 = arith.constant 0 : i32
      %eq3A_98 = arith.cmpi eq, %jit3A, %eq3A_97 : i32
      %jit3A_99 = arith.constant 1 : i32
      %select_n3A = arith.select %eq3A_98, %jit3A_99, %jit3A : i32
      %rem3A = arith.remsi %scan3A_95, %select_n3A : i32
      %ne3A = arith.constant 0 : i32
      %ne3A_100 = arith.cmpi ne, %rem3A, %ne3A : i32
      %lt3A = arith.constant 0 : i32
      %lt3A_101 = arith.cmpi slt, %rem3A, %lt3A : i32
      %lt3A_102 = arith.constant 0 : i32
      %lt3A_103 = arith.cmpi slt, %select_n3A, %lt3A_102 : i32
      %ne3A_104 = arith.xori %lt3A_101, %lt3A_103 : i1
      %and3A = arith.andi %ne3A_104, %ne3A_100 : i1
      %add3A_105 = arith.addi %rem3A, %select_n3A : i32
      %select_n3A_106 = arith.select %and3A, %add3A_105, %rem3A : i32
      %eq3A_107 = arith.constant 0 : i32
      %eq3A_108 = arith.cmpi eq, %select_n3A_106, %eq3A_107 : i32
      %convert_element_type3A_109 = arith.extui %eq3A_108 : i1 to i32
      %cond3A_110 = arith.constant 0 : i32
      %cond3A_111 = arith.cmpi ne, %convert_element_type3A_109, %cond3A_110 : i32
      scf.if %cond3A_111 {
        %add3A_134 = arith.constant 1 : i32
        %add3A_135 = arith.addi %scan3A_95, %add3A_134 : i32
        %lt3A_136 = arith.constant 62 : i32
        %lt3A_137 = arith.cmpi slt, %add3A_135, %lt3A_136 : i32
        %convert_element_type3A_138 = arith.extui %lt3A_137 : i1 to i32
        %cond3A_139 = arith.constant 0 : i32
        %cond3A_140 = arith.cmpi ne, %convert_element_type3A_138, %cond3A_139 : i32
        scf.if %cond3A_140 {
          %ge3A = arith.constant 1 : i32
          %ge3A_180 = arith.cmpi sge, %scan3A_95, %ge3A : i32
          %convert_element_type3A_181 = arith.extui %ge3A_180 : i1 to i32
          %cond3A_182 = arith.constant 0 : i32
          %cond3A_183 = arith.cmpi ne, %convert_element_type3A_181, %cond3A_182 : i32
          scf.if %cond3A_183 {
            %dma_wait3A_234 = arith.constant 0 : i32
            %dma_wait3A_235 = arith.constant 0 : i32
            %dma_wait3A_236 = tpu.memref_slice %arg8[%dma_wait3A_234, %dma_wait3A_235] : memref<10240x128xf32, #tpu.memory_space<vmem_shared>> -> memref<10240x128xf32, #tpu.memory_space<vmem_shared>>
            tpu.wait_indirect_dma semaphore(%arg28 : memref<!tpu.dma_semaphore, #tpu.memory_space<semaphore_mem>>) src(%arg11 : memref<80x128xf32, #tpu.memory_space<vmem>>) dst(%dma_wait3A_236 : memref<10240x128xf32, #tpu.memory_space<vmem_shared>>)
            %dma_wait3A_237 = arith.constant 0 : i32
            %dma_wait3A_238 = arith.constant 0 : i32
            %dma_wait3A_239 = tpu.memref_slice %arg8[%dma_wait3A_237, %dma_wait3A_238] : memref<10240x128xf32, #tpu.memory_space<vmem_shared>> -> memref<10240x128xf32, #tpu.memory_space<vmem_shared>>
            tpu.wait_indirect_dma semaphore(%arg28 : memref<!tpu.dma_semaphore, #tpu.memory_space<semaphore_mem>>) src(%arg12 : memref<80x128xf32, #tpu.memory_space<vmem>>) dst(%dma_wait3A_239 : memref<10240x128xf32, #tpu.memory_space<vmem_shared>>)
          } else {
          }
          %add3A_184 = arith.constant 1 : i32
          %add3A_185 = arith.addi %scan3A_95, %add3A_184 : i32
          %mul3A_186 = arith.constant 2 : i32
          %mul3A_187 = arith.muli %add3A_185, %mul3A_186 : i32
          %add3A_188 = arith.constant 0 : i32
          %add3A_189 = arith.addi %mul3A_187, %add3A_188 : i32
          %mul3A_190 = arith.constant 80 : i32
          %mul3A_191 = arith.muli %add3A_189, %mul3A_190 : i32
          %add3A_192 = arith.addi %multiple_of3A, %mul3A_191 : i32
          %multiple_of3A_193 = tpu.assume_multiple %add3A_192, 8 : i32
          %dma_start3A_194 = tpu.memref_slice %arg5[%multiple_of3A_193] : memref<320000xi32, #tpu.memory_space<hbm>> -> memref<80xi32, #tpu.memory_space<hbm>>
          %dma_start3A_195 = tpu.memref_slice %arg5[%multiple_of3A_193] : memref<320000xi32, #tpu.memory_space<hbm>> -> memref<80xi32, #tpu.memory_space<hbm>>
          tpu.enqueue_dma source(%dma_start3A_195 : memref<80xi32, #tpu.memory_space<hbm>>) target(%arg19 : memref<80xi32, #tpu.memory_space<vmem>>) target_semaphore(%arg24 : memref<!tpu.dma_semaphore, #tpu.memory_space<semaphore_mem>>)
          %mul3A_196 = arith.constant 2 : i32
          %mul3A_197 = arith.muli %add3A_185, %mul3A_196 : i32
          %add3A_198 = arith.constant 1 : i32
          %add3A_199 = arith.addi %mul3A_197, %add3A_198 : i32
          %mul3A_200 = arith.constant 80 : i32
          %mul3A_201 = arith.muli %add3A_199, %mul3A_200 : i32
          %add3A_202 = arith.addi %multiple_of3A, %mul3A_201 : i32
          %multiple_of3A_203 = tpu.assume_multiple %add3A_202, 8 : i32
          %dma_start3A_204 = tpu.memref_slice %arg5[%multiple_of3A_203] : memref<320000xi32, #tpu.memory_space<hbm>> -> memref<80xi32, #tpu.memory_space<hbm>>
          %dma_start3A_205 = tpu.memref_slice %arg5[%multiple_of3A_203] : memref<320000xi32, #tpu.memory_space<hbm>> -> memref<80xi32, #tpu.memory_space<hbm>>
          tpu.enqueue_dma source(%dma_start3A_205 : memref<80xi32, #tpu.memory_space<hbm>>) target(%arg20 : memref<80xi32, #tpu.memory_space<vmem>>) target_semaphore(%arg24 : memref<!tpu.dma_semaphore, #tpu.memory_space<semaphore_mem>>)
          %add3A_206 = arith.constant 1 : i32
          %add3A_207 = arith.addi %scan3A_95, %add3A_206 : i32
          %mul3A_208 = arith.constant 2 : i32
          %mul3A_209 = arith.muli %add3A_207, %mul3A_208 : i32
          %add3A_210 = arith.constant 0 : i32
          %add3A_211 = arith.addi %mul3A_209, %add3A_210 : i32
          %mul3A_212 = arith.constant 80 : i32
          %mul3A_213 = arith.muli %add3A_211, %mul3A_212 : i32
          %add3A_214 = arith.addi %multiple_of3A, %mul3A_213 : i32
          %multiple_of3A_215 = tpu.assume_multiple %add3A_214, 8 : i32
          %dma_wait3A_216 = tpu.memref_slice %arg4[%multiple_of3A_215] : memref<320000xi32, #tpu.memory_space<hbm>> -> memref<80xi32, #tpu.memory_space<hbm>>
          %dma_wait3A_217 = tpu.memref_slice %arg4[%multiple_of3A_215] : memref<320000xi32, #tpu.memory_space<hbm>> -> memref<80xi32, #tpu.memory_space<hbm>>
          tpu.wait_dma2 semaphore(%arg22 : memref<!tpu.dma_semaphore, #tpu.memory_space<semaphore_mem>>) src(%dma_wait3A_217 : memref<80xi32, #tpu.memory_space<hbm>>) dst(%arg15 : memref<80xi32, #tpu.memory_space<vmem>>)
          %mul3A_218 = arith.constant 2 : i32
          %mul3A_219 = arith.muli %add3A_207, %mul3A_218 : i32
          %add3A_220 = arith.constant 1 : i32
          %add3A_221 = arith.addi %mul3A_219, %add3A_220 : i32
          %mul3A_222 = arith.constant 80 : i32
          %mul3A_223 = arith.muli %add3A_221, %mul3A_222 : i32
          %add3A_224 = arith.addi %multiple_of3A, %mul3A_223 : i32
          %multiple_of3A_225 = tpu.assume_multiple %add3A_224, 8 : i32
          %dma_wait3A_226 = tpu.memref_slice %arg4[%multiple_of3A_225] : memref<320000xi32, #tpu.memory_space<hbm>> -> memref<80xi32, #tpu.memory_space<hbm>>
          %dma_wait3A_227 = tpu.memref_slice %arg4[%multiple_of3A_225] : memref<320000xi32, #tpu.memory_space<hbm>> -> memref<80xi32, #tpu.memory_space<hbm>>
          tpu.wait_dma2 semaphore(%arg22 : memref<!tpu.dma_semaphore, #tpu.memory_space<semaphore_mem>>) src(%dma_wait3A_227 : memref<80xi32, #tpu.memory_space<hbm>>) dst(%arg16 : memref<80xi32, #tpu.memory_space<vmem>>)
          %dma_start3A_228 = arith.constant 0 : i32
          %dma_start3A_229 = arith.constant 0 : i32
          %dma_start3A_230 = tpu.memref_slice %arg2[%dma_start3A_228, %dma_start3A_229] : memref<10240x128xf32, #tpu.memory_space<hbm>> -> memref<10240x128xf32, #tpu.memory_space<hbm>>
          tpu.enqueue_indirect_dma source(%dma_start3A_230 : memref<10240x128xf32, #tpu.memory_space<hbm>>) target(%arg11 : memref<80x128xf32, #tpu.memory_space<vmem>>) offsets(%arg15 : memref<80xi32, #tpu.memory_space<vmem>>) semaphore(%arg26 : memref<!tpu.dma_semaphore, #tpu.memory_space<semaphore_mem>>)
          %dma_start3A_231 = arith.constant 0 : i32
          %dma_start3A_232 = arith.constant 0 : i32
          %dma_start3A_233 = tpu.memref_slice %arg2[%dma_start3A_231, %dma_start3A_232] : memref<10240x128xf32, #tpu.memory_space<hbm>> -> memref<10240x128xf32, #tpu.memory_space<hbm>>
          tpu.enqueue_indirect_dma source(%dma_start3A_233 : memref<10240x128xf32, #tpu.memory_space<hbm>>) target(%arg12 : memref<80x128xf32, #tpu.memory_space<vmem>>) offsets(%arg16 : memref<80xi32, #tpu.memory_space<vmem>>) semaphore(%arg26 : memref<!tpu.dma_semaphore, #tpu.memory_space<semaphore_mem>>)
        } else {
        }
        %dma_wait3A_141 = arith.constant 0 : i32
        %dma_wait3A_142 = arith.constant 0 : i32
        %dma_wait3A_143 = tpu.memref_slice %arg2[%dma_wait3A_141, %dma_wait3A_142] : memref<10240x128xf32, #tpu.memory_space<hbm>> -> memref<10240x128xf32, #tpu.memory_space<hbm>>
        tpu.wait_indirect_dma semaphore(%arg25 : memref<!tpu.dma_semaphore, #tpu.memory_space<semaphore_mem>>) src(%dma_wait3A_143 : memref<10240x128xf32, #tpu.memory_space<hbm>>) dst(%arg9 : memref<80x128xf32, #tpu.memory_space<vmem>>)
        %dma_wait3A_144 = arith.constant 0 : i32
        %dma_wait3A_145 = arith.constant 0 : i32
        %dma_wait3A_146 = tpu.memref_slice %arg2[%dma_wait3A_144, %dma_wait3A_145] : memref<10240x128xf32, #tpu.memory_space<hbm>> -> memref<10240x128xf32, #tpu.memory_space<hbm>>
        tpu.wait_indirect_dma semaphore(%arg25 : memref<!tpu.dma_semaphore, #tpu.memory_space<semaphore_mem>>) src(%dma_wait3A_146 : memref<10240x128xf32, #tpu.memory_space<hbm>>) dst(%arg10 : memref<80x128xf32, #tpu.memory_space<vmem>>)
        %add3A_147 = arith.constant 2 : i32
        %add3A_148 = arith.addi %scan3A_95, %add3A_147 : i32
        %lt3A_149 = arith.constant 62 : i32
        %lt3A_150 = arith.cmpi slt, %add3A_148, %lt3A_149 : i32
        %convert_element_type3A_151 = arith.extui %lt3A_150 : i1 to i32
        %cond3A_152 = arith.constant 0 : i32
        %cond3A_153 = arith.cmpi ne, %convert_element_type3A_151, %cond3A_152 : i32
        scf.if %cond3A_153 {
          %add3A_180 = arith.constant 2 : i32
          %add3A_181 = arith.addi %scan3A_95, %add3A_180 : i32
          %mul3A_182 = arith.constant 2 : i32
          %mul3A_183 = arith.muli %add3A_181, %mul3A_182 : i32
          %add3A_184 = arith.constant 0 : i32
          %add3A_185 = arith.addi %mul3A_183, %add3A_184 : i32
          %mul3A_186 = arith.constant 80 : i32
          %mul3A_187 = arith.muli %add3A_185, %mul3A_186 : i32
          %add3A_188 = arith.addi %multiple_of3A, %mul3A_187 : i32
          %multiple_of3A_189 = tpu.assume_multiple %add3A_188, 8 : i32
          %dma_start3A_190 = tpu.memref_slice %arg4[%multiple_of3A_189] : memref<320000xi32, #tpu.memory_space<hbm>> -> memref<80xi32, #tpu.memory_space<hbm>>
          %dma_start3A_191 = tpu.memref_slice %arg4[%multiple_of3A_189] : memref<320000xi32, #tpu.memory_space<hbm>> -> memref<80xi32, #tpu.memory_space<hbm>>
          tpu.enqueue_dma source(%dma_start3A_191 : memref<80xi32, #tpu.memory_space<hbm>>) target(%arg13 : memref<80xi32, #tpu.memory_space<vmem>>) target_semaphore(%arg21 : memref<!tpu.dma_semaphore, #tpu.memory_space<semaphore_mem>>)
          %mul3A_192 = arith.constant 2 : i32
          %mul3A_193 = arith.muli %add3A_181, %mul3A_192 : i32
          %add3A_194 = arith.constant 1 : i32
          %add3A_195 = arith.addi %mul3A_193, %add3A_194 : i32
          %mul3A_196 = arith.constant 80 : i32
          %mul3A_197 = arith.muli %add3A_195, %mul3A_196 : i32
          %add3A_198 = arith.addi %multiple_of3A, %mul3A_197 : i32
          %multiple_of3A_199 = tpu.assume_multiple %add3A_198, 8 : i32
          %dma_start3A_200 = tpu.memref_slice %arg4[%multiple_of3A_199] : memref<320000xi32, #tpu.memory_space<hbm>> -> memref<80xi32, #tpu.memory_space<hbm>>
          %dma_start3A_201 = tpu.memref_slice %arg4[%multiple_of3A_199] : memref<320000xi32, #tpu.memory_space<hbm>> -> memref<80xi32, #tpu.memory_space<hbm>>
          tpu.enqueue_dma source(%dma_start3A_201 : memref<80xi32, #tpu.memory_space<hbm>>) target(%arg14 : memref<80xi32, #tpu.memory_space<vmem>>) target_semaphore(%arg21 : memref<!tpu.dma_semaphore, #tpu.memory_space<semaphore_mem>>)
        } else {
        }
        %mul3A_154 = arith.constant 2 : i32
        %mul3A_155 = arith.muli %scan3A_95, %mul3A_154 : i32
        %add3A_156 = arith.constant 0 : i32
        %add3A_157 = arith.addi %mul3A_155, %add3A_156 : i32
        %mul3A_158 = arith.constant 80 : i32
        %mul3A_159 = arith.muli %add3A_157, %mul3A_158 : i32
        %add3A_160 = arith.addi %multiple_of3A, %mul3A_159 : i32
        %multiple_of3A_161 = tpu.assume_multiple %add3A_160, 8 : i32
        %dma_wait3A_162 = tpu.memref_slice %arg5[%multiple_of3A_161] : memref<320000xi32, #tpu.memory_space<hbm>> -> memref<80xi32, #tpu.memory_space<hbm>>
        %dma_wait3A_163 = tpu.memref_slice %arg5[%multiple_of3A_161] : memref<320000xi32, #tpu.memory_space<hbm>> -> memref<80xi32, #tpu.memory_space<hbm>>
        tpu.wait_dma2 semaphore(%arg23 : memref<!tpu.dma_semaphore, #tpu.memory_space<semaphore_mem>>) src(%dma_wait3A_163 : memref<80xi32, #tpu.memory_space<hbm>>) dst(%arg17 : memref<80xi32, #tpu.memory_space<vmem>>)
        %mul3A_164 = arith.constant 2 : i32
        %mul3A_165 = arith.muli %scan3A_95, %mul3A_164 : i32
        %add3A_166 = arith.constant 1 : i32
        %add3A_167 = arith.addi %mul3A_165, %add3A_166 : i32
        %mul3A_168 = arith.constant 80 : i32
        %mul3A_169 = arith.muli %add3A_167, %mul3A_168 : i32
        %add3A_170 = arith.addi %multiple_of3A, %mul3A_169 : i32
        %multiple_of3A_171 = tpu.assume_multiple %add3A_170, 8 : i32
        %dma_wait3A_172 = tpu.memref_slice %arg5[%multiple_of3A_171] : memref<320000xi32, #tpu.memory_space<hbm>> -> memref<80xi32, #tpu.memory_space<hbm>>
        %dma_wait3A_173 = tpu.memref_slice %arg5[%multiple_of3A_171] : memref<320000xi32, #tpu.memory_space<hbm>> -> memref<80xi32, #tpu.memory_space<hbm>>
        tpu.wait_dma2 semaphore(%arg23 : memref<!tpu.dma_semaphore, #tpu.memory_space<semaphore_mem>>) src(%dma_wait3A_173 : memref<80xi32, #tpu.memory_space<hbm>>) dst(%arg18 : memref<80xi32, #tpu.memory_space<vmem>>)
        %dma_start3A_174 = arith.constant 0 : i32
        %dma_start3A_175 = arith.constant 0 : i32
        %dma_start3A_176 = tpu.memref_slice %arg8[%dma_start3A_174, %dma_start3A_175] : memref<10240x128xf32, #tpu.memory_space<vmem_shared>> -> memref<10240x128xf32, #tpu.memory_space<vmem_shared>>
        tpu.enqueue_indirect_dma source(%arg9 : memref<80x128xf32, #tpu.memory_space<vmem>>) target(%dma_start3A_176 : memref<10240x128xf32, #tpu.memory_space<vmem_shared>>) offsets(%arg17 : memref<80xi32, #tpu.memory_space<vmem>>) semaphore(%arg27 : memref<!tpu.dma_semaphore, #tpu.memory_space<semaphore_mem>>) {add = true}
        %dma_start3A_177 = arith.constant 0 : i32
        %dma_start3A_178 = arith.constant 0 : i32
        %dma_start3A_179 = tpu.memref_slice %arg8[%dma_start3A_177, %dma_start3A_178] : memref<10240x128xf32, #tpu.memory_space<vmem_shared>> -> memref<10240x128xf32, #tpu.memory_space<vmem_shared>>
        tpu.enqueue_indirect_dma source(%arg10 : memref<80x128xf32, #tpu.memory_space<vmem>>) target(%dma_start3A_179 : memref<10240x128xf32, #tpu.memory_space<vmem_shared>>) offsets(%arg18 : memref<80xi32, #tpu.memory_space<vmem>>) semaphore(%arg27 : memref<!tpu.dma_semaphore, #tpu.memory_space<semaphore_mem>>) {add = true}
      } else {
      }
      %jit3A_112 = arith.constant 2 : i32
      %eq3A_113 = arith.constant 0 : i32
      %eq3A_114 = arith.cmpi eq, %jit3A_112, %eq3A_113 : i32
      %jit3A_115 = arith.constant 1 : i32
      %select_n3A_116 = arith.select %eq3A_114, %jit3A_115, %jit3A_112 : i32
      %rem3A_117 = arith.remsi %scan3A_95, %select_n3A_116 : i32
      %ne3A_118 = arith.constant 0 : i32
      %ne3A_119 = arith.cmpi ne, %rem3A_117, %ne3A_118 : i32
      %lt3A_120 = arith.constant 0 : i32
      %lt3A_121 = arith.cmpi slt, %rem3A_117, %lt3A_120 : i32
      %lt3A_122 = arith.constant 0 : i32
      %lt3A_123 = arith.cmpi slt, %select_n3A_116, %lt3A_122 : i32
      %ne3A_124 = arith.xori %lt3A_121, %lt3A_123 : i1
      %and3A_125 = arith.andi %ne3A_124, %ne3A_119 : i1
      %add3A_126 = arith.addi %rem3A_117, %select_n3A_116 : i32
      %select_n3A_127 = arith.select %and3A_125, %add3A_126, %rem3A_117 : i32
      %eq3A_128 = arith.constant 1 : i32
      %eq3A_129 = arith.cmpi eq, %select_n3A_127, %eq3A_128 : i32
      %convert_element_type3A_130 = arith.extui %eq3A_129 : i1 to i32
      %cond3A_131 = arith.constant 0 : i32
      %cond3A_132 = arith.cmpi ne, %convert_element_type3A_130, %cond3A_131 : i32
      scf.if %cond3A_132 {
        %add3A_134 = arith.constant 1 : i32
        %add3A_135 = arith.addi %scan3A_95, %add3A_134 : i32
        %lt3A_136 = arith.constant 62 : i32
        %lt3A_137 = arith.cmpi slt, %add3A_135, %lt3A_136 : i32
        %convert_element_type3A_138 = arith.extui %lt3A_137 : i1 to i32
        %cond3A_139 = arith.constant 0 : i32
        %cond3A_140 = arith.cmpi ne, %convert_element_type3A_138, %cond3A_139 : i32
        scf.if %cond3A_140 {
          %ge3A = arith.constant 1 : i32
          %ge3A_180 = arith.cmpi sge, %scan3A_95, %ge3A : i32
          %convert_element_type3A_181 = arith.extui %ge3A_180 : i1 to i32
          %cond3A_182 = arith.constant 0 : i32
          %cond3A_183 = arith.cmpi ne, %convert_element_type3A_181, %cond3A_182 : i32
          scf.if %cond3A_183 {
            %dma_wait3A_234 = arith.constant 0 : i32
            %dma_wait3A_235 = arith.constant 0 : i32
            %dma_wait3A_236 = tpu.memref_slice %arg8[%dma_wait3A_234, %dma_wait3A_235] : memref<10240x128xf32, #tpu.memory_space<vmem_shared>> -> memref<10240x128xf32, #tpu.memory_space<vmem_shared>>
            tpu.wait_indirect_dma semaphore(%arg27 : memref<!tpu.dma_semaphore, #tpu.memory_space<semaphore_mem>>) src(%arg9 : memref<80x128xf32, #tpu.memory_space<vmem>>) dst(%dma_wait3A_236 : memref<10240x128xf32, #tpu.memory_space<vmem_shared>>)
            %dma_wait3A_237 = arith.constant 0 : i32
            %dma_wait3A_238 = arith.constant 0 : i32
            %dma_wait3A_239 = tpu.memref_slice %arg8[%dma_wait3A_237, %dma_wait3A_238] : memref<10240x128xf32, #tpu.memory_space<vmem_shared>> -> memref<10240x128xf32, #tpu.memory_space<vmem_shared>>
            tpu.wait_indirect_dma semaphore(%arg27 : memref<!tpu.dma_semaphore, #tpu.memory_space<semaphore_mem>>) src(%arg10 : memref<80x128xf32, #tpu.memory_space<vmem>>) dst(%dma_wait3A_239 : memref<10240x128xf32, #tpu.memory_space<vmem_shared>>)
          } else {
          }
          %add3A_184 = arith.constant 1 : i32
          %add3A_185 = arith.addi %scan3A_95, %add3A_184 : i32
          %mul3A_186 = arith.constant 2 : i32
          %mul3A_187 = arith.muli %add3A_185, %mul3A_186 : i32
          %add3A_188 = arith.constant 0 : i32
          %add3A_189 = arith.addi %mul3A_187, %add3A_188 : i32
          %mul3A_190 = arith.constant 80 : i32
          %mul3A_191 = arith.muli %add3A_189, %mul3A_190 : i32
          %add3A_192 = arith.addi %multiple_of3A, %mul3A_191 : i32
          %multiple_of3A_193 = tpu.assume_multiple %add3A_192, 8 : i32
          %dma_start3A_194 = tpu.memref_slice %arg5[%multiple_of3A_193] : memref<320000xi32, #tpu.memory_space<hbm>> -> memref<80xi32, #tpu.memory_space<hbm>>
          %dma_start3A_195 = tpu.memref_slice %arg5[%multiple_of3A_193] : memref<320000xi32, #tpu.memory_space<hbm>> -> memref<80xi32, #tpu.memory_space<hbm>>
          tpu.enqueue_dma source(%dma_start3A_195 : memref<80xi32, #tpu.memory_space<hbm>>) target(%arg17 : memref<80xi32, #tpu.memory_space<vmem>>) target_semaphore(%arg23 : memref<!tpu.dma_semaphore, #tpu.memory_space<semaphore_mem>>)
          %mul3A_196 = arith.constant 2 : i32
          %mul3A_197 = arith.muli %add3A_185, %mul3A_196 : i32
          %add3A_198 = arith.constant 1 : i32
          %add3A_199 = arith.addi %mul3A_197, %add3A_198 : i32
          %mul3A_200 = arith.constant 80 : i32
          %mul3A_201 = arith.muli %add3A_199, %mul3A_200 : i32
          %add3A_202 = arith.addi %multiple_of3A, %mul3A_201 : i32
          %multiple_of3A_203 = tpu.assume_multiple %add3A_202, 8 : i32
          %dma_start3A_204 = tpu.memref_slice %arg5[%multiple_of3A_203] : memref<320000xi32, #tpu.memory_space<hbm>> -> memref<80xi32, #tpu.memory_space<hbm>>
          %dma_start3A_205 = tpu.memref_slice %arg5[%multiple_of3A_203] : memref<320000xi32, #tpu.memory_space<hbm>> -> memref<80xi32, #tpu.memory_space<hbm>>
          tpu.enqueue_dma source(%dma_start3A_205 : memref<80xi32, #tpu.memory_space<hbm>>) target(%arg18 : memref<80xi32, #tpu.memory_space<vmem>>) target_semaphore(%arg23 : memref<!tpu.dma_semaphore, #tpu.memory_space<semaphore_mem>>)
          %add3A_206 = arith.constant 1 : i32
          %add3A_207 = arith.addi %scan3A_95, %add3A_206 : i32
          %mul3A_208 = arith.constant 2 : i32
          %mul3A_209 = arith.muli %add3A_207, %mul3A_208 : i32
          %add3A_210 = arith.constant 0 : i32
          %add3A_211 = arith.addi %mul3A_209, %add3A_210 : i32
          %mul3A_212 = arith.constant 80 : i32
          %mul3A_213 = arith.muli %add3A_211, %mul3A_212 : i32
          %add3A_214 = arith.addi %multiple_of3A, %mul3A_213 : i32
          %multiple_of3A_215 = tpu.assume_multiple %add3A_214, 8 : i32
          %dma_wait3A_216 = tpu.memref_slice %arg4[%multiple_of3A_215] : memref<320000xi32, #tpu.memory_space<hbm>> -> memref<80xi32, #tpu.memory_space<hbm>>
          %dma_wait3A_217 = tpu.memref_slice %arg4[%multiple_of3A_215] : memref<320000xi32, #tpu.memory_space<hbm>> -> memref<80xi32, #tpu.memory_space<hbm>>
          tpu.wait_dma2 semaphore(%arg21 : memref<!tpu.dma_semaphore, #tpu.memory_space<semaphore_mem>>) src(%dma_wait3A_217 : memref<80xi32, #tpu.memory_space<hbm>>) dst(%arg13 : memref<80xi32, #tpu.memory_space<vmem>>)
          %mul3A_218 = arith.constant 2 : i32
          %mul3A_219 = arith.muli %add3A_207, %mul3A_218 : i32
          %add3A_220 = arith.constant 1 : i32
          %add3A_221 = arith.addi %mul3A_219, %add3A_220 : i32
          %mul3A_222 = arith.constant 80 : i32
          %mul3A_223 = arith.muli %add3A_221, %mul3A_222 : i32
          %add3A_224 = arith.addi %multiple_of3A, %mul3A_223 : i32
          %multiple_of3A_225 = tpu.assume_multiple %add3A_224, 8 : i32
          %dma_wait3A_226 = tpu.memref_slice %arg4[%multiple_of3A_225] : memref<320000xi32, #tpu.memory_space<hbm>> -> memref<80xi32, #tpu.memory_space<hbm>>
          %dma_wait3A_227 = tpu.memref_slice %arg4[%multiple_of3A_225] : memref<320000xi32, #tpu.memory_space<hbm>> -> memref<80xi32, #tpu.memory_space<hbm>>
          tpu.wait_dma2 semaphore(%arg21 : memref<!tpu.dma_semaphore, #tpu.memory_space<semaphore_mem>>) src(%dma_wait3A_227 : memref<80xi32, #tpu.memory_space<hbm>>) dst(%arg14 : memref<80xi32, #tpu.memory_space<vmem>>)
          %dma_start3A_228 = arith.constant 0 : i32
          %dma_start3A_229 = arith.constant 0 : i32
          %dma_start3A_230 = tpu.memref_slice %arg2[%dma_start3A_228, %dma_start3A_229] : memref<10240x128xf32, #tpu.memory_space<hbm>> -> memref<10240x128xf32, #tpu.memory_space<hbm>>
          tpu.enqueue_indirect_dma source(%dma_start3A_230 : memref<10240x128xf32, #tpu.memory_space<hbm>>) target(%arg9 : memref<80x128xf32, #tpu.memory_space<vmem>>) offsets(%arg13 : memref<80xi32, #tpu.memory_space<vmem>>) semaphore(%arg25 : memref<!tpu.dma_semaphore, #tpu.memory_space<semaphore_mem>>)
          %dma_start3A_231 = arith.constant 0 : i32
          %dma_start3A_232 = arith.constant 0 : i32
          %dma_start3A_233 = tpu.memref_slice %arg2[%dma_start3A_231, %dma_start3A_232] : memref<10240x128xf32, #tpu.memory_space<hbm>> -> memref<10240x128xf32, #tpu.memory_space<hbm>>
          tpu.enqueue_indirect_dma source(%dma_start3A_233 : memref<10240x128xf32, #tpu.memory_space<hbm>>) target(%arg10 : memref<80x128xf32, #tpu.memory_space<vmem>>) offsets(%arg14 : memref<80xi32, #tpu.memory_space<vmem>>) semaphore(%arg25 : memref<!tpu.dma_semaphore, #tpu.memory_space<semaphore_mem>>)
        } else {
        }
        %dma_wait3A_141 = arith.constant 0 : i32
        %dma_wait3A_142 = arith.constant 0 : i32
        %dma_wait3A_143 = tpu.memref_slice %arg2[%dma_wait3A_141, %dma_wait3A_142] : memref<10240x128xf32, #tpu.memory_space<hbm>> -> memref<10240x128xf32, #tpu.memory_space<hbm>>
        tpu.wait_indirect_dma semaphore(%arg26 : memref<!tpu.dma_semaphore, #tpu.memory_space<semaphore_mem>>) src(%dma_wait3A_143 : memref<10240x128xf32, #tpu.memory_space<hbm>>) dst(%arg11 : memref<80x128xf32, #tpu.memory_space<vmem>>)
        %dma_wait3A_144 = arith.constant 0 : i32
        %dma_wait3A_145 = arith.constant 0 : i32
        %dma_wait3A_146 = tpu.memref_slice %arg2[%dma_wait3A_144, %dma_wait3A_145] : memref<10240x128xf32, #tpu.memory_space<hbm>> -> memref<10240x128xf32, #tpu.memory_space<hbm>>
        tpu.wait_indirect_dma semaphore(%arg26 : memref<!tpu.dma_semaphore, #tpu.memory_space<semaphore_mem>>) src(%dma_wait3A_146 : memref<10240x128xf32, #tpu.memory_space<hbm>>) dst(%arg12 : memref<80x128xf32, #tpu.memory_space<vmem>>)
        %add3A_147 = arith.constant 2 : i32
        %add3A_148 = arith.addi %scan3A_95, %add3A_147 : i32
        %lt3A_149 = arith.constant 62 : i32
        %lt3A_150 = arith.cmpi slt, %add3A_148, %lt3A_149 : i32
        %convert_element_type3A_151 = arith.extui %lt3A_150 : i1 to i32
        %cond3A_152 = arith.constant 0 : i32
        %cond3A_153 = arith.cmpi ne, %convert_element_type3A_151, %cond3A_152 : i32
        scf.if %cond3A_153 {
          %add3A_180 = arith.constant 2 : i32
          %add3A_181 = arith.addi %scan3A_95, %add3A_180 : i32
          %mul3A_182 = arith.constant 2 : i32
          %mul3A_183 = arith.muli %add3A_181, %mul3A_182 : i32
          %add3A_184 = arith.constant 0 : i32
          %add3A_185 = arith.addi %mul3A_183, %add3A_184 : i32
          %mul3A_186 = arith.constant 80 : i32
          %mul3A_187 = arith.muli %add3A_185, %mul3A_186 : i32
          %add3A_188 = arith.addi %multiple_of3A, %mul3A_187 : i32
          %multiple_of3A_189 = tpu.assume_multiple %add3A_188, 8 : i32
          %dma_start3A_190 = tpu.memref_slice %arg4[%multiple_of3A_189] : memref<320000xi32, #tpu.memory_space<hbm>> -> memref<80xi32, #tpu.memory_space<hbm>>
          %dma_start3A_191 = tpu.memref_slice %arg4[%multiple_of3A_189] : memref<320000xi32, #tpu.memory_space<hbm>> -> memref<80xi32, #tpu.memory_space<hbm>>
          tpu.enqueue_dma source(%dma_start3A_191 : memref<80xi32, #tpu.memory_space<hbm>>) target(%arg15 : memref<80xi32, #tpu.memory_space<vmem>>) target_semaphore(%arg22 : memref<!tpu.dma_semaphore, #tpu.memory_space<semaphore_mem>>)
          %mul3A_192 = arith.constant 2 : i32
          %mul3A_193 = arith.muli %add3A_181, %mul3A_192 : i32
          %add3A_194 = arith.constant 1 : i32
          %add3A_195 = arith.addi %mul3A_193, %add3A_194 : i32
          %mul3A_196 = arith.constant 80 : i32
          %mul3A_197 = arith.muli %add3A_195, %mul3A_196 : i32
          %add3A_198 = arith.addi %multiple_of3A, %mul3A_197 : i32
          %multiple_of3A_199 = tpu.assume_multiple %add3A_198, 8 : i32
          %dma_start3A_200 = tpu.memref_slice %arg4[%multiple_of3A_199] : memref<320000xi32, #tpu.memory_space<hbm>> -> memref<80xi32, #tpu.memory_space<hbm>>
          %dma_start3A_201 = tpu.memref_slice %arg4[%multiple_of3A_199] : memref<320000xi32, #tpu.memory_space<hbm>> -> memref<80xi32, #tpu.memory_space<hbm>>
          tpu.enqueue_dma source(%dma_start3A_201 : memref<80xi32, #tpu.memory_space<hbm>>) target(%arg16 : memref<80xi32, #tpu.memory_space<vmem>>) target_semaphore(%arg22 : memref<!tpu.dma_semaphore, #tpu.memory_space<semaphore_mem>>)
        } else {
        }
        %mul3A_154 = arith.constant 2 : i32
        %mul3A_155 = arith.muli %scan3A_95, %mul3A_154 : i32
        %add3A_156 = arith.constant 0 : i32
        %add3A_157 = arith.addi %mul3A_155, %add3A_156 : i32
        %mul3A_158 = arith.constant 80 : i32
        %mul3A_159 = arith.muli %add3A_157, %mul3A_158 : i32
        %add3A_160 = arith.addi %multiple_of3A, %mul3A_159 : i32
        %multiple_of3A_161 = tpu.assume_multiple %add3A_160, 8 : i32
        %dma_wait3A_162 = tpu.memref_slice %arg5[%multiple_of3A_161] : memref<320000xi32, #tpu.memory_space<hbm>> -> memref<80xi32, #tpu.memory_space<hbm>>
        %dma_wait3A_163 = tpu.memref_slice %arg5[%multiple_of3A_161] : memref<320000xi32, #tpu.memory_space<hbm>> -> memref<80xi32, #tpu.memory_space<hbm>>
        tpu.wait_dma2 semaphore(%arg24 : memref<!tpu.dma_semaphore, #tpu.memory_space<semaphore_mem>>) src(%dma_wait3A_163 : memref<80xi32, #tpu.memory_space<hbm>>) dst(%arg19 : memref<80xi32, #tpu.memory_space<vmem>>)
        %mul3A_164 = arith.constant 2 : i32
        %mul3A_165 = arith.muli %scan3A_95, %mul3A_164 : i32
        %add3A_166 = arith.constant 1 : i32
        %add3A_167 = arith.addi %mul3A_165, %add3A_166 : i32
        %mul3A_168 = arith.constant 80 : i32
        %mul3A_169 = arith.muli %add3A_167, %mul3A_168 : i32
        %add3A_170 = arith.addi %multiple_of3A, %mul3A_169 : i32
        %multiple_of3A_171 = tpu.assume_multiple %add3A_170, 8 : i32
        %dma_wait3A_172 = tpu.memref_slice %arg5[%multiple_of3A_171] : memref<320000xi32, #tpu.memory_space<hbm>> -> memref<80xi32, #tpu.memory_space<hbm>>
        %dma_wait3A_173 = tpu.memref_slice %arg5[%multiple_of3A_171] : memref<320000xi32, #tpu.memory_space<hbm>> -> memref<80xi32, #tpu.memory_space<hbm>>
        tpu.wait_dma2 semaphore(%arg24 : memref<!tpu.dma_semaphore, #tpu.memory_space<semaphore_mem>>) src(%dma_wait3A_173 : memref<80xi32, #tpu.memory_space<hbm>>) dst(%arg20 : memref<80xi32, #tpu.memory_space<vmem>>)
        %dma_start3A_174 = arith.constant 0 : i32
        %dma_start3A_175 = arith.constant 0 : i32
        %dma_start3A_176 = tpu.memref_slice %arg8[%dma_start3A_174, %dma_start3A_175] : memref<10240x128xf32, #tpu.memory_space<vmem_shared>> -> memref<10240x128xf32, #tpu.memory_space<vmem_shared>>
        tpu.enqueue_indirect_dma source(%arg11 : memref<80x128xf32, #tpu.memory_space<vmem>>) target(%dma_start3A_176 : memref<10240x128xf32, #tpu.memory_space<vmem_shared>>) offsets(%arg19 : memref<80xi32, #tpu.memory_space<vmem>>) semaphore(%arg28 : memref<!tpu.dma_semaphore, #tpu.memory_space<semaphore_mem>>) {add = true}
        %dma_start3A_177 = arith.constant 0 : i32
        %dma_start3A_178 = arith.constant 0 : i32
        %dma_start3A_179 = tpu.memref_slice %arg8[%dma_start3A_177, %dma_start3A_178] : memref<10240x128xf32, #tpu.memory_space<vmem_shared>> -> memref<10240x128xf32, #tpu.memory_space<vmem_shared>>
        tpu.enqueue_indirect_dma source(%arg12 : memref<80x128xf32, #tpu.memory_space<vmem>>) target(%dma_start3A_179 : memref<10240x128xf32, #tpu.memory_space<vmem_shared>>) offsets(%arg20 : memref<80xi32, #tpu.memory_space<vmem>>) semaphore(%arg28 : memref<!tpu.dma_semaphore, #tpu.memory_space<semaphore_mem>>) {add = true}
      } else {
      }
      %scan3A_133 = arith.constant 0 : i32
      scf.yield %scan3A_133 : i32
    }
    %scan3A_62 = arith.constant 62 : i32
    %dma_wait3A_63 = arith.constant 0 : i32
    %dma_wait3A_64 = arith.constant 0 : i32
    %dma_wait3A_65 = tpu.memref_slice %arg8[%dma_wait3A_63, %dma_wait3A_64] : memref<10240x128xf32, #tpu.memory_space<vmem_shared>> -> memref<10240x128xf32, #tpu.memory_space<vmem_shared>>
    tpu.wait_indirect_dma semaphore(%arg27 : memref<!tpu.dma_semaphore, #tpu.memory_space<semaphore_mem>>) src(%arg9 : memref<80x128xf32, #tpu.memory_space<vmem>>) dst(%dma_wait3A_65 : memref<10240x128xf32, #tpu.memory_space<vmem_shared>>)
    %dma_wait3A_66 = arith.constant 0 : i32
    %dma_wait3A_67 = arith.constant 0 : i32
    %dma_wait3A_68 = tpu.memref_slice %arg8[%dma_wait3A_66, %dma_wait3A_67] : memref<10240x128xf32, #tpu.memory_space<vmem_shared>> -> memref<10240x128xf32, #tpu.memory_space<vmem_shared>>
    tpu.wait_indirect_dma semaphore(%arg27 : memref<!tpu.dma_semaphore, #tpu.memory_space<semaphore_mem>>) src(%arg10 : memref<80x128xf32, #tpu.memory_space<vmem>>) dst(%dma_wait3A_68 : memref<10240x128xf32, #tpu.memory_space<vmem_shared>>)
    %dma_wait3A_69 = arith.constant 0 : i32
    %dma_wait3A_70 = arith.constant 0 : i32
    %dma_wait3A_71 = tpu.memref_slice %arg8[%dma_wait3A_69, %dma_wait3A_70] : memref<10240x128xf32, #tpu.memory_space<vmem_shared>> -> memref<10240x128xf32, #tpu.memory_space<vmem_shared>>
    tpu.wait_indirect_dma semaphore(%arg28 : memref<!tpu.dma_semaphore, #tpu.memory_space<semaphore_mem>>) src(%arg11 : memref<80x128xf32, #tpu.memory_space<vmem>>) dst(%dma_wait3A_71 : memref<10240x128xf32, #tpu.memory_space<vmem_shared>>)
    %dma_wait3A_72 = arith.constant 0 : i32
    %dma_wait3A_73 = arith.constant 0 : i32
    %dma_wait3A_74 = tpu.memref_slice %arg8[%dma_wait3A_72, %dma_wait3A_73] : memref<10240x128xf32, #tpu.memory_space<vmem_shared>> -> memref<10240x128xf32, #tpu.memory_space<vmem_shared>>
    tpu.wait_indirect_dma semaphore(%arg28 : memref<!tpu.dma_semaphore, #tpu.memory_space<semaphore_mem>>) src(%arg12 : memref<80x128xf32, #tpu.memory_space<vmem>>) dst(%dma_wait3A_74 : memref<10240x128xf32, #tpu.memory_space<vmem_shared>>)
    %add3A_75 = arith.constant 9920 : i32
    %add3A_76 = arith.addi %multiple_of3A, %add3A_75 : i32
    %multiple_of3A_77 = tpu.assume_multiple %add3A_76, 8 : i32
    "tpu.region"() ({
      %run_scoped3A = tpu.sem_alloc : memref<!tpu.dma_semaphore, #tpu.memory_space<semaphore_mem>>
      %dma_start3A_95 = tpu.memref_slice %arg4[%multiple_of3A_77] : memref<320000xi32, #tpu.memory_space<hbm>> -> memref<80xi32, #tpu.memory_space<hbm>>
      %dma_start3A_96 = tpu.memref_slice %arg4[%multiple_of3A_77] : memref<320000xi32, #tpu.memory_space<hbm>> -> memref<80xi32, #tpu.memory_space<hbm>>
      tpu.enqueue_dma source(%dma_start3A_96 : memref<80xi32, #tpu.memory_space<hbm>>) target(%arg13 : memref<80xi32, #tpu.memory_space<vmem>>) target_semaphore(%run_scoped3A : memref<!tpu.dma_semaphore, #tpu.memory_space<semaphore_mem>>)
      %dma_wait3A_97 = tpu.memref_slice %arg4[%multiple_of3A_77] : memref<320000xi32, #tpu.memory_space<hbm>> -> memref<80xi32, #tpu.memory_space<hbm>>
      %dma_wait3A_98 = tpu.memref_slice %arg4[%multiple_of3A_77] : memref<320000xi32, #tpu.memory_space<hbm>> -> memref<80xi32, #tpu.memory_space<hbm>>
      tpu.wait_dma2 semaphore(%run_scoped3A : memref<!tpu.dma_semaphore, #tpu.memory_space<semaphore_mem>>) src(%dma_wait3A_98 : memref<80xi32, #tpu.memory_space<hbm>>) dst(%arg13 : memref<80xi32, #tpu.memory_space<vmem>>)
      tpu.yield
    }) : () -> ()
    "tpu.region"() ({
      %run_scoped3A = tpu.sem_alloc : memref<!tpu.dma_semaphore, #tpu.memory_space<semaphore_mem>>
      %dma_start3A_95 = tpu.memref_slice %arg5[%multiple_of3A_77] : memref<320000xi32, #tpu.memory_space<hbm>> -> memref<80xi32, #tpu.memory_space<hbm>>
      %dma_start3A_96 = tpu.memref_slice %arg5[%multiple_of3A_77] : memref<320000xi32, #tpu.memory_space<hbm>> -> memref<80xi32, #tpu.memory_space<hbm>>
      tpu.enqueue_dma source(%dma_start3A_96 : memref<80xi32, #tpu.memory_space<hbm>>) target(%arg17 : memref<80xi32, #tpu.memory_space<vmem>>) target_semaphore(%run_scoped3A : memref<!tpu.dma_semaphore, #tpu.memory_space<semaphore_mem>>)
      %dma_wait3A_97 = tpu.memref_slice %arg5[%multiple_of3A_77] : memref<320000xi32, #tpu.memory_space<hbm>> -> memref<80xi32, #tpu.memory_space<hbm>>
      %dma_wait3A_98 = tpu.memref_slice %arg5[%multiple_of3A_77] : memref<320000xi32, #tpu.memory_space<hbm>> -> memref<80xi32, #tpu.memory_space<hbm>>
      tpu.wait_dma2 semaphore(%run_scoped3A : memref<!tpu.dma_semaphore, #tpu.memory_space<semaphore_mem>>) src(%dma_wait3A_98 : memref<80xi32, #tpu.memory_space<hbm>>) dst(%arg17 : memref<80xi32, #tpu.memory_space<vmem>>)
      tpu.yield
    }) : () -> ()
    %dma_start3A_78 = arith.constant 0 : i32
    %dma_start3A_79 = arith.constant 0 : i32
    %dma_start3A_80 = tpu.memref_slice %arg2[%dma_start3A_78, %dma_start3A_79] : memref<10240x128xf32, #tpu.memory_space<hbm>> -> memref<10240x128xf32, #tpu.memory_space<hbm>>
    tpu.enqueue_indirect_dma source(%dma_start3A_80 : memref<10240x128xf32, #tpu.memory_space<hbm>>) target(%arg9 : memref<80x128xf32, #tpu.memory_space<vmem>>) offsets(%arg13 : memref<80xi32, #tpu.memory_space<vmem>>) semaphore(%arg25 : memref<!tpu.dma_semaphore, #tpu.memory_space<semaphore_mem>>)
    %dma_wait3A_81 = arith.constant 0 : i32
    %dma_wait3A_82 = arith.constant 0 : i32
    %dma_wait3A_83 = tpu.memref_slice %arg2[%dma_wait3A_81, %dma_wait3A_82] : memref<10240x128xf32, #tpu.memory_space<hbm>> -> memref<10240x128xf32, #tpu.memory_space<hbm>>
    tpu.wait_indirect_dma semaphore(%arg25 : memref<!tpu.dma_semaphore, #tpu.memory_space<semaphore_mem>>) src(%dma_wait3A_83 : memref<10240x128xf32, #tpu.memory_space<hbm>>) dst(%arg9 : memref<80x128xf32, #tpu.memory_space<vmem>>)
    "tpu.region"() ({
      %run_scoped3A = tpu.sem_alloc : memref<!tpu.dma_semaphore, #tpu.memory_space<semaphore_mem>>
      %dma_start3A_95 = arith.constant 0 : i32
      %dma_start3A_96 = arith.constant 0 : i32
      %dma_start3A_97 = tpu.memref_slice %arg8[%dma_start3A_95, %dma_start3A_96] : memref<10240x128xf32, #tpu.memory_space<vmem_shared>> -> memref<10240x128xf32, #tpu.memory_space<vmem_shared>>
      tpu.enqueue_indirect_dma source(%arg9 : memref<80x128xf32, #tpu.memory_space<vmem>>) target(%dma_start3A_97 : memref<10240x128xf32, #tpu.memory_space<vmem_shared>>) offsets(%arg17 : memref<80xi32, #tpu.memory_space<vmem>>) semaphore(%run_scoped3A : memref<!tpu.dma_semaphore, #tpu.memory_space<semaphore_mem>>) {add = true}
      %dma_wait3A_98 = arith.constant 0 : i32
      %dma_wait3A_99 = arith.constant 0 : i32
      %dma_wait3A_100 = tpu.memref_slice %arg8[%dma_wait3A_98, %dma_wait3A_99] : memref<10240x128xf32, #tpu.memory_space<vmem_shared>> -> memref<10240x128xf32, #tpu.memory_space<vmem_shared>>
      tpu.wait_indirect_dma semaphore(%run_scoped3A : memref<!tpu.dma_semaphore, #tpu.memory_space<semaphore_mem>>) src(%arg9 : memref<80x128xf32, #tpu.memory_space<vmem>>) dst(%dma_wait3A_100 : memref<10240x128xf32, #tpu.memory_space<vmem_shared>>)
      tpu.yield
    }) : () -> ()
    %barrier3A_84 = arith.constant 0 : index
    tpu.barrier barrier_id(%barrier3A_84)
    %eq3A_85 = arith.constant 0 : i32
    %eq3A_86 = arith.cmpi eq, %arg0, %eq3A_85 : i32
    %convert_element_type3A_87 = arith.extui %eq3A_86 : i1 to i32
    %cond3A_88 = arith.constant 0 : i32
    %cond3A_89 = arith.cmpi ne, %convert_element_type3A_87, %cond3A_88 : i32
    scf.if %cond3A_89 {
      "tpu.region"() ({
        %run_scoped3A = tpu.sem_alloc : memref<!tpu.dma_semaphore, #tpu.memory_space<semaphore_mem>>
        %dma_start3A_95 = arith.constant 0 : i32
        %dma_start3A_96 = tpu.memref_slice %arg6[%multiple_of3A_34, %dma_start3A_95] : memref<10240x128xf32, #tpu.memory_space<hbm>> -> memref<640x128xf32, #tpu.memory_space<hbm>>
        %dma_start3A_97 = arith.constant 0 : i32
        %dma_start3A_98 = tpu.memref_slice %arg8[%multiple_of3A_34, %dma_start3A_97] : memref<10240x128xf32, #tpu.memory_space<vmem_shared>> -> memref<640x128xf32, #tpu.memory_space<vmem_shared>>
        tpu.enqueue_dma source(%dma_start3A_98 : memref<640x128xf32, #tpu.memory_space<vmem_shared>>) target(%dma_start3A_96 : memref<640x128xf32, #tpu.memory_space<hbm>>) target_semaphore(%run_scoped3A : memref<!tpu.dma_semaphore, #tpu.memory_space<semaphore_mem>>)
        %dma_wait3A_99 = arith.constant 0 : i32
        %dma_wait3A_100 = tpu.memref_slice %arg6[%multiple_of3A_34, %dma_wait3A_99] : memref<10240x128xf32, #tpu.memory_space<hbm>> -> memref<640x128xf32, #tpu.memory_space<hbm>>
        %dma_wait3A_101 = arith.constant 0 : i32
        %dma_wait3A_102 = tpu.memref_slice %arg8[%multiple_of3A_34, %dma_wait3A_101] : memref<10240x128xf32, #tpu.memory_space<vmem_shared>> -> memref<640x128xf32, #tpu.memory_space<vmem_shared>>
        tpu.wait_dma2 semaphore(%run_scoped3A : memref<!tpu.dma_semaphore, #tpu.memory_space<semaphore_mem>>) src(%dma_wait3A_102 : memref<640x128xf32, #tpu.memory_space<vmem_shared>>) dst(%dma_wait3A_100 : memref<640x128xf32, #tpu.memory_space<hbm>>)
        tpu.yield
      }) : () -> ()
    } else {
    }
    %eq3A_90 = arith.constant 1 : i32
    %eq3A_91 = arith.cmpi eq, %arg0, %eq3A_90 : i32
    %convert_element_type3A_92 = arith.extui %eq3A_91 : i1 to i32
    %cond3A_93 = arith.constant 0 : i32
    %cond3A_94 = arith.cmpi ne, %convert_element_type3A_92, %cond3A_93 : i32
    scf.if %cond3A_94 {
      "tpu.region"() ({
        %run_scoped3A = tpu.sem_alloc : memref<!tpu.dma_semaphore, #tpu.memory_space<semaphore_mem>>
        %dma_start3A_95 = arith.constant 0 : i32
        %dma_start3A_96 = tpu.memref_slice %arg7[%multiple_of3A_34, %dma_start3A_95] : memref<10240x128xf32, #tpu.memory_space<hbm>> -> memref<640x128xf32, #tpu.memory_space<hbm>>
        %dma_start3A_97 = arith.constant 0 : i32
        %dma_start3A_98 = tpu.memref_slice %arg8[%multiple_of3A_34, %dma_start3A_97] : memref<10240x128xf32, #tpu.memory_space<vmem_shared>> -> memref<640x128xf32, #tpu.memory_space<vmem_shared>>
        tpu.enqueue_dma source(%dma_start3A_98 : memref<640x128xf32, #tpu.memory_space<vmem_shared>>) target(%dma_start3A_96 : memref<640x128xf32, #tpu.memory_space<hbm>>) target_semaphore(%run_scoped3A : memref<!tpu.dma_semaphore, #tpu.memory_space<semaphore_mem>>)
        %dma_wait3A_99 = arith.constant 0 : i32
        %dma_wait3A_100 = tpu.memref_slice %arg7[%multiple_of3A_34, %dma_wait3A_99] : memref<10240x128xf32, #tpu.memory_space<hbm>> -> memref<640x128xf32, #tpu.memory_space<hbm>>
        %dma_wait3A_101 = arith.constant 0 : i32
        %dma_wait3A_102 = tpu.memref_slice %arg8[%multiple_of3A_34, %dma_wait3A_101] : memref<10240x128xf32, #tpu.memory_space<vmem_shared>> -> memref<640x128xf32, #tpu.memory_space<vmem_shared>>
        tpu.wait_dma2 semaphore(%run_scoped3A : memref<!tpu.dma_semaphore, #tpu.memory_space<semaphore_mem>>) src(%dma_wait3A_102 : memref<640x128xf32, #tpu.memory_space<vmem_shared>>) dst(%dma_wait3A_100 : memref<640x128xf32, #tpu.memory_space<hbm>>)
        tpu.yield
      }) : () -> ()
    } else {
    }
    return
  }
}

#map = affine_map<(d0, d1) -> (0)>
module attributes {stable_mosaic.version = 14 : i64} {
  func.func @_deg_kernel(%arg0: i32, %arg1: i32, %arg2: memref<320000xi32, #tpu.memory_space<hbm>>, %arg3: memref<10240xf32, #tpu.memory_space<hbm>>, %arg4: memref<10240xf32, #tpu.memory_space<hbm>>, %arg5: memref<10240xf32, #tpu.memory_space<vmem_shared>>, %arg6: memref<640xf32, #tpu.memory_space<vmem>>, %arg7: memref<80xf32, #tpu.memory_space<vmem>>, %arg8: memref<10000xi32, #tpu.memory_space<vmem>>, %arg9: memref<80xi32, #tpu.memory_space<vmem>>, %arg10: memref<80xi32, #tpu.memory_space<vmem>>, %arg11: memref<!tpu.dma_semaphore, #tpu.memory_space<semaphore_mem>>, %arg12: memref<!tpu.dma_semaphore, #tpu.memory_space<semaphore_mem>>) attributes {dimension_semantics = [#tpu.dimension_semantics<core_parallel>, #tpu.dimension_semantics<subcore_parallel>], iteration_bounds = array<i64: 2, 16>, scalar_prefetch = 0 : i64, scratch_operands = 8 : i64, tpu.core_type = #tpu.core_type<sc_vector_subcore>, window_params = [{transform_indices = #map}, {transform_indices = #map}, {transform_indices = #map}]} {
    %mul3A = arith.constant 2 : i32
    %mul3A_0 = arith.muli %arg1, %mul3A : i32
    %add3A = arith.addi %mul3A_0, %arg0 : i32
    %eq3A = arith.constant 0 : i32
    %eq3A_1 = arith.cmpi eq, %arg0, %eq3A : i32
    %jit3A = arith.constant 1.000000e+00 : f32
    %jit3A_2 = arith.constant 0.000000e+00 : f32
    %select_n3A = arith.select %eq3A_1, %jit3A, %jit3A_2 : f32
    %broadcast_in_dim3A = vector.broadcast %select_n3A : f32 to vector<16xf32>
    %scan3A = arith.constant 0 : i32
    %scan3A_3 = arith.constant 0 : i32
    %scan3A_4 = arith.constant 40 : i32
    %scan3A_5 = arith.addi %scan3A_3, %scan3A_4 : i32
    %scan3A_6 = arith.constant 1 : i32
    %scan3A_7 = scf.for %scan3A_90 = %scan3A_3 to %scan3A_5 step %scan3A_6 iter_args(%scan3A_91 = %scan3A) -> (i32)  : i32 {
      %mul3A_92 = arith.constant 16 : i32
      %mul3A_93 = arith.muli %scan3A_90, %mul3A_92 : i32
      %multiple_of3A_94 = tpu.assume_multiple %mul3A_93, 16 : i32
      %swap3A_95 = arith.index_cast %multiple_of3A_94 : i32 to index
      %swap3A_96 = tpu.vector_load %arg6[%swap3A_95] {strides = array<i32>} : memref<640xf32, #tpu.memory_space<vmem>>, vector<16xf32>,
      %swap3A_97 = vector.shape_cast %swap3A_96 : vector<16xf32> to vector<16xf32>
      %swap3A_98 = vector.shape_cast %broadcast_in_dim3A : vector<16xf32> to vector<16xf32>
      tpu.vector_store %arg6[%swap3A_95], %swap3A_98 {strides = array<i32>} : memref<640xf32, #tpu.memory_space<vmem>>, vector<16xf32>,
      %scan3A_99 = arith.constant 0 : i32
      scf.yield %scan3A_99 : i32
    }
    %scan3A_8 = arith.constant 40 : i32
    %scan3A_9 = arith.constant 0 : i32
    %scan3A_10 = arith.constant 0 : i32
    %scan3A_11 = arith.constant 5 : i32
    %scan3A_12 = arith.addi %scan3A_10, %scan3A_11 : i32
    %scan3A_13 = arith.constant 1 : i32
    %scan3A_14 = scf.for %scan3A_90 = %scan3A_10 to %scan3A_12 step %scan3A_13 iter_args(%scan3A_91 = %scan3A_9) -> (i32)  : i32 {
      %broadcast_in_dim3A_92 = arith.constant 1.000000e+00 : f32
      %broadcast_in_dim3A_93 = vector.broadcast %broadcast_in_dim3A_92 : f32 to vector<16xf32>
      %mul3A_94 = arith.constant 16 : i32
      %mul3A_95 = arith.muli %scan3A_90, %mul3A_94 : i32
      %multiple_of3A_96 = tpu.assume_multiple %mul3A_95, 16 : i32
      %swap3A_97 = arith.index_cast %multiple_of3A_96 : i32 to index
      %swap3A_98 = tpu.vector_load %arg7[%swap3A_97] {strides = array<i32>} : memref<80xf32, #tpu.memory_space<vmem>>, vector<16xf32>,
      %swap3A_99 = vector.shape_cast %swap3A_98 : vector<16xf32> to vector<16xf32>
      %swap3A_100 = vector.shape_cast %broadcast_in_dim3A_93 : vector<16xf32> to vector<16xf32>
      tpu.vector_store %arg7[%swap3A_97], %swap3A_100 {strides = array<i32>} : memref<80xf32, #tpu.memory_space<vmem>>, vector<16xf32>,
      %scan3A_101 = arith.constant 0 : i32
      scf.yield %scan3A_101 : i32
    }
    %scan3A_15 = arith.constant 5 : i32
    %mul3A_16 = arith.constant 10000 : i32
    %mul3A_17 = arith.muli %add3A, %mul3A_16 : i32
    %multiple_of3A = tpu.assume_multiple %mul3A_17, 8 : i32
    "tpu.region"() ({
      %run_scoped3A = tpu.sem_alloc : memref<!tpu.dma_semaphore, #tpu.memory_space<semaphore_mem>>
      %dma_start3A = tpu.memref_slice %arg2[%multiple_of3A] : memref<320000xi32, #tpu.memory_space<hbm>> -> memref<10000xi32, #tpu.memory_space<hbm>>
      %dma_start3A_90 = tpu.memref_slice %arg2[%multiple_of3A] : memref<320000xi32, #tpu.memory_space<hbm>> -> memref<10000xi32, #tpu.memory_space<hbm>>
      tpu.enqueue_dma source(%dma_start3A_90 : memref<10000xi32, #tpu.memory_space<hbm>>) target(%arg8 : memref<10000xi32, #tpu.memory_space<vmem>>) target_semaphore(%run_scoped3A : memref<!tpu.dma_semaphore, #tpu.memory_space<semaphore_mem>>)
      %dma_wait3A = tpu.memref_slice %arg2[%multiple_of3A] : memref<320000xi32, #tpu.memory_space<hbm>> -> memref<10000xi32, #tpu.memory_space<hbm>>
      %dma_wait3A_91 = tpu.memref_slice %arg2[%multiple_of3A] : memref<320000xi32, #tpu.memory_space<hbm>> -> memref<10000xi32, #tpu.memory_space<hbm>>
      tpu.wait_dma2 semaphore(%run_scoped3A : memref<!tpu.dma_semaphore, #tpu.memory_space<semaphore_mem>>) src(%dma_wait3A_91 : memref<10000xi32, #tpu.memory_space<hbm>>) dst(%arg8 : memref<10000xi32, #tpu.memory_space<vmem>>)
      tpu.yield
    }) : () -> ()
    %mul3A_18 = arith.constant 640 : i32
    %mul3A_19 = arith.muli %arg1, %mul3A_18 : i32
    %multiple_of3A_20 = tpu.assume_multiple %mul3A_19, 8 : i32
    "tpu.region"() ({
      %run_scoped3A = tpu.sem_alloc : memref<!tpu.dma_semaphore, #tpu.memory_space<semaphore_mem>>
      %dma_start3A = tpu.memref_slice %arg5[%multiple_of3A_20] : memref<10240xf32, #tpu.memory_space<vmem_shared>> -> memref<640xf32, #tpu.memory_space<vmem_shared>>
      %dma_start3A_90 = tpu.memref_slice %arg5[%multiple_of3A_20] : memref<10240xf32, #tpu.memory_space<vmem_shared>> -> memref<640xf32, #tpu.memory_space<vmem_shared>>
      tpu.enqueue_dma source(%arg6 : memref<640xf32, #tpu.memory_space<vmem>>) target(%dma_start3A_90 : memref<640xf32, #tpu.memory_space<vmem_shared>>) target_semaphore(%run_scoped3A : memref<!tpu.dma_semaphore, #tpu.memory_space<semaphore_mem>>)
      %dma_wait3A = tpu.memref_slice %arg5[%multiple_of3A_20] : memref<10240xf32, #tpu.memory_space<vmem_shared>> -> memref<640xf32, #tpu.memory_space<vmem_shared>>
      %dma_wait3A_91 = tpu.memref_slice %arg5[%multiple_of3A_20] : memref<10240xf32, #tpu.memory_space<vmem_shared>> -> memref<640xf32, #tpu.memory_space<vmem_shared>>
      tpu.wait_dma2 semaphore(%run_scoped3A : memref<!tpu.dma_semaphore, #tpu.memory_space<semaphore_mem>>) src(%arg6 : memref<640xf32, #tpu.memory_space<vmem>>) dst(%dma_wait3A_91 : memref<640xf32, #tpu.memory_space<vmem_shared>>)
      tpu.yield
    }) : () -> ()
    %barrier3A = arith.constant 0 : index
    tpu.barrier barrier_id(%barrier3A)
    %scan3A_21 = arith.constant 0 : i32
    %scan3A_22 = arith.constant 0 : i32
    %scan3A_23 = arith.constant 62 : i32
    %scan3A_24 = arith.addi %scan3A_22, %scan3A_23 : i32
    %scan3A_25 = arith.constant 1 : i32
    %scan3A_26 = scf.for %scan3A_90 = %scan3A_22 to %scan3A_24 step %scan3A_25 iter_args(%scan3A_91 = %scan3A_21) -> (i32)  : i32 {
      %mul3A_92 = arith.constant 2 : i32
      %mul3A_93 = arith.muli %scan3A_90, %mul3A_92 : i32
      %add3A_94 = arith.constant 0 : i32
      %add3A_95 = arith.addi %mul3A_93, %add3A_94 : i32
      %mul3A_96 = arith.constant 80 : i32
      %mul3A_97 = arith.muli %add3A_95, %mul3A_96 : i32
      %add3A_98 = arith.constant 0 : i32
      %add3A_99 = arith.addi %mul3A_97, %add3A_98 : i32
      %multiple_of3A_100 = tpu.assume_multiple %add3A_99, 8 : i32
      %get3A_101 = arith.index_cast %multiple_of3A_100 : i32 to index
      %get3A_102 = tpu.vector_load %arg8[%get3A_101] {strides = array<i32>} : memref<10000xi32, #tpu.memory_space<vmem>>, vector<16xi32>,
      %get3A_103 = vector.shape_cast %get3A_102 : vector<16xi32> to vector<16xi32>
      %multiple_of3A_104 = arith.constant 0 : i32
      %multiple_of3A_105 = tpu.assume_multiple %multiple_of3A_104, 8 : i32
      %swap3A_106 = arith.index_cast %multiple_of3A_105 : i32 to index
      %swap3A_107 = tpu.vector_load %arg9[%swap3A_106] {strides = array<i32>} : memref<80xi32, #tpu.memory_space<vmem>>, vector<16xi32>,
      %swap3A_108 = vector.shape_cast %swap3A_107 : vector<16xi32> to vector<16xi32>
      %swap3A_109 = vector.shape_cast %get3A_103 : vector<16xi32> to vector<16xi32>
      tpu.vector_store %arg9[%swap3A_106], %swap3A_109 {strides = array<i32>} : memref<80xi32, #tpu.memory_space<vmem>>, vector<16xi32>,
      %add3A_110 = arith.constant 16 : i32
      %add3A_111 = arith.addi %mul3A_97, %add3A_110 : i32
      %multiple_of3A_112 = tpu.assume_multiple %add3A_111, 8 : i32
      %get3A_113 = arith.index_cast %multiple_of3A_112 : i32 to index
      %get3A_114 = tpu.vector_load %arg8[%get3A_113] {strides = array<i32>} : memref<10000xi32, #tpu.memory_space<vmem>>, vector<16xi32>,
      %get3A_115 = vector.shape_cast %get3A_114 : vector<16xi32> to vector<16xi32>
      %multiple_of3A_116 = arith.constant 16 : i32
      %multiple_of3A_117 = tpu.assume_multiple %multiple_of3A_116, 8 : i32
      %swap3A_118 = arith.index_cast %multiple_of3A_117 : i32 to index
      %swap3A_119 = tpu.vector_load %arg9[%swap3A_118] {strides = array<i32>} : memref<80xi32, #tpu.memory_space<vmem>>, vector<16xi32>,
      %swap3A_120 = vector.shape_cast %swap3A_119 : vector<16xi32> to vector<16xi32>
      %swap3A_121 = vector.shape_cast %get3A_115 : vector<16xi32> to vector<16xi32>
      tpu.vector_store %arg9[%swap3A_118], %swap3A_121 {strides = array<i32>} : memref<80xi32, #tpu.memory_space<vmem>>, vector<16xi32>,
      %add3A_122 = arith.constant 32 : i32
      %add3A_123 = arith.addi %mul3A_97, %add3A_122 : i32
      %multiple_of3A_124 = tpu.assume_multiple %add3A_123, 8 : i32
      %get3A_125 = arith.index_cast %multiple_of3A_124 : i32 to index
      %get3A_126 = tpu.vector_load %arg8[%get3A_125] {strides = array<i32>} : memref<10000xi32, #tpu.memory_space<vmem>>, vector<16xi32>,
      %get3A_127 = vector.shape_cast %get3A_126 : vector<16xi32> to vector<16xi32>
      %multiple_of3A_128 = arith.constant 32 : i32
      %multiple_of3A_129 = tpu.assume_multiple %multiple_of3A_128, 8 : i32
      %swap3A_130 = arith.index_cast %multiple_of3A_129 : i32 to index
      %swap3A_131 = tpu.vector_load %arg9[%swap3A_130] {strides = array<i32>} : memref<80xi32, #tpu.memory_space<vmem>>, vector<16xi32>,
      %swap3A_132 = vector.shape_cast %swap3A_131 : vector<16xi32> to vector<16xi32>
      %swap3A_133 = vector.shape_cast %get3A_127 : vector<16xi32> to vector<16xi32>
      tpu.vector_store %arg9[%swap3A_130], %swap3A_133 {strides = array<i32>} : memref<80xi32, #tpu.memory_space<vmem>>, vector<16xi32>,
      %add3A_134 = arith.constant 48 : i32
      %add3A_135 = arith.addi %mul3A_97, %add3A_134 : i32
      %multiple_of3A_136 = tpu.assume_multiple %add3A_135, 8 : i32
      %get3A_137 = arith.index_cast %multiple_of3A_136 : i32 to index
      %get3A_138 = tpu.vector_load %arg8[%get3A_137] {strides = array<i32>} : memref<10000xi32, #tpu.memory_space<vmem>>, vector<16xi32>,
      %get3A_139 = vector.shape_cast %get3A_138 : vector<16xi32> to vector<16xi32>
      %multiple_of3A_140 = arith.constant 48 : i32
      %multiple_of3A_141 = tpu.assume_multiple %multiple_of3A_140, 8 : i32
      %swap3A_142 = arith.index_cast %multiple_of3A_141 : i32 to index
      %swap3A_143 = tpu.vector_load %arg9[%swap3A_142] {strides = array<i32>} : memref<80xi32, #tpu.memory_space<vmem>>, vector<16xi32>,
      %swap3A_144 = vector.shape_cast %swap3A_143 : vector<16xi32> to vector<16xi32>
      %swap3A_145 = vector.shape_cast %get3A_139 : vector<16xi32> to vector<16xi32>
      tpu.vector_store %arg9[%swap3A_142], %swap3A_145 {strides = array<i32>} : memref<80xi32, #tpu.memory_space<vmem>>, vector<16xi32>,
      %add3A_146 = arith.constant 64 : i32
      %add3A_147 = arith.addi %mul3A_97, %add3A_146 : i32
      %multiple_of3A_148 = tpu.assume_multiple %add3A_147, 8 : i32
      %get3A_149 = arith.index_cast %multiple_of3A_148 : i32 to index
      %get3A_150 = tpu.vector_load %arg8[%get3A_149] {strides = array<i32>} : memref<10000xi32, #tpu.memory_space<vmem>>, vector<16xi32>,
      %get3A_151 = vector.shape_cast %get3A_150 : vector<16xi32> to vector<16xi32>
      %multiple_of3A_152 = arith.constant 64 : i32
      %multiple_of3A_153 = tpu.assume_multiple %multiple_of3A_152, 8 : i32
      %swap3A_154 = arith.index_cast %multiple_of3A_153 : i32 to index
      %swap3A_155 = tpu.vector_load %arg9[%swap3A_154] {strides = array<i32>} : memref<80xi32, #tpu.memory_space<vmem>>, vector<16xi32>,
      %swap3A_156 = vector.shape_cast %swap3A_155 : vector<16xi32> to vector<16xi32>
      %swap3A_157 = vector.shape_cast %get3A_151 : vector<16xi32> to vector<16xi32>
      tpu.vector_store %arg9[%swap3A_154], %swap3A_157 {strides = array<i32>} : memref<80xi32, #tpu.memory_space<vmem>>, vector<16xi32>,
      %mul3A_158 = arith.constant 2 : i32
      %mul3A_159 = arith.muli %scan3A_90, %mul3A_158 : i32
      %add3A_160 = arith.constant 1 : i32
      %add3A_161 = arith.addi %mul3A_159, %add3A_160 : i32
      %mul3A_162 = arith.constant 80 : i32
      %mul3A_163 = arith.muli %add3A_161, %mul3A_162 : i32
      %add3A_164 = arith.constant 0 : i32
      %add3A_165 = arith.addi %mul3A_163, %add3A_164 : i32
      %multiple_of3A_166 = tpu.assume_multiple %add3A_165, 8 : i32
      %get3A_167 = arith.index_cast %multiple_of3A_166 : i32 to index
      %get3A_168 = tpu.vector_load %arg8[%get3A_167] {strides = array<i32>} : memref<10000xi32, #tpu.memory_space<vmem>>, vector<16xi32>,
      %get3A_169 = vector.shape_cast %get3A_168 : vector<16xi32> to vector<16xi32>
      %multiple_of3A_170 = arith.constant 0 : i32
      %multiple_of3A_171 = tpu.assume_multiple %multiple_of3A_170, 8 : i32
      %swap3A_172 = arith.index_cast %multiple_of3A_171 : i32 to index
      %swap3A_173 = tpu.vector_load %arg10[%swap3A_172] {strides = array<i32>} : memref<80xi32, #tpu.memory_space<vmem>>, vector<16xi32>,
      %swap3A_174 = vector.shape_cast %swap3A_173 : vector<16xi32> to vector<16xi32>
      %swap3A_175 = vector.shape_cast %get3A_169 : vector<16xi32> to vector<16xi32>
      tpu.vector_store %arg10[%swap3A_172], %swap3A_175 {strides = array<i32>} : memref<80xi32, #tpu.memory_space<vmem>>, vector<16xi32>,
      %add3A_176 = arith.constant 16 : i32
      %add3A_177 = arith.addi %mul3A_163, %add3A_176 : i32
      %multiple_of3A_178 = tpu.assume_multiple %add3A_177, 8 : i32
      %get3A_179 = arith.index_cast %multiple_of3A_178 : i32 to index
      %get3A_180 = tpu.vector_load %arg8[%get3A_179] {strides = array<i32>} : memref<10000xi32, #tpu.memory_space<vmem>>, vector<16xi32>,
      %get3A_181 = vector.shape_cast %get3A_180 : vector<16xi32> to vector<16xi32>
      %multiple_of3A_182 = arith.constant 16 : i32
      %multiple_of3A_183 = tpu.assume_multiple %multiple_of3A_182, 8 : i32
      %swap3A_184 = arith.index_cast %multiple_of3A_183 : i32 to index
      %swap3A_185 = tpu.vector_load %arg10[%swap3A_184] {strides = array<i32>} : memref<80xi32, #tpu.memory_space<vmem>>, vector<16xi32>,
      %swap3A_186 = vector.shape_cast %swap3A_185 : vector<16xi32> to vector<16xi32>
      %swap3A_187 = vector.shape_cast %get3A_181 : vector<16xi32> to vector<16xi32>
      tpu.vector_store %arg10[%swap3A_184], %swap3A_187 {strides = array<i32>} : memref<80xi32, #tpu.memory_space<vmem>>, vector<16xi32>,
      %add3A_188 = arith.constant 32 : i32
      %add3A_189 = arith.addi %mul3A_163, %add3A_188 : i32
      %multiple_of3A_190 = tpu.assume_multiple %add3A_189, 8 : i32
      %get3A_191 = arith.index_cast %multiple_of3A_190 : i32 to index
      %get3A_192 = tpu.vector_load %arg8[%get3A_191] {strides = array<i32>} : memref<10000xi32, #tpu.memory_space<vmem>>, vector<16xi32>,
      %get3A_193 = vector.shape_cast %get3A_192 : vector<16xi32> to vector<16xi32>
      %multiple_of3A_194 = arith.constant 32 : i32
      %multiple_of3A_195 = tpu.assume_multiple %multiple_of3A_194, 8 : i32
      %swap3A_196 = arith.index_cast %multiple_of3A_195 : i32 to index
      %swap3A_197 = tpu.vector_load %arg10[%swap3A_196] {strides = array<i32>} : memref<80xi32, #tpu.memory_space<vmem>>, vector<16xi32>,
      %swap3A_198 = vector.shape_cast %swap3A_197 : vector<16xi32> to vector<16xi32>
      %swap3A_199 = vector.shape_cast %get3A_193 : vector<16xi32> to vector<16xi32>
      tpu.vector_store %arg10[%swap3A_196], %swap3A_199 {strides = array<i32>} : memref<80xi32, #tpu.memory_space<vmem>>, vector<16xi32>,
      %add3A_200 = arith.constant 48 : i32
      %add3A_201 = arith.addi %mul3A_163, %add3A_200 : i32
      %multiple_of3A_202 = tpu.assume_multiple %add3A_201, 8 : i32
      %get3A_203 = arith.index_cast %multiple_of3A_202 : i32 to index
      %get3A_204 = tpu.vector_load %arg8[%get3A_203] {strides = array<i32>} : memref<10000xi32, #tpu.memory_space<vmem>>, vector<16xi32>,
      %get3A_205 = vector.shape_cast %get3A_204 : vector<16xi32> to vector<16xi32>
      %multiple_of3A_206 = arith.constant 48 : i32
      %multiple_of3A_207 = tpu.assume_multiple %multiple_of3A_206, 8 : i32
      %swap3A_208 = arith.index_cast %multiple_of3A_207 : i32 to index
      %swap3A_209 = tpu.vector_load %arg10[%swap3A_208] {strides = array<i32>} : memref<80xi32, #tpu.memory_space<vmem>>, vector<16xi32>,
      %swap3A_210 = vector.shape_cast %swap3A_209 : vector<16xi32> to vector<16xi32>
      %swap3A_211 = vector.shape_cast %get3A_205 : vector<16xi32> to vector<16xi32>
      tpu.vector_store %arg10[%swap3A_208], %swap3A_211 {strides = array<i32>} : memref<80xi32, #tpu.memory_space<vmem>>, vector<16xi32>,
      %add3A_212 = arith.constant 64 : i32
      %add3A_213 = arith.addi %mul3A_163, %add3A_212 : i32
      %multiple_of3A_214 = tpu.assume_multiple %add3A_213, 8 : i32
      %get3A_215 = arith.index_cast %multiple_of3A_214 : i32 to index
      %get3A_216 = tpu.vector_load %arg8[%get3A_215] {strides = array<i32>} : memref<10000xi32, #tpu.memory_space<vmem>>, vector<16xi32>,
      %get3A_217 = vector.shape_cast %get3A_216 : vector<16xi32> to vector<16xi32>
      %multiple_of3A_218 = arith.constant 64 : i32
      %multiple_of3A_219 = tpu.assume_multiple %multiple_of3A_218, 8 : i32
      %swap3A_220 = arith.index_cast %multiple_of3A_219 : i32 to index
      %swap3A_221 = tpu.vector_load %arg10[%swap3A_220] {strides = array<i32>} : memref<80xi32, #tpu.memory_space<vmem>>, vector<16xi32>,
      %swap3A_222 = vector.shape_cast %swap3A_221 : vector<16xi32> to vector<16xi32>
      %swap3A_223 = vector.shape_cast %get3A_217 : vector<16xi32> to vector<16xi32>
      tpu.vector_store %arg10[%swap3A_220], %swap3A_223 {strides = array<i32>} : memref<80xi32, #tpu.memory_space<vmem>>, vector<16xi32>,
      %dma_start3A = arith.constant 0 : i32
      %dma_start3A_224 = tpu.memref_slice %arg5[%dma_start3A] : memref<10240xf32, #tpu.memory_space<vmem_shared>> -> memref<10240xf32, #tpu.memory_space<vmem_shared>>
      tpu.enqueue_indirect_dma source(%arg7 : memref<80xf32, #tpu.memory_space<vmem>>) target(%dma_start3A_224 : memref<10240xf32, #tpu.memory_space<vmem_shared>>) offsets(%arg9 : memref<80xi32, #tpu.memory_space<vmem>>) semaphore(%arg11 : memref<!tpu.dma_semaphore, #tpu.memory_space<semaphore_mem>>) {add = true}
      %dma_start3A_225 = arith.constant 0 : i32
      %dma_start3A_226 = tpu.memref_slice %arg5[%dma_start3A_225] : memref<10240xf32, #tpu.memory_space<vmem_shared>> -> memref<10240xf32, #tpu.memory_space<vmem_shared>>
      tpu.enqueue_indirect_dma source(%arg7 : memref<80xf32, #tpu.memory_space<vmem>>) target(%dma_start3A_226 : memref<10240xf32, #tpu.memory_space<vmem_shared>>) offsets(%arg10 : memref<80xi32, #tpu.memory_space<vmem>>) semaphore(%arg12 : memref<!tpu.dma_semaphore, #tpu.memory_space<semaphore_mem>>) {add = true}
      %dma_wait3A = arith.constant 0 : i32
      %dma_wait3A_227 = tpu.memref_slice %arg5[%dma_wait3A] : memref<10240xf32, #tpu.memory_space<vmem_shared>> -> memref<10240xf32, #tpu.memory_space<vmem_shared>>
      tpu.wait_indirect_dma semaphore(%arg11 : memref<!tpu.dma_semaphore, #tpu.memory_space<semaphore_mem>>) src(%arg7 : memref<80xf32, #tpu.memory_space<vmem>>) dst(%dma_wait3A_227 : memref<10240xf32, #tpu.memory_space<vmem_shared>>)
      %dma_wait3A_228 = arith.constant 0 : i32
      %dma_wait3A_229 = tpu.memref_slice %arg5[%dma_wait3A_228] : memref<10240xf32, #tpu.memory_space<vmem_shared>> -> memref<10240xf32, #tpu.memory_space<vmem_shared>>
      tpu.wait_indirect_dma semaphore(%arg12 : memref<!tpu.dma_semaphore, #tpu.memory_space<semaphore_mem>>) src(%arg7 : memref<80xf32, #tpu.memory_space<vmem>>) dst(%dma_wait3A_229 : memref<10240xf32, #tpu.memory_space<vmem_shared>>)
      %scan3A_230 = arith.constant 0 : i32
      scf.yield %scan3A_230 : i32
    }
    %scan3A_27 = arith.constant 62 : i32
    %multiple_of3A_28 = arith.constant 9920 : i32
    %multiple_of3A_29 = tpu.assume_multiple %multiple_of3A_28, 8 : i32
    %get3A = arith.index_cast %multiple_of3A_29 : i32 to index
    %get3A_30 = tpu.vector_load %arg8[%get3A] {strides = array<i32>} : memref<10000xi32, #tpu.memory_space<vmem>>, vector<16xi32>,
    %get3A_31 = vector.shape_cast %get3A_30 : vector<16xi32> to vector<16xi32>
    %multiple_of3A_32 = arith.constant 0 : i32
    %multiple_of3A_33 = tpu.assume_multiple %multiple_of3A_32, 8 : i32
    %swap3A = arith.index_cast %multiple_of3A_33 : i32 to index
    %swap3A_34 = tpu.vector_load %arg9[%swap3A] {strides = array<i32>} : memref<80xi32, #tpu.memory_space<vmem>>, vector<16xi32>,
    %swap3A_35 = vector.shape_cast %swap3A_34 : vector<16xi32> to vector<16xi32>
    %swap3A_36 = vector.shape_cast %get3A_31 : vector<16xi32> to vector<16xi32>
    tpu.vector_store %arg9[%swap3A], %swap3A_36 {strides = array<i32>} : memref<80xi32, #tpu.memory_space<vmem>>, vector<16xi32>,
    %multiple_of3A_37 = arith.constant 9936 : i32
    %multiple_of3A_38 = tpu.assume_multiple %multiple_of3A_37, 8 : i32
    %get3A_39 = arith.index_cast %multiple_of3A_38 : i32 to index
    %get3A_40 = tpu.vector_load %arg8[%get3A_39] {strides = array<i32>} : memref<10000xi32, #tpu.memory_space<vmem>>, vector<16xi32>,
    %get3A_41 = vector.shape_cast %get3A_40 : vector<16xi32> to vector<16xi32>
    %multiple_of3A_42 = arith.constant 16 : i32
    %multiple_of3A_43 = tpu.assume_multiple %multiple_of3A_42, 8 : i32
    %swap3A_44 = arith.index_cast %multiple_of3A_43 : i32 to index
    %swap3A_45 = tpu.vector_load %arg9[%swap3A_44] {strides = array<i32>} : memref<80xi32, #tpu.memory_space<vmem>>, vector<16xi32>,
    %swap3A_46 = vector.shape_cast %swap3A_45 : vector<16xi32> to vector<16xi32>
    %swap3A_47 = vector.shape_cast %get3A_41 : vector<16xi32> to vector<16xi32>
    tpu.vector_store %arg9[%swap3A_44], %swap3A_47 {strides = array<i32>} : memref<80xi32, #tpu.memory_space<vmem>>, vector<16xi32>,
    %multiple_of3A_48 = arith.constant 9952 : i32
    %multiple_of3A_49 = tpu.assume_multiple %multiple_of3A_48, 8 : i32
    %get3A_50 = arith.index_cast %multiple_of3A_49 : i32 to index
    %get3A_51 = tpu.vector_load %arg8[%get3A_50] {strides = array<i32>} : memref<10000xi32, #tpu.memory_space<vmem>>, vector<16xi32>,
    %get3A_52 = vector.shape_cast %get3A_51 : vector<16xi32> to vector<16xi32>
    %multiple_of3A_53 = arith.constant 32 : i32
    %multiple_of3A_54 = tpu.assume_multiple %multiple_of3A_53, 8 : i32
    %swap3A_55 = arith.index_cast %multiple_of3A_54 : i32 to index
    %swap3A_56 = tpu.vector_load %arg9[%swap3A_55] {strides = array<i32>} : memref<80xi32, #tpu.memory_space<vmem>>, vector<16xi32>,
    %swap3A_57 = vector.shape_cast %swap3A_56 : vector<16xi32> to vector<16xi32>
    %swap3A_58 = vector.shape_cast %get3A_52 : vector<16xi32> to vector<16xi32>
    tpu.vector_store %arg9[%swap3A_55], %swap3A_58 {strides = array<i32>} : memref<80xi32, #tpu.memory_space<vmem>>, vector<16xi32>,
    %multiple_of3A_59 = arith.constant 9968 : i32
    %multiple_of3A_60 = tpu.assume_multiple %multiple_of3A_59, 8 : i32
    %get3A_61 = arith.index_cast %multiple_of3A_60 : i32 to index
    %get3A_62 = tpu.vector_load %arg8[%get3A_61] {strides = array<i32>} : memref<10000xi32, #tpu.memory_space<vmem>>, vector<16xi32>,
    %get3A_63 = vector.shape_cast %get3A_62 : vector<16xi32> to vector<16xi32>
    %multiple_of3A_64 = arith.constant 48 : i32
    %multiple_of3A_65 = tpu.assume_multiple %multiple_of3A_64, 8 : i32
    %swap3A_66 = arith.index_cast %multiple_of3A_65 : i32 to index
    %swap3A_67 = tpu.vector_load %arg9[%swap3A_66] {strides = array<i32>} : memref<80xi32, #tpu.memory_space<vmem>>, vector<16xi32>,
    %swap3A_68 = vector.shape_cast %swap3A_67 : vector<16xi32> to vector<16xi32>
    %swap3A_69 = vector.shape_cast %get3A_63 : vector<16xi32> to vector<16xi32>
    tpu.vector_store %arg9[%swap3A_66], %swap3A_69 {strides = array<i32>} : memref<80xi32, #tpu.memory_space<vmem>>, vector<16xi32>,
    %multiple_of3A_70 = arith.constant 9984 : i32
    %multiple_of3A_71 = tpu.assume_multiple %multiple_of3A_70, 8 : i32
    %get3A_72 = arith.index_cast %multiple_of3A_71 : i32 to index
    %get3A_73 = tpu.vector_load %arg8[%get3A_72] {strides = array<i32>} : memref<10000xi32, #tpu.memory_space<vmem>>, vector<16xi32>,
    %get3A_74 = vector.shape_cast %get3A_73 : vector<16xi32> to vector<16xi32>
    %multiple_of3A_75 = arith.constant 64 : i32
    %multiple_of3A_76 = tpu.assume_multiple %multiple_of3A_75, 8 : i32
    %swap3A_77 = arith.index_cast %multiple_of3A_76 : i32 to index
    %swap3A_78 = tpu.vector_load %arg9[%swap3A_77] {strides = array<i32>} : memref<80xi32, #tpu.memory_space<vmem>>, vector<16xi32>,
    %swap3A_79 = vector.shape_cast %swap3A_78 : vector<16xi32> to vector<16xi32>
    %swap3A_80 = vector.shape_cast %get3A_74 : vector<16xi32> to vector<16xi32>
    tpu.vector_store %arg9[%swap3A_77], %swap3A_80 {strides = array<i32>} : memref<80xi32, #tpu.memory_space<vmem>>, vector<16xi32>,
    "tpu.region"() ({
      %run_scoped3A = tpu.sem_alloc : memref<!tpu.dma_semaphore, #tpu.memory_space<semaphore_mem>>
      %dma_start3A = arith.constant 0 : i32
      %dma_start3A_90 = tpu.memref_slice %arg5[%dma_start3A] : memref<10240xf32, #tpu.memory_space<vmem_shared>> -> memref<10240xf32, #tpu.memory_space<vmem_shared>>
      tpu.enqueue_indirect_dma source(%arg7 : memref<80xf32, #tpu.memory_space<vmem>>) target(%dma_start3A_90 : memref<10240xf32, #tpu.memory_space<vmem_shared>>) offsets(%arg9 : memref<80xi32, #tpu.memory_space<vmem>>) semaphore(%run_scoped3A : memref<!tpu.dma_semaphore, #tpu.memory_space<semaphore_mem>>) {add = true}
      %dma_wait3A = arith.constant 0 : i32
      %dma_wait3A_91 = tpu.memref_slice %arg5[%dma_wait3A] : memref<10240xf32, #tpu.memory_space<vmem_shared>> -> memref<10240xf32, #tpu.memory_space<vmem_shared>>
      tpu.wait_indirect_dma semaphore(%run_scoped3A : memref<!tpu.dma_semaphore, #tpu.memory_space<semaphore_mem>>) src(%arg7 : memref<80xf32, #tpu.memory_space<vmem>>) dst(%dma_wait3A_91 : memref<10240xf32, #tpu.memory_space<vmem_shared>>)
      tpu.yield
    }) : () -> ()
    %barrier3A_81 = arith.constant 0 : index
    tpu.barrier barrier_id(%barrier3A_81)
    %eq3A_82 = arith.constant 0 : i32
    %eq3A_83 = arith.cmpi eq, %arg0, %eq3A_82 : i32
    %convert_element_type3A = arith.extui %eq3A_83 : i1 to i32
    %cond3A = arith.constant 0 : i32
    %cond3A_84 = arith.cmpi ne, %convert_element_type3A, %cond3A : i32
    scf.if %cond3A_84 {
      "tpu.region"() ({
        %run_scoped3A = tpu.sem_alloc : memref<!tpu.dma_semaphore, #tpu.memory_space<semaphore_mem>>
        %dma_start3A = tpu.memref_slice %arg3[%multiple_of3A_20] : memref<10240xf32, #tpu.memory_space<hbm>> -> memref<640xf32, #tpu.memory_space<hbm>>
        %dma_start3A_90 = tpu.memref_slice %arg5[%multiple_of3A_20] : memref<10240xf32, #tpu.memory_space<vmem_shared>> -> memref<640xf32, #tpu.memory_space<vmem_shared>>
        tpu.enqueue_dma source(%dma_start3A_90 : memref<640xf32, #tpu.memory_space<vmem_shared>>) target(%dma_start3A : memref<640xf32, #tpu.memory_space<hbm>>) target_semaphore(%run_scoped3A : memref<!tpu.dma_semaphore, #tpu.memory_space<semaphore_mem>>)
        %dma_wait3A = tpu.memref_slice %arg3[%multiple_of3A_20] : memref<10240xf32, #tpu.memory_space<hbm>> -> memref<640xf32, #tpu.memory_space<hbm>>
        %dma_wait3A_91 = tpu.memref_slice %arg5[%multiple_of3A_20] : memref<10240xf32, #tpu.memory_space<vmem_shared>> -> memref<640xf32, #tpu.memory_space<vmem_shared>>
        tpu.wait_dma2 semaphore(%run_scoped3A : memref<!tpu.dma_semaphore, #tpu.memory_space<semaphore_mem>>) src(%dma_wait3A_91 : memref<640xf32, #tpu.memory_space<vmem_shared>>) dst(%dma_wait3A : memref<640xf32, #tpu.memory_space<hbm>>)
        tpu.yield
      }) : () -> ()
    } else {
    }
    %eq3A_85 = arith.constant 1 : i32
    %eq3A_86 = arith.cmpi eq, %arg0, %eq3A_85 : i32
    %convert_element_type3A_87 = arith.extui %eq3A_86 : i1 to i32
    %cond3A_88 = arith.constant 0 : i32
    %cond3A_89 = arith.cmpi ne, %convert_element_type3A_87, %cond3A_88 : i32
    scf.if %cond3A_89 {
      "tpu.region"() ({
        %run_scoped3A = tpu.sem_alloc : memref<!tpu.dma_semaphore, #tpu.memory_space<semaphore_mem>>
        %dma_start3A = tpu.memref_slice %arg4[%multiple_of3A_20] : memref<10240xf32, #tpu.memory_space<hbm>> -> memref<640xf32, #tpu.memory_space<hbm>>
        %dma_start3A_90 = tpu.memref_slice %arg5[%multiple_of3A_20] : memref<10240xf32, #tpu.memory_space<vmem_shared>> -> memref<640xf32, #tpu.memory_space<vmem_shared>>
        tpu.enqueue_dma source(%dma_start3A_90 : memref<640xf32, #tpu.memory_space<vmem_shared>>) target(%dma_start3A : memref<640xf32, #tpu.memory_space<hbm>>) target_semaphore(%run_scoped3A : memref<!tpu.dma_semaphore, #tpu.memory_space<semaphore_mem>>)
        %dma_wait3A = tpu.memref_slice %arg4[%multiple_of3A_20] : memref<10240xf32, #tpu.memory_space<hbm>> -> memref<640xf32, #tpu.memory_space<hbm>>
        %dma_wait3A_91 = tpu.memref_slice %arg5[%multiple_of3A_20] : memref<10240xf32, #tpu.memory_space<vmem_shared>> -> memref<640xf32, #tpu.memory_space<vmem_shared>>
        tpu.wait_dma2 semaphore(%run_scoped3A : memref<!tpu.dma_semaphore, #tpu.memory_space<semaphore_mem>>) src(%dma_wait3A_91 : memref<640xf32, #tpu.memory_space<vmem_shared>>) dst(%dma_wait3A : memref<640xf32, #tpu.memory_space<hbm>>)
        tpu.yield
      }) : () -> ()
    } else {
    }
    return
  }
}

#map = affine_map<(d0, d1) -> (0, 0)>
#map1 = affine_map<(d0, d1) -> (0)>
module attributes {stable_mosaic.version = 14 : i64} {
  func.func @_scatter_kernel(%arg0: i32, %arg1: i32, %arg2: memref<10240x128xf32, #tpu.memory_space<hbm>>, %arg3: memref<10240x128xf32, #tpu.memory_space<hbm>>, %arg4: memref<320000xi32, #tpu.memory_space<hbm>>, %arg5: memref<320000xi32, #tpu.memory_space<hbm>>, %arg6: memref<10240x128xf32, #tpu.memory_space<hbm>>, %arg7: memref<10240x128xf32, #tpu.memory_space<hbm>>, %arg8: memref<10240x128xf32, #tpu.memory_space<vmem_shared>>, %arg9: memref<80x128xf32, #tpu.memory_space<vmem>>, %arg10: memref<80x128xf32, #tpu.memory_space<vmem>>, %arg11: memref<80x128xf32, #tpu.memory_space<vmem>>, %arg12: memref<80x128xf32, #tpu.memory_space<vmem>>, %arg13: memref<80xi32, #tpu.memory_space<vmem>>, %arg14: memref<80xi32, #tpu.memory_space<vmem>>, %arg15: memref<80xi32, #tpu.memory_space<vmem>>, %arg16: memref<80xi32, #tpu.memory_space<vmem>>, %arg17: memref<80xi32, #tpu.memory_space<vmem>>, %arg18: memref<80xi32, #tpu.memory_space<vmem>>, %arg19: memref<80xi32, #tpu.memory_space<vmem>>, %arg20: memref<80xi32, #tpu.memory_space<vmem>>, %arg21: memref<!tpu.dma_semaphore, #tpu.memory_space<semaphore_mem>>, %arg22: memref<!tpu.dma_semaphore, #tpu.memory_space<semaphore_mem>>, %arg23: memref<!tpu.dma_semaphore, #tpu.memory_space<semaphore_mem>>, %arg24: memref<!tpu.dma_semaphore, #tpu.memory_space<semaphore_mem>>, %arg25: memref<!tpu.dma_semaphore, #tpu.memory_space<semaphore_mem>>, %arg26: memref<!tpu.dma_semaphore, #tpu.memory_space<semaphore_mem>>, %arg27: memref<!tpu.dma_semaphore, #tpu.memory_space<semaphore_mem>>, %arg28: memref<!tpu.dma_semaphore, #tpu.memory_space<semaphore_mem>>) attributes {dimension_semantics = [#tpu.dimension_semantics<core_parallel>, #tpu.dimension_semantics<subcore_parallel>], iteration_bounds = array<i64: 2, 16>, scalar_prefetch = 0 : i64, scratch_operands = 21 : i64, tpu.core_type = #tpu.core_type<sc_vector_subcore>, window_params = [{transform_indices = #map}, {transform_indices = #map}, {transform_indices = #map1}, {transform_indices = #map1}, {transform_indices = #map}, {transform_indices = #map}]} {
    %mul3A = arith.constant 2 : i32
    %mul3A_0 = arith.muli %arg1, %mul3A : i32
    %add3A = arith.addi %mul3A_0, %arg0 : i32
    %mul3A_1 = arith.constant 10000 : i32
    %mul3A_2 = arith.muli %add3A, %mul3A_1 : i32
    %multiple_of3A = tpu.assume_multiple %mul3A_2, 8 : i32
    %add3A_3 = arith.constant 0 : i32
    %add3A_4 = arith.addi %multiple_of3A, %add3A_3 : i32
    %multiple_of3A_5 = tpu.assume_multiple %add3A_4, 8 : i32
    %dma_start3A = tpu.memref_slice %arg4[%multiple_of3A_5] : memref<320000xi32, #tpu.memory_space<hbm>> -> memref<80xi32, #tpu.memory_space<hbm>>
    %dma_start3A_6 = tpu.memref_slice %arg4[%multiple_of3A_5] : memref<320000xi32, #tpu.memory_space<hbm>> -> memref<80xi32, #tpu.memory_space<hbm>>
    tpu.enqueue_dma source(%dma_start3A_6 : memref<80xi32, #tpu.memory_space<hbm>>) target(%arg13 : memref<80xi32, #tpu.memory_space<vmem>>) target_semaphore(%arg21 : memref<!tpu.dma_semaphore, #tpu.memory_space<semaphore_mem>>)
    %add3A_7 = arith.constant 80 : i32
    %add3A_8 = arith.addi %multiple_of3A, %add3A_7 : i32
    %multiple_of3A_9 = tpu.assume_multiple %add3A_8, 8 : i32
    %dma_start3A_10 = tpu.memref_slice %arg4[%multiple_of3A_9] : memref<320000xi32, #tpu.memory_space<hbm>> -> memref<80xi32, #tpu.memory_space<hbm>>
    %dma_start3A_11 = tpu.memref_slice %arg4[%multiple_of3A_9] : memref<320000xi32, #tpu.memory_space<hbm>> -> memref<80xi32, #tpu.memory_space<hbm>>
    tpu.enqueue_dma source(%dma_start3A_11 : memref<80xi32, #tpu.memory_space<hbm>>) target(%arg14 : memref<80xi32, #tpu.memory_space<vmem>>) target_semaphore(%arg21 : memref<!tpu.dma_semaphore, #tpu.memory_space<semaphore_mem>>)
    %add3A_12 = arith.constant 0 : i32
    %add3A_13 = arith.addi %multiple_of3A, %add3A_12 : i32
    %multiple_of3A_14 = tpu.assume_multiple %add3A_13, 8 : i32
    %dma_start3A_15 = tpu.memref_slice %arg5[%multiple_of3A_14] : memref<320000xi32, #tpu.memory_space<hbm>> -> memref<80xi32, #tpu.memory_space<hbm>>
    %dma_start3A_16 = tpu.memref_slice %arg5[%multiple_of3A_14] : memref<320000xi32, #tpu.memory_space<hbm>> -> memref<80xi32, #tpu.memory_space<hbm>>
    tpu.enqueue_dma source(%dma_start3A_16 : memref<80xi32, #tpu.memory_space<hbm>>) target(%arg17 : memref<80xi32, #tpu.memory_space<vmem>>) target_semaphore(%arg23 : memref<!tpu.dma_semaphore, #tpu.memory_space<semaphore_mem>>)
    %add3A_17 = arith.constant 80 : i32
    %add3A_18 = arith.addi %multiple_of3A, %add3A_17 : i32
    %multiple_of3A_19 = tpu.assume_multiple %add3A_18, 8 : i32
    %dma_start3A_20 = tpu.memref_slice %arg5[%multiple_of3A_19] : memref<320000xi32, #tpu.memory_space<hbm>> -> memref<80xi32, #tpu.memory_space<hbm>>
    %dma_start3A_21 = tpu.memref_slice %arg5[%multiple_of3A_19] : memref<320000xi32, #tpu.memory_space<hbm>> -> memref<80xi32, #tpu.memory_space<hbm>>
    tpu.enqueue_dma source(%dma_start3A_21 : memref<80xi32, #tpu.memory_space<hbm>>) target(%arg18 : memref<80xi32, #tpu.memory_space<vmem>>) target_semaphore(%arg23 : memref<!tpu.dma_semaphore, #tpu.memory_space<semaphore_mem>>)
    %add3A_22 = arith.constant 160 : i32
    %add3A_23 = arith.addi %multiple_of3A, %add3A_22 : i32
    %multiple_of3A_24 = tpu.assume_multiple %add3A_23, 8 : i32
    %dma_start3A_25 = tpu.memref_slice %arg4[%multiple_of3A_24] : memref<320000xi32, #tpu.memory_space<hbm>> -> memref<80xi32, #tpu.memory_space<hbm>>
    %dma_start3A_26 = tpu.memref_slice %arg4[%multiple_of3A_24] : memref<320000xi32, #tpu.memory_space<hbm>> -> memref<80xi32, #tpu.memory_space<hbm>>
    tpu.enqueue_dma source(%dma_start3A_26 : memref<80xi32, #tpu.memory_space<hbm>>) target(%arg15 : memref<80xi32, #tpu.memory_space<vmem>>) target_semaphore(%arg22 : memref<!tpu.dma_semaphore, #tpu.memory_space<semaphore_mem>>)
    %add3A_27 = arith.constant 240 : i32
    %add3A_28 = arith.addi %multiple_of3A, %add3A_27 : i32
    %multiple_of3A_29 = tpu.assume_multiple %add3A_28, 8 : i32
    %dma_start3A_30 = tpu.memref_slice %arg4[%multiple_of3A_29] : memref<320000xi32, #tpu.memory_space<hbm>> -> memref<80xi32, #tpu.memory_space<hbm>>
    %dma_start3A_31 = tpu.memref_slice %arg4[%multiple_of3A_29] : memref<320000xi32, #tpu.memory_space<hbm>> -> memref<80xi32, #tpu.memory_space<hbm>>
    tpu.enqueue_dma source(%dma_start3A_31 : memref<80xi32, #tpu.memory_space<hbm>>) target(%arg16 : memref<80xi32, #tpu.memory_space<vmem>>) target_semaphore(%arg22 : memref<!tpu.dma_semaphore, #tpu.memory_space<semaphore_mem>>)
    %mul3A_32 = arith.constant 640 : i32
    %mul3A_33 = arith.muli %arg1, %mul3A_32 : i32
    %multiple_of3A_34 = tpu.assume_multiple %mul3A_33, 8 : i32
    %eq3A = arith.constant 0 : i32
    %eq3A_35 = arith.cmpi eq, %arg0, %eq3A : i32
    %convert_element_type3A = arith.extui %eq3A_35 : i1 to i32
    %cond3A = arith.constant 0 : i32
    %cond3A_36 = arith.cmpi ne, %convert_element_type3A, %cond3A : i32
    scf.if %cond3A_36 {
      "tpu.region"() ({
        %run_scoped3A = tpu.sem_alloc : memref<!tpu.dma_semaphore, #tpu.memory_space<semaphore_mem>>
        %dma_start3A_95 = arith.constant 0 : i32
        %dma_start3A_96 = tpu.memref_slice %arg8[%multiple_of3A_34, %dma_start3A_95] : memref<10240x128xf32, #tpu.memory_space<vmem_shared>> -> memref<640x128xf32, #tpu.memory_space<vmem_shared>>
        %dma_start3A_97 = arith.constant 0 : i32
        %dma_start3A_98 = tpu.memref_slice %arg2[%multiple_of3A_34, %dma_start3A_97] : memref<10240x128xf32, #tpu.memory_space<hbm>> -> memref<640x128xf32, #tpu.memory_space<hbm>>
        tpu.enqueue_dma source(%dma_start3A_98 : memref<640x128xf32, #tpu.memory_space<hbm>>) target(%dma_start3A_96 : memref<640x128xf32, #tpu.memory_space<vmem_shared>>) target_semaphore(%run_scoped3A : memref<!tpu.dma_semaphore, #tpu.memory_space<semaphore_mem>>)
        %dma_wait3A_99 = arith.constant 0 : i32
        %dma_wait3A_100 = tpu.memref_slice %arg8[%multiple_of3A_34, %dma_wait3A_99] : memref<10240x128xf32, #tpu.memory_space<vmem_shared>> -> memref<640x128xf32, #tpu.memory_space<vmem_shared>>
        %dma_wait3A_101 = arith.constant 0 : i32
        %dma_wait3A_102 = tpu.memref_slice %arg2[%multiple_of3A_34, %dma_wait3A_101] : memref<10240x128xf32, #tpu.memory_space<hbm>> -> memref<640x128xf32, #tpu.memory_space<hbm>>
        tpu.wait_dma2 semaphore(%run_scoped3A : memref<!tpu.dma_semaphore, #tpu.memory_space<semaphore_mem>>) src(%dma_wait3A_102 : memref<640x128xf32, #tpu.memory_space<hbm>>) dst(%dma_wait3A_100 : memref<640x128xf32, #tpu.memory_space<vmem_shared>>)
        tpu.yield
      }) : () -> ()
    } else {
    }
    %eq3A_37 = arith.constant 1 : i32
    %eq3A_38 = arith.cmpi eq, %arg0, %eq3A_37 : i32
    %convert_element_type3A_39 = arith.extui %eq3A_38 : i1 to i32
    %cond3A_40 = arith.constant 0 : i32
    %cond3A_41 = arith.cmpi ne, %convert_element_type3A_39, %cond3A_40 : i32
    scf.if %cond3A_41 {
      "tpu.region"() ({
        %run_scoped3A = tpu.sem_alloc : memref<!tpu.dma_semaphore, #tpu.memory_space<semaphore_mem>>
        %dma_start3A_95 = arith.constant 0 : i32
        %dma_start3A_96 = tpu.memref_slice %arg8[%multiple_of3A_34, %dma_start3A_95] : memref<10240x128xf32, #tpu.memory_space<vmem_shared>> -> memref<640x128xf32, #tpu.memory_space<vmem_shared>>
        %dma_start3A_97 = arith.constant 0 : i32
        %dma_start3A_98 = tpu.memref_slice %arg3[%multiple_of3A_34, %dma_start3A_97] : memref<10240x128xf32, #tpu.memory_space<hbm>> -> memref<640x128xf32, #tpu.memory_space<hbm>>
        tpu.enqueue_dma source(%dma_start3A_98 : memref<640x128xf32, #tpu.memory_space<hbm>>) target(%dma_start3A_96 : memref<640x128xf32, #tpu.memory_space<vmem_shared>>) target_semaphore(%run_scoped3A : memref<!tpu.dma_semaphore, #tpu.memory_space<semaphore_mem>>)
        %dma_wait3A_99 = arith.constant 0 : i32
        %dma_wait3A_100 = tpu.memref_slice %arg8[%multiple_of3A_34, %dma_wait3A_99] : memref<10240x128xf32, #tpu.memory_space<vmem_shared>> -> memref<640x128xf32, #tpu.memory_space<vmem_shared>>
        %dma_wait3A_101 = arith.constant 0 : i32
        %dma_wait3A_102 = tpu.memref_slice %arg3[%multiple_of3A_34, %dma_wait3A_101] : memref<10240x128xf32, #tpu.memory_space<hbm>> -> memref<640x128xf32, #tpu.memory_space<hbm>>
        tpu.wait_dma2 semaphore(%run_scoped3A : memref<!tpu.dma_semaphore, #tpu.memory_space<semaphore_mem>>) src(%dma_wait3A_102 : memref<640x128xf32, #tpu.memory_space<hbm>>) dst(%dma_wait3A_100 : memref<640x128xf32, #tpu.memory_space<vmem_shared>>)
        tpu.yield
      }) : () -> ()
    } else {
    }
    %barrier3A = arith.constant 0 : index
    tpu.barrier barrier_id(%barrier3A)
    %add3A_42 = arith.constant 0 : i32
    %add3A_43 = arith.addi %multiple_of3A, %add3A_42 : i32
    %multiple_of3A_44 = tpu.assume_multiple %add3A_43, 8 : i32
    %dma_wait3A = tpu.memref_slice %arg4[%multiple_of3A_44] : memref<320000xi32, #tpu.memory_space<hbm>> -> memref<80xi32, #tpu.memory_space<hbm>>
    %dma_wait3A_45 = tpu.memref_slice %arg4[%multiple_of3A_44] : memref<320000xi32, #tpu.memory_space<hbm>> -> memref<80xi32, #tpu.memory_space<hbm>>
    tpu.wait_dma2 semaphore(%arg21 : memref<!tpu.dma_semaphore, #tpu.memory_space<semaphore_mem>>) src(%dma_wait3A_45 : memref<80xi32, #tpu.memory_space<hbm>>) dst(%arg13 : memref<80xi32, #tpu.memory_space<vmem>>)
    %add3A_46 = arith.constant 80 : i32
    %add3A_47 = arith.addi %multiple_of3A, %add3A_46 : i32
    %multiple_of3A_48 = tpu.assume_multiple %add3A_47, 8 : i32
    %dma_wait3A_49 = tpu.memref_slice %arg4[%multiple_of3A_48] : memref<320000xi32, #tpu.memory_space<hbm>> -> memref<80xi32, #tpu.memory_space<hbm>>
    %dma_wait3A_50 = tpu.memref_slice %arg4[%multiple_of3A_48] : memref<320000xi32, #tpu.memory_space<hbm>> -> memref<80xi32, #tpu.memory_space<hbm>>
    tpu.wait_dma2 semaphore(%arg21 : memref<!tpu.dma_semaphore, #tpu.memory_space<semaphore_mem>>) src(%dma_wait3A_50 : memref<80xi32, #tpu.memory_space<hbm>>) dst(%arg14 : memref<80xi32, #tpu.memory_space<vmem>>)
    %dma_start3A_51 = arith.constant 0 : i32
    %dma_start3A_52 = arith.constant 0 : i32
    %dma_start3A_53 = tpu.memref_slice %arg2[%dma_start3A_51, %dma_start3A_52] : memref<10240x128xf32, #tpu.memory_space<hbm>> -> memref<10240x128xf32, #tpu.memory_space<hbm>>
    tpu.enqueue_indirect_dma source(%dma_start3A_53 : memref<10240x128xf32, #tpu.memory_space<hbm>>) target(%arg9 : memref<80x128xf32, #tpu.memory_space<vmem>>) offsets(%arg13 : memref<80xi32, #tpu.memory_space<vmem>>) semaphore(%arg25 : memref<!tpu.dma_semaphore, #tpu.memory_space<semaphore_mem>>)
    %dma_start3A_54 = arith.constant 0 : i32
    %dma_start3A_55 = arith.constant 0 : i32
    %dma_start3A_56 = tpu.memref_slice %arg2[%dma_start3A_54, %dma_start3A_55] : memref<10240x128xf32, #tpu.memory_space<hbm>> -> memref<10240x128xf32, #tpu.memory_space<hbm>>
    tpu.enqueue_indirect_dma source(%dma_start3A_56 : memref<10240x128xf32, #tpu.memory_space<hbm>>) target(%arg10 : memref<80x128xf32, #tpu.memory_space<vmem>>) offsets(%arg14 : memref<80xi32, #tpu.memory_space<vmem>>) semaphore(%arg25 : memref<!tpu.dma_semaphore, #tpu.memory_space<semaphore_mem>>)
    %scan3A = arith.constant 0 : i32
    %scan3A_57 = arith.constant 0 : i32
    %scan3A_58 = arith.constant 62 : i32
    %scan3A_59 = arith.addi %scan3A_57, %scan3A_58 : i32
    %scan3A_60 = arith.constant 1 : i32
    %scan3A_61 = scf.for %scan3A_95 = %scan3A_57 to %scan3A_59 step %scan3A_60 iter_args(%scan3A_96 = %scan3A) -> (i32)  : i32 {
      %jit3A = arith.constant 2 : i32
      %eq3A_97 = arith.constant 0 : i32
      %eq3A_98 = arith.cmpi eq, %jit3A, %eq3A_97 : i32
      %jit3A_99 = arith.constant 1 : i32
      %select_n3A = arith.select %eq3A_98, %jit3A_99, %jit3A : i32
      %rem3A = arith.remsi %scan3A_95, %select_n3A : i32
      %ne3A = arith.constant 0 : i32
      %ne3A_100 = arith.cmpi ne, %rem3A, %ne3A : i32
      %lt3A = arith.constant 0 : i32
      %lt3A_101 = arith.cmpi slt, %rem3A, %lt3A : i32
      %lt3A_102 = arith.constant 0 : i32
      %lt3A_103 = arith.cmpi slt, %select_n3A, %lt3A_102 : i32
      %ne3A_104 = arith.xori %lt3A_101, %lt3A_103 : i1
      %and3A = arith.andi %ne3A_104, %ne3A_100 : i1
      %add3A_105 = arith.addi %rem3A, %select_n3A : i32
      %select_n3A_106 = arith.select %and3A, %add3A_105, %rem3A : i32
      %eq3A_107 = arith.constant 0 : i32
      %eq3A_108 = arith.cmpi eq, %select_n3A_106, %eq3A_107 : i32
      %convert_element_type3A_109 = arith.extui %eq3A_108 : i1 to i32
      %cond3A_110 = arith.constant 0 : i32
      %cond3A_111 = arith.cmpi ne, %convert_element_type3A_109, %cond3A_110 : i32
      scf.if %cond3A_111 {
        %add3A_134 = arith.constant 1 : i32
        %add3A_135 = arith.addi %scan3A_95, %add3A_134 : i32
        %lt3A_136 = arith.constant 62 : i32
        %lt3A_137 = arith.cmpi slt, %add3A_135, %lt3A_136 : i32
        %convert_element_type3A_138 = arith.extui %lt3A_137 : i1 to i32
        %cond3A_139 = arith.constant 0 : i32
        %cond3A_140 = arith.cmpi ne, %convert_element_type3A_138, %cond3A_139 : i32
        scf.if %cond3A_140 {
          %ge3A = arith.constant 1 : i32
          %ge3A_180 = arith.cmpi sge, %scan3A_95, %ge3A : i32
          %convert_element_type3A_181 = arith.extui %ge3A_180 : i1 to i32
          %cond3A_182 = arith.constant 0 : i32
          %cond3A_183 = arith.cmpi ne, %convert_element_type3A_181, %cond3A_182 : i32
          scf.if %cond3A_183 {
            %dma_wait3A_234 = arith.constant 0 : i32
            %dma_wait3A_235 = arith.constant 0 : i32
            %dma_wait3A_236 = tpu.memref_slice %arg8[%dma_wait3A_234, %dma_wait3A_235] : memref<10240x128xf32, #tpu.memory_space<vmem_shared>> -> memref<10240x128xf32, #tpu.memory_space<vmem_shared>>
            tpu.wait_indirect_dma semaphore(%arg28 : memref<!tpu.dma_semaphore, #tpu.memory_space<semaphore_mem>>) src(%arg11 : memref<80x128xf32, #tpu.memory_space<vmem>>) dst(%dma_wait3A_236 : memref<10240x128xf32, #tpu.memory_space<vmem_shared>>)
            %dma_wait3A_237 = arith.constant 0 : i32
            %dma_wait3A_238 = arith.constant 0 : i32
            %dma_wait3A_239 = tpu.memref_slice %arg8[%dma_wait3A_237, %dma_wait3A_238] : memref<10240x128xf32, #tpu.memory_space<vmem_shared>> -> memref<10240x128xf32, #tpu.memory_space<vmem_shared>>
            tpu.wait_indirect_dma semaphore(%arg28 : memref<!tpu.dma_semaphore, #tpu.memory_space<semaphore_mem>>) src(%arg12 : memref<80x128xf32, #tpu.memory_space<vmem>>) dst(%dma_wait3A_239 : memref<10240x128xf32, #tpu.memory_space<vmem_shared>>)
          } else {
          }
          %add3A_184 = arith.constant 1 : i32
          %add3A_185 = arith.addi %scan3A_95, %add3A_184 : i32
          %mul3A_186 = arith.constant 2 : i32
          %mul3A_187 = arith.muli %add3A_185, %mul3A_186 : i32
          %add3A_188 = arith.constant 0 : i32
          %add3A_189 = arith.addi %mul3A_187, %add3A_188 : i32
          %mul3A_190 = arith.constant 80 : i32
          %mul3A_191 = arith.muli %add3A_189, %mul3A_190 : i32
          %add3A_192 = arith.addi %multiple_of3A, %mul3A_191 : i32
          %multiple_of3A_193 = tpu.assume_multiple %add3A_192, 8 : i32
          %dma_start3A_194 = tpu.memref_slice %arg5[%multiple_of3A_193] : memref<320000xi32, #tpu.memory_space<hbm>> -> memref<80xi32, #tpu.memory_space<hbm>>
          %dma_start3A_195 = tpu.memref_slice %arg5[%multiple_of3A_193] : memref<320000xi32, #tpu.memory_space<hbm>> -> memref<80xi32, #tpu.memory_space<hbm>>
          tpu.enqueue_dma source(%dma_start3A_195 : memref<80xi32, #tpu.memory_space<hbm>>) target(%arg19 : memref<80xi32, #tpu.memory_space<vmem>>) target_semaphore(%arg24 : memref<!tpu.dma_semaphore, #tpu.memory_space<semaphore_mem>>)
          %mul3A_196 = arith.constant 2 : i32
          %mul3A_197 = arith.muli %add3A_185, %mul3A_196 : i32
          %add3A_198 = arith.constant 1 : i32
          %add3A_199 = arith.addi %mul3A_197, %add3A_198 : i32
          %mul3A_200 = arith.constant 80 : i32
          %mul3A_201 = arith.muli %add3A_199, %mul3A_200 : i32
          %add3A_202 = arith.addi %multiple_of3A, %mul3A_201 : i32
          %multiple_of3A_203 = tpu.assume_multiple %add3A_202, 8 : i32
          %dma_start3A_204 = tpu.memref_slice %arg5[%multiple_of3A_203] : memref<320000xi32, #tpu.memory_space<hbm>> -> memref<80xi32, #tpu.memory_space<hbm>>
          %dma_start3A_205 = tpu.memref_slice %arg5[%multiple_of3A_203] : memref<320000xi32, #tpu.memory_space<hbm>> -> memref<80xi32, #tpu.memory_space<hbm>>
          tpu.enqueue_dma source(%dma_start3A_205 : memref<80xi32, #tpu.memory_space<hbm>>) target(%arg20 : memref<80xi32, #tpu.memory_space<vmem>>) target_semaphore(%arg24 : memref<!tpu.dma_semaphore, #tpu.memory_space<semaphore_mem>>)
          %add3A_206 = arith.constant 1 : i32
          %add3A_207 = arith.addi %scan3A_95, %add3A_206 : i32
          %mul3A_208 = arith.constant 2 : i32
          %mul3A_209 = arith.muli %add3A_207, %mul3A_208 : i32
          %add3A_210 = arith.constant 0 : i32
          %add3A_211 = arith.addi %mul3A_209, %add3A_210 : i32
          %mul3A_212 = arith.constant 80 : i32
          %mul3A_213 = arith.muli %add3A_211, %mul3A_212 : i32
          %add3A_214 = arith.addi %multiple_of3A, %mul3A_213 : i32
          %multiple_of3A_215 = tpu.assume_multiple %add3A_214, 8 : i32
          %dma_wait3A_216 = tpu.memref_slice %arg4[%multiple_of3A_215] : memref<320000xi32, #tpu.memory_space<hbm>> -> memref<80xi32, #tpu.memory_space<hbm>>
          %dma_wait3A_217 = tpu.memref_slice %arg4[%multiple_of3A_215] : memref<320000xi32, #tpu.memory_space<hbm>> -> memref<80xi32, #tpu.memory_space<hbm>>
          tpu.wait_dma2 semaphore(%arg22 : memref<!tpu.dma_semaphore, #tpu.memory_space<semaphore_mem>>) src(%dma_wait3A_217 : memref<80xi32, #tpu.memory_space<hbm>>) dst(%arg15 : memref<80xi32, #tpu.memory_space<vmem>>)
          %mul3A_218 = arith.constant 2 : i32
          %mul3A_219 = arith.muli %add3A_207, %mul3A_218 : i32
          %add3A_220 = arith.constant 1 : i32
          %add3A_221 = arith.addi %mul3A_219, %add3A_220 : i32
          %mul3A_222 = arith.constant 80 : i32
          %mul3A_223 = arith.muli %add3A_221, %mul3A_222 : i32
          %add3A_224 = arith.addi %multiple_of3A, %mul3A_223 : i32
          %multiple_of3A_225 = tpu.assume_multiple %add3A_224, 8 : i32
          %dma_wait3A_226 = tpu.memref_slice %arg4[%multiple_of3A_225] : memref<320000xi32, #tpu.memory_space<hbm>> -> memref<80xi32, #tpu.memory_space<hbm>>
          %dma_wait3A_227 = tpu.memref_slice %arg4[%multiple_of3A_225] : memref<320000xi32, #tpu.memory_space<hbm>> -> memref<80xi32, #tpu.memory_space<hbm>>
          tpu.wait_dma2 semaphore(%arg22 : memref<!tpu.dma_semaphore, #tpu.memory_space<semaphore_mem>>) src(%dma_wait3A_227 : memref<80xi32, #tpu.memory_space<hbm>>) dst(%arg16 : memref<80xi32, #tpu.memory_space<vmem>>)
          %dma_start3A_228 = arith.constant 0 : i32
          %dma_start3A_229 = arith.constant 0 : i32
          %dma_start3A_230 = tpu.memref_slice %arg2[%dma_start3A_228, %dma_start3A_229] : memref<10240x128xf32, #tpu.memory_space<hbm>> -> memref<10240x128xf32, #tpu.memory_space<hbm>>
          tpu.enqueue_indirect_dma source(%dma_start3A_230 : memref<10240x128xf32, #tpu.memory_space<hbm>>) target(%arg11 : memref<80x128xf32, #tpu.memory_space<vmem>>) offsets(%arg15 : memref<80xi32, #tpu.memory_space<vmem>>) semaphore(%arg26 : memref<!tpu.dma_semaphore, #tpu.memory_space<semaphore_mem>>)
          %dma_start3A_231 = arith.constant 0 : i32
          %dma_start3A_232 = arith.constant 0 : i32
          %dma_start3A_233 = tpu.memref_slice %arg2[%dma_start3A_231, %dma_start3A_232] : memref<10240x128xf32, #tpu.memory_space<hbm>> -> memref<10240x128xf32, #tpu.memory_space<hbm>>
          tpu.enqueue_indirect_dma source(%dma_start3A_233 : memref<10240x128xf32, #tpu.memory_space<hbm>>) target(%arg12 : memref<80x128xf32, #tpu.memory_space<vmem>>) offsets(%arg16 : memref<80xi32, #tpu.memory_space<vmem>>) semaphore(%arg26 : memref<!tpu.dma_semaphore, #tpu.memory_space<semaphore_mem>>)
        } else {
        }
        %dma_wait3A_141 = arith.constant 0 : i32
        %dma_wait3A_142 = arith.constant 0 : i32
        %dma_wait3A_143 = tpu.memref_slice %arg2[%dma_wait3A_141, %dma_wait3A_142] : memref<10240x128xf32, #tpu.memory_space<hbm>> -> memref<10240x128xf32, #tpu.memory_space<hbm>>
        tpu.wait_indirect_dma semaphore(%arg25 : memref<!tpu.dma_semaphore, #tpu.memory_space<semaphore_mem>>) src(%dma_wait3A_143 : memref<10240x128xf32, #tpu.memory_space<hbm>>) dst(%arg9 : memref<80x128xf32, #tpu.memory_space<vmem>>)
        %dma_wait3A_144 = arith.constant 0 : i32
        %dma_wait3A_145 = arith.constant 0 : i32
        %dma_wait3A_146 = tpu.memref_slice %arg2[%dma_wait3A_144, %dma_wait3A_145] : memref<10240x128xf32, #tpu.memory_space<hbm>> -> memref<10240x128xf32, #tpu.memory_space<hbm>>
        tpu.wait_indirect_dma semaphore(%arg25 : memref<!tpu.dma_semaphore, #tpu.memory_space<semaphore_mem>>) src(%dma_wait3A_146 : memref<10240x128xf32, #tpu.memory_space<hbm>>) dst(%arg10 : memref<80x128xf32, #tpu.memory_space<vmem>>)
        %add3A_147 = arith.constant 2 : i32
        %add3A_148 = arith.addi %scan3A_95, %add3A_147 : i32
        %lt3A_149 = arith.constant 62 : i32
        %lt3A_150 = arith.cmpi slt, %add3A_148, %lt3A_149 : i32
        %convert_element_type3A_151 = arith.extui %lt3A_150 : i1 to i32
        %cond3A_152 = arith.constant 0 : i32
        %cond3A_153 = arith.cmpi ne, %convert_element_type3A_151, %cond3A_152 : i32
        scf.if %cond3A_153 {
          %add3A_180 = arith.constant 2 : i32
          %add3A_181 = arith.addi %scan3A_95, %add3A_180 : i32
          %mul3A_182 = arith.constant 2 : i32
          %mul3A_183 = arith.muli %add3A_181, %mul3A_182 : i32
          %add3A_184 = arith.constant 0 : i32
          %add3A_185 = arith.addi %mul3A_183, %add3A_184 : i32
          %mul3A_186 = arith.constant 80 : i32
          %mul3A_187 = arith.muli %add3A_185, %mul3A_186 : i32
          %add3A_188 = arith.addi %multiple_of3A, %mul3A_187 : i32
          %multiple_of3A_189 = tpu.assume_multiple %add3A_188, 8 : i32
          %dma_start3A_190 = tpu.memref_slice %arg4[%multiple_of3A_189] : memref<320000xi32, #tpu.memory_space<hbm>> -> memref<80xi32, #tpu.memory_space<hbm>>
          %dma_start3A_191 = tpu.memref_slice %arg4[%multiple_of3A_189] : memref<320000xi32, #tpu.memory_space<hbm>> -> memref<80xi32, #tpu.memory_space<hbm>>
          tpu.enqueue_dma source(%dma_start3A_191 : memref<80xi32, #tpu.memory_space<hbm>>) target(%arg13 : memref<80xi32, #tpu.memory_space<vmem>>) target_semaphore(%arg21 : memref<!tpu.dma_semaphore, #tpu.memory_space<semaphore_mem>>)
          %mul3A_192 = arith.constant 2 : i32
          %mul3A_193 = arith.muli %add3A_181, %mul3A_192 : i32
          %add3A_194 = arith.constant 1 : i32
          %add3A_195 = arith.addi %mul3A_193, %add3A_194 : i32
          %mul3A_196 = arith.constant 80 : i32
          %mul3A_197 = arith.muli %add3A_195, %mul3A_196 : i32
          %add3A_198 = arith.addi %multiple_of3A, %mul3A_197 : i32
          %multiple_of3A_199 = tpu.assume_multiple %add3A_198, 8 : i32
          %dma_start3A_200 = tpu.memref_slice %arg4[%multiple_of3A_199] : memref<320000xi32, #tpu.memory_space<hbm>> -> memref<80xi32, #tpu.memory_space<hbm>>
          %dma_start3A_201 = tpu.memref_slice %arg4[%multiple_of3A_199] : memref<320000xi32, #tpu.memory_space<hbm>> -> memref<80xi32, #tpu.memory_space<hbm>>
          tpu.enqueue_dma source(%dma_start3A_201 : memref<80xi32, #tpu.memory_space<hbm>>) target(%arg14 : memref<80xi32, #tpu.memory_space<vmem>>) target_semaphore(%arg21 : memref<!tpu.dma_semaphore, #tpu.memory_space<semaphore_mem>>)
        } else {
        }
        %mul3A_154 = arith.constant 2 : i32
        %mul3A_155 = arith.muli %scan3A_95, %mul3A_154 : i32
        %add3A_156 = arith.constant 0 : i32
        %add3A_157 = arith.addi %mul3A_155, %add3A_156 : i32
        %mul3A_158 = arith.constant 80 : i32
        %mul3A_159 = arith.muli %add3A_157, %mul3A_158 : i32
        %add3A_160 = arith.addi %multiple_of3A, %mul3A_159 : i32
        %multiple_of3A_161 = tpu.assume_multiple %add3A_160, 8 : i32
        %dma_wait3A_162 = tpu.memref_slice %arg5[%multiple_of3A_161] : memref<320000xi32, #tpu.memory_space<hbm>> -> memref<80xi32, #tpu.memory_space<hbm>>
        %dma_wait3A_163 = tpu.memref_slice %arg5[%multiple_of3A_161] : memref<320000xi32, #tpu.memory_space<hbm>> -> memref<80xi32, #tpu.memory_space<hbm>>
        tpu.wait_dma2 semaphore(%arg23 : memref<!tpu.dma_semaphore, #tpu.memory_space<semaphore_mem>>) src(%dma_wait3A_163 : memref<80xi32, #tpu.memory_space<hbm>>) dst(%arg17 : memref<80xi32, #tpu.memory_space<vmem>>)
        %mul3A_164 = arith.constant 2 : i32
        %mul3A_165 = arith.muli %scan3A_95, %mul3A_164 : i32
        %add3A_166 = arith.constant 1 : i32
        %add3A_167 = arith.addi %mul3A_165, %add3A_166 : i32
        %mul3A_168 = arith.constant 80 : i32
        %mul3A_169 = arith.muli %add3A_167, %mul3A_168 : i32
        %add3A_170 = arith.addi %multiple_of3A, %mul3A_169 : i32
        %multiple_of3A_171 = tpu.assume_multiple %add3A_170, 8 : i32
        %dma_wait3A_172 = tpu.memref_slice %arg5[%multiple_of3A_171] : memref<320000xi32, #tpu.memory_space<hbm>> -> memref<80xi32, #tpu.memory_space<hbm>>
        %dma_wait3A_173 = tpu.memref_slice %arg5[%multiple_of3A_171] : memref<320000xi32, #tpu.memory_space<hbm>> -> memref<80xi32, #tpu.memory_space<hbm>>
        tpu.wait_dma2 semaphore(%arg23 : memref<!tpu.dma_semaphore, #tpu.memory_space<semaphore_mem>>) src(%dma_wait3A_173 : memref<80xi32, #tpu.memory_space<hbm>>) dst(%arg18 : memref<80xi32, #tpu.memory_space<vmem>>)
        %dma_start3A_174 = arith.constant 0 : i32
        %dma_start3A_175 = arith.constant 0 : i32
        %dma_start3A_176 = tpu.memref_slice %arg8[%dma_start3A_174, %dma_start3A_175] : memref<10240x128xf32, #tpu.memory_space<vmem_shared>> -> memref<10240x128xf32, #tpu.memory_space<vmem_shared>>
        tpu.enqueue_indirect_dma source(%arg9 : memref<80x128xf32, #tpu.memory_space<vmem>>) target(%dma_start3A_176 : memref<10240x128xf32, #tpu.memory_space<vmem_shared>>) offsets(%arg17 : memref<80xi32, #tpu.memory_space<vmem>>) semaphore(%arg27 : memref<!tpu.dma_semaphore, #tpu.memory_space<semaphore_mem>>) {add = true}
        %dma_start3A_177 = arith.constant 0 : i32
        %dma_start3A_178 = arith.constant 0 : i32
        %dma_start3A_179 = tpu.memref_slice %arg8[%dma_start3A_177, %dma_start3A_178] : memref<10240x128xf32, #tpu.memory_space<vmem_shared>> -> memref<10240x128xf32, #tpu.memory_space<vmem_shared>>
        tpu.enqueue_indirect_dma source(%arg10 : memref<80x128xf32, #tpu.memory_space<vmem>>) target(%dma_start3A_179 : memref<10240x128xf32, #tpu.memory_space<vmem_shared>>) offsets(%arg18 : memref<80xi32, #tpu.memory_space<vmem>>) semaphore(%arg27 : memref<!tpu.dma_semaphore, #tpu.memory_space<semaphore_mem>>) {add = true}
      } else {
      }
      %jit3A_112 = arith.constant 2 : i32
      %eq3A_113 = arith.constant 0 : i32
      %eq3A_114 = arith.cmpi eq, %jit3A_112, %eq3A_113 : i32
      %jit3A_115 = arith.constant 1 : i32
      %select_n3A_116 = arith.select %eq3A_114, %jit3A_115, %jit3A_112 : i32
      %rem3A_117 = arith.remsi %scan3A_95, %select_n3A_116 : i32
      %ne3A_118 = arith.constant 0 : i32
      %ne3A_119 = arith.cmpi ne, %rem3A_117, %ne3A_118 : i32
      %lt3A_120 = arith.constant 0 : i32
      %lt3A_121 = arith.cmpi slt, %rem3A_117, %lt3A_120 : i32
      %lt3A_122 = arith.constant 0 : i32
      %lt3A_123 = arith.cmpi slt, %select_n3A_116, %lt3A_122 : i32
      %ne3A_124 = arith.xori %lt3A_121, %lt3A_123 : i1
      %and3A_125 = arith.andi %ne3A_124, %ne3A_119 : i1
      %add3A_126 = arith.addi %rem3A_117, %select_n3A_116 : i32
      %select_n3A_127 = arith.select %and3A_125, %add3A_126, %rem3A_117 : i32
      %eq3A_128 = arith.constant 1 : i32
      %eq3A_129 = arith.cmpi eq, %select_n3A_127, %eq3A_128 : i32
      %convert_element_type3A_130 = arith.extui %eq3A_129 : i1 to i32
      %cond3A_131 = arith.constant 0 : i32
      %cond3A_132 = arith.cmpi ne, %convert_element_type3A_130, %cond3A_131 : i32
      scf.if %cond3A_132 {
        %add3A_134 = arith.constant 1 : i32
        %add3A_135 = arith.addi %scan3A_95, %add3A_134 : i32
        %lt3A_136 = arith.constant 62 : i32
        %lt3A_137 = arith.cmpi slt, %add3A_135, %lt3A_136 : i32
        %convert_element_type3A_138 = arith.extui %lt3A_137 : i1 to i32
        %cond3A_139 = arith.constant 0 : i32
        %cond3A_140 = arith.cmpi ne, %convert_element_type3A_138, %cond3A_139 : i32
        scf.if %cond3A_140 {
          %ge3A = arith.constant 1 : i32
          %ge3A_180 = arith.cmpi sge, %scan3A_95, %ge3A : i32
          %convert_element_type3A_181 = arith.extui %ge3A_180 : i1 to i32
          %cond3A_182 = arith.constant 0 : i32
          %cond3A_183 = arith.cmpi ne, %convert_element_type3A_181, %cond3A_182 : i32
          scf.if %cond3A_183 {
            %dma_wait3A_234 = arith.constant 0 : i32
            %dma_wait3A_235 = arith.constant 0 : i32
            %dma_wait3A_236 = tpu.memref_slice %arg8[%dma_wait3A_234, %dma_wait3A_235] : memref<10240x128xf32, #tpu.memory_space<vmem_shared>> -> memref<10240x128xf32, #tpu.memory_space<vmem_shared>>
            tpu.wait_indirect_dma semaphore(%arg27 : memref<!tpu.dma_semaphore, #tpu.memory_space<semaphore_mem>>) src(%arg9 : memref<80x128xf32, #tpu.memory_space<vmem>>) dst(%dma_wait3A_236 : memref<10240x128xf32, #tpu.memory_space<vmem_shared>>)
            %dma_wait3A_237 = arith.constant 0 : i32
            %dma_wait3A_238 = arith.constant 0 : i32
            %dma_wait3A_239 = tpu.memref_slice %arg8[%dma_wait3A_237, %dma_wait3A_238] : memref<10240x128xf32, #tpu.memory_space<vmem_shared>> -> memref<10240x128xf32, #tpu.memory_space<vmem_shared>>
            tpu.wait_indirect_dma semaphore(%arg27 : memref<!tpu.dma_semaphore, #tpu.memory_space<semaphore_mem>>) src(%arg10 : memref<80x128xf32, #tpu.memory_space<vmem>>) dst(%dma_wait3A_239 : memref<10240x128xf32, #tpu.memory_space<vmem_shared>>)
          } else {
          }
          %add3A_184 = arith.constant 1 : i32
          %add3A_185 = arith.addi %scan3A_95, %add3A_184 : i32
          %mul3A_186 = arith.constant 2 : i32
          %mul3A_187 = arith.muli %add3A_185, %mul3A_186 : i32
          %add3A_188 = arith.constant 0 : i32
          %add3A_189 = arith.addi %mul3A_187, %add3A_188 : i32
          %mul3A_190 = arith.constant 80 : i32
          %mul3A_191 = arith.muli %add3A_189, %mul3A_190 : i32
          %add3A_192 = arith.addi %multiple_of3A, %mul3A_191 : i32
          %multiple_of3A_193 = tpu.assume_multiple %add3A_192, 8 : i32
          %dma_start3A_194 = tpu.memref_slice %arg5[%multiple_of3A_193] : memref<320000xi32, #tpu.memory_space<hbm>> -> memref<80xi32, #tpu.memory_space<hbm>>
          %dma_start3A_195 = tpu.memref_slice %arg5[%multiple_of3A_193] : memref<320000xi32, #tpu.memory_space<hbm>> -> memref<80xi32, #tpu.memory_space<hbm>>
          tpu.enqueue_dma source(%dma_start3A_195 : memref<80xi32, #tpu.memory_space<hbm>>) target(%arg17 : memref<80xi32, #tpu.memory_space<vmem>>) target_semaphore(%arg23 : memref<!tpu.dma_semaphore, #tpu.memory_space<semaphore_mem>>)
          %mul3A_196 = arith.constant 2 : i32
          %mul3A_197 = arith.muli %add3A_185, %mul3A_196 : i32
          %add3A_198 = arith.constant 1 : i32
          %add3A_199 = arith.addi %mul3A_197, %add3A_198 : i32
          %mul3A_200 = arith.constant 80 : i32
          %mul3A_201 = arith.muli %add3A_199, %mul3A_200 : i32
          %add3A_202 = arith.addi %multiple_of3A, %mul3A_201 : i32
          %multiple_of3A_203 = tpu.assume_multiple %add3A_202, 8 : i32
          %dma_start3A_204 = tpu.memref_slice %arg5[%multiple_of3A_203] : memref<320000xi32, #tpu.memory_space<hbm>> -> memref<80xi32, #tpu.memory_space<hbm>>
          %dma_start3A_205 = tpu.memref_slice %arg5[%multiple_of3A_203] : memref<320000xi32, #tpu.memory_space<hbm>> -> memref<80xi32, #tpu.memory_space<hbm>>
          tpu.enqueue_dma source(%dma_start3A_205 : memref<80xi32, #tpu.memory_space<hbm>>) target(%arg18 : memref<80xi32, #tpu.memory_space<vmem>>) target_semaphore(%arg23 : memref<!tpu.dma_semaphore, #tpu.memory_space<semaphore_mem>>)
          %add3A_206 = arith.constant 1 : i32
          %add3A_207 = arith.addi %scan3A_95, %add3A_206 : i32
          %mul3A_208 = arith.constant 2 : i32
          %mul3A_209 = arith.muli %add3A_207, %mul3A_208 : i32
          %add3A_210 = arith.constant 0 : i32
          %add3A_211 = arith.addi %mul3A_209, %add3A_210 : i32
          %mul3A_212 = arith.constant 80 : i32
          %mul3A_213 = arith.muli %add3A_211, %mul3A_212 : i32
          %add3A_214 = arith.addi %multiple_of3A, %mul3A_213 : i32
          %multiple_of3A_215 = tpu.assume_multiple %add3A_214, 8 : i32
          %dma_wait3A_216 = tpu.memref_slice %arg4[%multiple_of3A_215] : memref<320000xi32, #tpu.memory_space<hbm>> -> memref<80xi32, #tpu.memory_space<hbm>>
          %dma_wait3A_217 = tpu.memref_slice %arg4[%multiple_of3A_215] : memref<320000xi32, #tpu.memory_space<hbm>> -> memref<80xi32, #tpu.memory_space<hbm>>
          tpu.wait_dma2 semaphore(%arg21 : memref<!tpu.dma_semaphore, #tpu.memory_space<semaphore_mem>>) src(%dma_wait3A_217 : memref<80xi32, #tpu.memory_space<hbm>>) dst(%arg13 : memref<80xi32, #tpu.memory_space<vmem>>)
          %mul3A_218 = arith.constant 2 : i32
          %mul3A_219 = arith.muli %add3A_207, %mul3A_218 : i32
          %add3A_220 = arith.constant 1 : i32
          %add3A_221 = arith.addi %mul3A_219, %add3A_220 : i32
          %mul3A_222 = arith.constant 80 : i32
          %mul3A_223 = arith.muli %add3A_221, %mul3A_222 : i32
          %add3A_224 = arith.addi %multiple_of3A, %mul3A_223 : i32
          %multiple_of3A_225 = tpu.assume_multiple %add3A_224, 8 : i32
          %dma_wait3A_226 = tpu.memref_slice %arg4[%multiple_of3A_225] : memref<320000xi32, #tpu.memory_space<hbm>> -> memref<80xi32, #tpu.memory_space<hbm>>
          %dma_wait3A_227 = tpu.memref_slice %arg4[%multiple_of3A_225] : memref<320000xi32, #tpu.memory_space<hbm>> -> memref<80xi32, #tpu.memory_space<hbm>>
          tpu.wait_dma2 semaphore(%arg21 : memref<!tpu.dma_semaphore, #tpu.memory_space<semaphore_mem>>) src(%dma_wait3A_227 : memref<80xi32, #tpu.memory_space<hbm>>) dst(%arg14 : memref<80xi32, #tpu.memory_space<vmem>>)
          %dma_start3A_228 = arith.constant 0 : i32
          %dma_start3A_229 = arith.constant 0 : i32
          %dma_start3A_230 = tpu.memref_slice %arg2[%dma_start3A_228, %dma_start3A_229] : memref<10240x128xf32, #tpu.memory_space<hbm>> -> memref<10240x128xf32, #tpu.memory_space<hbm>>
          tpu.enqueue_indirect_dma source(%dma_start3A_230 : memref<10240x128xf32, #tpu.memory_space<hbm>>) target(%arg9 : memref<80x128xf32, #tpu.memory_space<vmem>>) offsets(%arg13 : memref<80xi32, #tpu.memory_space<vmem>>) semaphore(%arg25 : memref<!tpu.dma_semaphore, #tpu.memory_space<semaphore_mem>>)
          %dma_start3A_231 = arith.constant 0 : i32
          %dma_start3A_232 = arith.constant 0 : i32
          %dma_start3A_233 = tpu.memref_slice %arg2[%dma_start3A_231, %dma_start3A_232] : memref<10240x128xf32, #tpu.memory_space<hbm>> -> memref<10240x128xf32, #tpu.memory_space<hbm>>
          tpu.enqueue_indirect_dma source(%dma_start3A_233 : memref<10240x128xf32, #tpu.memory_space<hbm>>) target(%arg10 : memref<80x128xf32, #tpu.memory_space<vmem>>) offsets(%arg14 : memref<80xi32, #tpu.memory_space<vmem>>) semaphore(%arg25 : memref<!tpu.dma_semaphore, #tpu.memory_space<semaphore_mem>>)
        } else {
        }
        %dma_wait3A_141 = arith.constant 0 : i32
        %dma_wait3A_142 = arith.constant 0 : i32
        %dma_wait3A_143 = tpu.memref_slice %arg2[%dma_wait3A_141, %dma_wait3A_142] : memref<10240x128xf32, #tpu.memory_space<hbm>> -> memref<10240x128xf32, #tpu.memory_space<hbm>>
        tpu.wait_indirect_dma semaphore(%arg26 : memref<!tpu.dma_semaphore, #tpu.memory_space<semaphore_mem>>) src(%dma_wait3A_143 : memref<10240x128xf32, #tpu.memory_space<hbm>>) dst(%arg11 : memref<80x128xf32, #tpu.memory_space<vmem>>)
        %dma_wait3A_144 = arith.constant 0 : i32
        %dma_wait3A_145 = arith.constant 0 : i32
        %dma_wait3A_146 = tpu.memref_slice %arg2[%dma_wait3A_144, %dma_wait3A_145] : memref<10240x128xf32, #tpu.memory_space<hbm>> -> memref<10240x128xf32, #tpu.memory_space<hbm>>
        tpu.wait_indirect_dma semaphore(%arg26 : memref<!tpu.dma_semaphore, #tpu.memory_space<semaphore_mem>>) src(%dma_wait3A_146 : memref<10240x128xf32, #tpu.memory_space<hbm>>) dst(%arg12 : memref<80x128xf32, #tpu.memory_space<vmem>>)
        %add3A_147 = arith.constant 2 : i32
        %add3A_148 = arith.addi %scan3A_95, %add3A_147 : i32
        %lt3A_149 = arith.constant 62 : i32
        %lt3A_150 = arith.cmpi slt, %add3A_148, %lt3A_149 : i32
        %convert_element_type3A_151 = arith.extui %lt3A_150 : i1 to i32
        %cond3A_152 = arith.constant 0 : i32
        %cond3A_153 = arith.cmpi ne, %convert_element_type3A_151, %cond3A_152 : i32
        scf.if %cond3A_153 {
          %add3A_180 = arith.constant 2 : i32
          %add3A_181 = arith.addi %scan3A_95, %add3A_180 : i32
          %mul3A_182 = arith.constant 2 : i32
          %mul3A_183 = arith.muli %add3A_181, %mul3A_182 : i32
          %add3A_184 = arith.constant 0 : i32
          %add3A_185 = arith.addi %mul3A_183, %add3A_184 : i32
          %mul3A_186 = arith.constant 80 : i32
          %mul3A_187 = arith.muli %add3A_185, %mul3A_186 : i32
          %add3A_188 = arith.addi %multiple_of3A, %mul3A_187 : i32
          %multiple_of3A_189 = tpu.assume_multiple %add3A_188, 8 : i32
          %dma_start3A_190 = tpu.memref_slice %arg4[%multiple_of3A_189] : memref<320000xi32, #tpu.memory_space<hbm>> -> memref<80xi32, #tpu.memory_space<hbm>>
          %dma_start3A_191 = tpu.memref_slice %arg4[%multiple_of3A_189] : memref<320000xi32, #tpu.memory_space<hbm>> -> memref<80xi32, #tpu.memory_space<hbm>>
          tpu.enqueue_dma source(%dma_start3A_191 : memref<80xi32, #tpu.memory_space<hbm>>) target(%arg15 : memref<80xi32, #tpu.memory_space<vmem>>) target_semaphore(%arg22 : memref<!tpu.dma_semaphore, #tpu.memory_space<semaphore_mem>>)
          %mul3A_192 = arith.constant 2 : i32
          %mul3A_193 = arith.muli %add3A_181, %mul3A_192 : i32
          %add3A_194 = arith.constant 1 : i32
          %add3A_195 = arith.addi %mul3A_193, %add3A_194 : i32
          %mul3A_196 = arith.constant 80 : i32
          %mul3A_197 = arith.muli %add3A_195, %mul3A_196 : i32
          %add3A_198 = arith.addi %multiple_of3A, %mul3A_197 : i32
          %multiple_of3A_199 = tpu.assume_multiple %add3A_198, 8 : i32
          %dma_start3A_200 = tpu.memref_slice %arg4[%multiple_of3A_199] : memref<320000xi32, #tpu.memory_space<hbm>> -> memref<80xi32, #tpu.memory_space<hbm>>
          %dma_start3A_201 = tpu.memref_slice %arg4[%multiple_of3A_199] : memref<320000xi32, #tpu.memory_space<hbm>> -> memref<80xi32, #tpu.memory_space<hbm>>
          tpu.enqueue_dma source(%dma_start3A_201 : memref<80xi32, #tpu.memory_space<hbm>>) target(%arg16 : memref<80xi32, #tpu.memory_space<vmem>>) target_semaphore(%arg22 : memref<!tpu.dma_semaphore, #tpu.memory_space<semaphore_mem>>)
        } else {
        }
        %mul3A_154 = arith.constant 2 : i32
        %mul3A_155 = arith.muli %scan3A_95, %mul3A_154 : i32
        %add3A_156 = arith.constant 0 : i32
        %add3A_157 = arith.addi %mul3A_155, %add3A_156 : i32
        %mul3A_158 = arith.constant 80 : i32
        %mul3A_159 = arith.muli %add3A_157, %mul3A_158 : i32
        %add3A_160 = arith.addi %multiple_of3A, %mul3A_159 : i32
        %multiple_of3A_161 = tpu.assume_multiple %add3A_160, 8 : i32
        %dma_wait3A_162 = tpu.memref_slice %arg5[%multiple_of3A_161] : memref<320000xi32, #tpu.memory_space<hbm>> -> memref<80xi32, #tpu.memory_space<hbm>>
        %dma_wait3A_163 = tpu.memref_slice %arg5[%multiple_of3A_161] : memref<320000xi32, #tpu.memory_space<hbm>> -> memref<80xi32, #tpu.memory_space<hbm>>
        tpu.wait_dma2 semaphore(%arg24 : memref<!tpu.dma_semaphore, #tpu.memory_space<semaphore_mem>>) src(%dma_wait3A_163 : memref<80xi32, #tpu.memory_space<hbm>>) dst(%arg19 : memref<80xi32, #tpu.memory_space<vmem>>)
        %mul3A_164 = arith.constant 2 : i32
        %mul3A_165 = arith.muli %scan3A_95, %mul3A_164 : i32
        %add3A_166 = arith.constant 1 : i32
        %add3A_167 = arith.addi %mul3A_165, %add3A_166 : i32
        %mul3A_168 = arith.constant 80 : i32
        %mul3A_169 = arith.muli %add3A_167, %mul3A_168 : i32
        %add3A_170 = arith.addi %multiple_of3A, %mul3A_169 : i32
        %multiple_of3A_171 = tpu.assume_multiple %add3A_170, 8 : i32
        %dma_wait3A_172 = tpu.memref_slice %arg5[%multiple_of3A_171] : memref<320000xi32, #tpu.memory_space<hbm>> -> memref<80xi32, #tpu.memory_space<hbm>>
        %dma_wait3A_173 = tpu.memref_slice %arg5[%multiple_of3A_171] : memref<320000xi32, #tpu.memory_space<hbm>> -> memref<80xi32, #tpu.memory_space<hbm>>
        tpu.wait_dma2 semaphore(%arg24 : memref<!tpu.dma_semaphore, #tpu.memory_space<semaphore_mem>>) src(%dma_wait3A_173 : memref<80xi32, #tpu.memory_space<hbm>>) dst(%arg20 : memref<80xi32, #tpu.memory_space<vmem>>)
        %dma_start3A_174 = arith.constant 0 : i32
        %dma_start3A_175 = arith.constant 0 : i32
        %dma_start3A_176 = tpu.memref_slice %arg8[%dma_start3A_174, %dma_start3A_175] : memref<10240x128xf32, #tpu.memory_space<vmem_shared>> -> memref<10240x128xf32, #tpu.memory_space<vmem_shared>>
        tpu.enqueue_indirect_dma source(%arg11 : memref<80x128xf32, #tpu.memory_space<vmem>>) target(%dma_start3A_176 : memref<10240x128xf32, #tpu.memory_space<vmem_shared>>) offsets(%arg19 : memref<80xi32, #tpu.memory_space<vmem>>) semaphore(%arg28 : memref<!tpu.dma_semaphore, #tpu.memory_space<semaphore_mem>>) {add = true}
        %dma_start3A_177 = arith.constant 0 : i32
        %dma_start3A_178 = arith.constant 0 : i32
        %dma_start3A_179 = tpu.memref_slice %arg8[%dma_start3A_177, %dma_start3A_178] : memref<10240x128xf32, #tpu.memory_space<vmem_shared>> -> memref<10240x128xf32, #tpu.memory_space<vmem_shared>>
        tpu.enqueue_indirect_dma source(%arg12 : memref<80x128xf32, #tpu.memory_space<vmem>>) target(%dma_start3A_179 : memref<10240x128xf32, #tpu.memory_space<vmem_shared>>) offsets(%arg20 : memref<80xi32, #tpu.memory_space<vmem>>) semaphore(%arg28 : memref<!tpu.dma_semaphore, #tpu.memory_space<semaphore_mem>>) {add = true}
      } else {
      }
      %scan3A_133 = arith.constant 0 : i32
      scf.yield %scan3A_133 : i32
    }
    %scan3A_62 = arith.constant 62 : i32
    %dma_wait3A_63 = arith.constant 0 : i32
    %dma_wait3A_64 = arith.constant 0 : i32
    %dma_wait3A_65 = tpu.memref_slice %arg8[%dma_wait3A_63, %dma_wait3A_64] : memref<10240x128xf32, #tpu.memory_space<vmem_shared>> -> memref<10240x128xf32, #tpu.memory_space<vmem_shared>>
    tpu.wait_indirect_dma semaphore(%arg27 : memref<!tpu.dma_semaphore, #tpu.memory_space<semaphore_mem>>) src(%arg9 : memref<80x128xf32, #tpu.memory_space<vmem>>) dst(%dma_wait3A_65 : memref<10240x128xf32, #tpu.memory_space<vmem_shared>>)
    %dma_wait3A_66 = arith.constant 0 : i32
    %dma_wait3A_67 = arith.constant 0 : i32
    %dma_wait3A_68 = tpu.memref_slice %arg8[%dma_wait3A_66, %dma_wait3A_67] : memref<10240x128xf32, #tpu.memory_space<vmem_shared>> -> memref<10240x128xf32, #tpu.memory_space<vmem_shared>>
    tpu.wait_indirect_dma semaphore(%arg27 : memref<!tpu.dma_semaphore, #tpu.memory_space<semaphore_mem>>) src(%arg10 : memref<80x128xf32, #tpu.memory_space<vmem>>) dst(%dma_wait3A_68 : memref<10240x128xf32, #tpu.memory_space<vmem_shared>>)
    %dma_wait3A_69 = arith.constant 0 : i32
    %dma_wait3A_70 = arith.constant 0 : i32
    %dma_wait3A_71 = tpu.memref_slice %arg8[%dma_wait3A_69, %dma_wait3A_70] : memref<10240x128xf32, #tpu.memory_space<vmem_shared>> -> memref<10240x128xf32, #tpu.memory_space<vmem_shared>>
    tpu.wait_indirect_dma semaphore(%arg28 : memref<!tpu.dma_semaphore, #tpu.memory_space<semaphore_mem>>) src(%arg11 : memref<80x128xf32, #tpu.memory_space<vmem>>) dst(%dma_wait3A_71 : memref<10240x128xf32, #tpu.memory_space<vmem_shared>>)
    %dma_wait3A_72 = arith.constant 0 : i32
    %dma_wait3A_73 = arith.constant 0 : i32
    %dma_wait3A_74 = tpu.memref_slice %arg8[%dma_wait3A_72, %dma_wait3A_73] : memref<10240x128xf32, #tpu.memory_space<vmem_shared>> -> memref<10240x128xf32, #tpu.memory_space<vmem_shared>>
    tpu.wait_indirect_dma semaphore(%arg28 : memref<!tpu.dma_semaphore, #tpu.memory_space<semaphore_mem>>) src(%arg12 : memref<80x128xf32, #tpu.memory_space<vmem>>) dst(%dma_wait3A_74 : memref<10240x128xf32, #tpu.memory_space<vmem_shared>>)
    %add3A_75 = arith.constant 9920 : i32
    %add3A_76 = arith.addi %multiple_of3A, %add3A_75 : i32
    %multiple_of3A_77 = tpu.assume_multiple %add3A_76, 8 : i32
    "tpu.region"() ({
      %run_scoped3A = tpu.sem_alloc : memref<!tpu.dma_semaphore, #tpu.memory_space<semaphore_mem>>
      %dma_start3A_95 = tpu.memref_slice %arg4[%multiple_of3A_77] : memref<320000xi32, #tpu.memory_space<hbm>> -> memref<80xi32, #tpu.memory_space<hbm>>
      %dma_start3A_96 = tpu.memref_slice %arg4[%multiple_of3A_77] : memref<320000xi32, #tpu.memory_space<hbm>> -> memref<80xi32, #tpu.memory_space<hbm>>
      tpu.enqueue_dma source(%dma_start3A_96 : memref<80xi32, #tpu.memory_space<hbm>>) target(%arg13 : memref<80xi32, #tpu.memory_space<vmem>>) target_semaphore(%run_scoped3A : memref<!tpu.dma_semaphore, #tpu.memory_space<semaphore_mem>>)
      %dma_wait3A_97 = tpu.memref_slice %arg4[%multiple_of3A_77] : memref<320000xi32, #tpu.memory_space<hbm>> -> memref<80xi32, #tpu.memory_space<hbm>>
      %dma_wait3A_98 = tpu.memref_slice %arg4[%multiple_of3A_77] : memref<320000xi32, #tpu.memory_space<hbm>> -> memref<80xi32, #tpu.memory_space<hbm>>
      tpu.wait_dma2 semaphore(%run_scoped3A : memref<!tpu.dma_semaphore, #tpu.memory_space<semaphore_mem>>) src(%dma_wait3A_98 : memref<80xi32, #tpu.memory_space<hbm>>) dst(%arg13 : memref<80xi32, #tpu.memory_space<vmem>>)
      tpu.yield
    }) : () -> ()
    "tpu.region"() ({
      %run_scoped3A = tpu.sem_alloc : memref<!tpu.dma_semaphore, #tpu.memory_space<semaphore_mem>>
      %dma_start3A_95 = tpu.memref_slice %arg5[%multiple_of3A_77] : memref<320000xi32, #tpu.memory_space<hbm>> -> memref<80xi32, #tpu.memory_space<hbm>>
      %dma_start3A_96 = tpu.memref_slice %arg5[%multiple_of3A_77] : memref<320000xi32, #tpu.memory_space<hbm>> -> memref<80xi32, #tpu.memory_space<hbm>>
      tpu.enqueue_dma source(%dma_start3A_96 : memref<80xi32, #tpu.memory_space<hbm>>) target(%arg17 : memref<80xi32, #tpu.memory_space<vmem>>) target_semaphore(%run_scoped3A : memref<!tpu.dma_semaphore, #tpu.memory_space<semaphore_mem>>)
      %dma_wait3A_97 = tpu.memref_slice %arg5[%multiple_of3A_77] : memref<320000xi32, #tpu.memory_space<hbm>> -> memref<80xi32, #tpu.memory_space<hbm>>
      %dma_wait3A_98 = tpu.memref_slice %arg5[%multiple_of3A_77] : memref<320000xi32, #tpu.memory_space<hbm>> -> memref<80xi32, #tpu.memory_space<hbm>>
      tpu.wait_dma2 semaphore(%run_scoped3A : memref<!tpu.dma_semaphore, #tpu.memory_space<semaphore_mem>>) src(%dma_wait3A_98 : memref<80xi32, #tpu.memory_space<hbm>>) dst(%arg17 : memref<80xi32, #tpu.memory_space<vmem>>)
      tpu.yield
    }) : () -> ()
    %dma_start3A_78 = arith.constant 0 : i32
    %dma_start3A_79 = arith.constant 0 : i32
    %dma_start3A_80 = tpu.memref_slice %arg2[%dma_start3A_78, %dma_start3A_79] : memref<10240x128xf32, #tpu.memory_space<hbm>> -> memref<10240x128xf32, #tpu.memory_space<hbm>>
    tpu.enqueue_indirect_dma source(%dma_start3A_80 : memref<10240x128xf32, #tpu.memory_space<hbm>>) target(%arg9 : memref<80x128xf32, #tpu.memory_space<vmem>>) offsets(%arg13 : memref<80xi32, #tpu.memory_space<vmem>>) semaphore(%arg25 : memref<!tpu.dma_semaphore, #tpu.memory_space<semaphore_mem>>)
    %dma_wait3A_81 = arith.constant 0 : i32
    %dma_wait3A_82 = arith.constant 0 : i32
    %dma_wait3A_83 = tpu.memref_slice %arg2[%dma_wait3A_81, %dma_wait3A_82] : memref<10240x128xf32, #tpu.memory_space<hbm>> -> memref<10240x128xf32, #tpu.memory_space<hbm>>
    tpu.wait_indirect_dma semaphore(%arg25 : memref<!tpu.dma_semaphore, #tpu.memory_space<semaphore_mem>>) src(%dma_wait3A_83 : memref<10240x128xf32, #tpu.memory_space<hbm>>) dst(%arg9 : memref<80x128xf32, #tpu.memory_space<vmem>>)
    "tpu.region"() ({
      %run_scoped3A = tpu.sem_alloc : memref<!tpu.dma_semaphore, #tpu.memory_space<semaphore_mem>>
      %dma_start3A_95 = arith.constant 0 : i32
      %dma_start3A_96 = arith.constant 0 : i32
      %dma_start3A_97 = tpu.memref_slice %arg8[%dma_start3A_95, %dma_start3A_96] : memref<10240x128xf32, #tpu.memory_space<vmem_shared>> -> memref<10240x128xf32, #tpu.memory_space<vmem_shared>>
      tpu.enqueue_indirect_dma source(%arg9 : memref<80x128xf32, #tpu.memory_space<vmem>>) target(%dma_start3A_97 : memref<10240x128xf32, #tpu.memory_space<vmem_shared>>) offsets(%arg17 : memref<80xi32, #tpu.memory_space<vmem>>) semaphore(%run_scoped3A : memref<!tpu.dma_semaphore, #tpu.memory_space<semaphore_mem>>) {add = true}
      %dma_wait3A_98 = arith.constant 0 : i32
      %dma_wait3A_99 = arith.constant 0 : i32
      %dma_wait3A_100 = tpu.memref_slice %arg8[%dma_wait3A_98, %dma_wait3A_99] : memref<10240x128xf32, #tpu.memory_space<vmem_shared>> -> memref<10240x128xf32, #tpu.memory_space<vmem_shared>>
      tpu.wait_indirect_dma semaphore(%run_scoped3A : memref<!tpu.dma_semaphore, #tpu.memory_space<semaphore_mem>>) src(%arg9 : memref<80x128xf32, #tpu.memory_space<vmem>>) dst(%dma_wait3A_100 : memref<10240x128xf32, #tpu.memory_space<vmem_shared>>)
      tpu.yield
    }) : () -> ()
    %barrier3A_84 = arith.constant 0 : index
    tpu.barrier barrier_id(%barrier3A_84)
    %eq3A_85 = arith.constant 0 : i32
    %eq3A_86 = arith.cmpi eq, %arg0, %eq3A_85 : i32
    %convert_element_type3A_87 = arith.extui %eq3A_86 : i1 to i32
    %cond3A_88 = arith.constant 0 : i32
    %cond3A_89 = arith.cmpi ne, %convert_element_type3A_87, %cond3A_88 : i32
    scf.if %cond3A_89 {
      "tpu.region"() ({
        %run_scoped3A = tpu.sem_alloc : memref<!tpu.dma_semaphore, #tpu.memory_space<semaphore_mem>>
        %dma_start3A_95 = arith.constant 0 : i32
        %dma_start3A_96 = tpu.memref_slice %arg6[%multiple_of3A_34, %dma_start3A_95] : memref<10240x128xf32, #tpu.memory_space<hbm>> -> memref<640x128xf32, #tpu.memory_space<hbm>>
        %dma_start3A_97 = arith.constant 0 : i32
        %dma_start3A_98 = tpu.memref_slice %arg8[%multiple_of3A_34, %dma_start3A_97] : memref<10240x128xf32, #tpu.memory_space<vmem_shared>> -> memref<640x128xf32, #tpu.memory_space<vmem_shared>>
        tpu.enqueue_dma source(%dma_start3A_98 : memref<640x128xf32, #tpu.memory_space<vmem_shared>>) target(%dma_start3A_96 : memref<640x128xf32, #tpu.memory_space<hbm>>) target_semaphore(%run_scoped3A : memref<!tpu.dma_semaphore, #tpu.memory_space<semaphore_mem>>)
        %dma_wait3A_99 = arith.constant 0 : i32
        %dma_wait3A_100 = tpu.memref_slice %arg6[%multiple_of3A_34, %dma_wait3A_99] : memref<10240x128xf32, #tpu.memory_space<hbm>> -> memref<640x128xf32, #tpu.memory_space<hbm>>
        %dma_wait3A_101 = arith.constant 0 : i32
        %dma_wait3A_102 = tpu.memref_slice %arg8[%multiple_of3A_34, %dma_wait3A_101] : memref<10240x128xf32, #tpu.memory_space<vmem_shared>> -> memref<640x128xf32, #tpu.memory_space<vmem_shared>>
        tpu.wait_dma2 semaphore(%run_scoped3A : memref<!tpu.dma_semaphore, #tpu.memory_space<semaphore_mem>>) src(%dma_wait3A_102 : memref<640x128xf32, #tpu.memory_space<vmem_shared>>) dst(%dma_wait3A_100 : memref<640x128xf32, #tpu.memory_space<hbm>>)
        tpu.yield
      }) : () -> ()
    } else {
    }
    %eq3A_90 = arith.constant 1 : i32
    %eq3A_91 = arith.cmpi eq, %arg0, %eq3A_90 : i32
    %convert_element_type3A_92 = arith.extui %eq3A_91 : i1 to i32
    %cond3A_93 = arith.constant 0 : i32
    %cond3A_94 = arith.cmpi ne, %convert_element_type3A_92, %cond3A_93 : i32
    scf.if %cond3A_94 {
      "tpu.region"() ({
        %run_scoped3A = tpu.sem_alloc : memref<!tpu.dma_semaphore, #tpu.memory_space<semaphore_mem>>
        %dma_start3A_95 = arith.constant 0 : i32
        %dma_start3A_96 = tpu.memref_slice %arg7[%multiple_of3A_34, %dma_start3A_95] : memref<10240x128xf32, #tpu.memory_space<hbm>> -> memref<640x128xf32, #tpu.memory_space<hbm>>
        %dma_start3A_97 = arith.constant 0 : i32
        %dma_start3A_98 = tpu.memref_slice %arg8[%multiple_of3A_34, %dma_start3A_97] : memref<10240x128xf32, #tpu.memory_space<vmem_shared>> -> memref<640x128xf32, #tpu.memory_space<vmem_shared>>
        tpu.enqueue_dma source(%dma_start3A_98 : memref<640x128xf32, #tpu.memory_space<vmem_shared>>) target(%dma_start3A_96 : memref<640x128xf32, #tpu.memory_space<hbm>>) target_semaphore(%run_scoped3A : memref<!tpu.dma_semaphore, #tpu.memory_space<semaphore_mem>>)
        %dma_wait3A_99 = arith.constant 0 : i32
        %dma_wait3A_100 = tpu.memref_slice %arg7[%multiple_of3A_34, %dma_wait3A_99] : memref<10240x128xf32, #tpu.memory_space<hbm>> -> memref<640x128xf32, #tpu.memory_space<hbm>>
        %dma_wait3A_101 = arith.constant 0 : i32
        %dma_wait3A_102 = tpu.memref_slice %arg8[%multiple_of3A_34, %dma_wait3A_101] : memref<10240x128xf32, #tpu.memory_space<vmem_shared>> -> memref<640x128xf32, #tpu.memory_space<vmem_shared>>
        tpu.wait_dma2 semaphore(%run_scoped3A : memref<!tpu.dma_semaphore, #tpu.memory_space<semaphore_mem>>) src(%dma_wait3A_102 : memref<640x128xf32, #tpu.memory_space<vmem_shared>>) dst(%dma_wait3A_100 : memref<640x128xf32, #tpu.memory_space<hbm>>)
        tpu.yield
      }) : () -> ()
    } else {
    }
    return
  }
}

module attributes {stable_mosaic.version = 14 : i64} {
  func.func @_scale_body(%arg0: memref<10240x128xf32, #tpu.memory_space<vmem>>, %arg1: memref<10240x1xf32, #tpu.memory_space<vmem>>, %arg2: memref<10240x1xf32, #tpu.memory_space<vmem>>, %arg3: memref<10240x128xf32, #tpu.memory_space<vmem>>) attributes {dimension_semantics = [], scalar_prefetch = 0 : i64, scratch_operands = 0 : i64, tpu.core_type = #tpu.core_type<tc>} {
    %get3A = arith.constant 0 : index
    %get3A_0 = arith.constant 0 : index
    %get3A_1 = vector.load %arg1[%get3A, %get3A_0] : memref<10240x1xf32, #tpu.memory_space<vmem>>, vector<10240x1xf32>
    %get3A_2 = arith.constant 0 : index
    %get3A_3 = arith.constant 0 : index
    %get3A_4 = vector.load %arg2[%get3A_2, %get3A_3] : memref<10240x1xf32, #tpu.memory_space<vmem>>, vector<10240x1xf32>
    %add3A = arith.addf %get3A_1, %get3A_4 : vector<10240x1xf32>
    %rsqrt3A = math.rsqrt %add3A : vector<10240x1xf32>
    %get3A_5 = arith.constant 0 : index
    %get3A_6 = arith.constant 0 : index
    %get3A_7 = vector.load %arg0[%get3A_5, %get3A_6] : memref<10240x128xf32, #tpu.memory_space<vmem>>, vector<10240x128xf32>
    %mul3A = vector.broadcast %rsqrt3A : vector<10240x1xf32> to vector<10240x128xf32>
    %mul3A_8 = arith.mulf %get3A_7, %mul3A : vector<10240x128xf32>
    %swap3A = arith.constant 0 : index
    %swap3A_9 = arith.constant 0 : index
    %swap3A_10 = vector.load %arg3[%swap3A, %swap3A_9] : memref<10240x128xf32, #tpu.memory_space<vmem>>, vector<10240x128xf32>
    tpu.vector_store %arg3[%swap3A, %swap3A_9], %mul3A_8 {strides = array<i32>} : memref<10240x128xf32, #tpu.memory_space<vmem>>, vector<10240x128xf32>,
    return
  }
}

module attributes {stable_mosaic.version = 14 : i64} {
  func.func @_mid_body(%arg0: i32, %arg1: memref<2048x128xf32, #tpu.memory_space<vmem>>, %arg2: memref<2048x128xf32, #tpu.memory_space<vmem>>, %arg3: memref<2048x1xf32, #tpu.memory_space<vmem>>, %arg4: memref<2048x1xf32, #tpu.memory_space<vmem>>, %arg5: memref<128x256xf32, #tpu.memory_space<vmem>>, %arg6: memref<256xf32, #tpu.memory_space<vmem>>, %arg7: memref<256x128xf32, #tpu.memory_space<vmem>>, %arg8: memref<2048x128xf32, #tpu.memory_space<vmem>>) attributes {dimension_semantics = [#tpu.dimension_semantics<arbitrary>], iteration_bounds = array<i64: 5>, scalar_prefetch = 0 : i64, scratch_operands = 0 : i64, tpu.core_type = #tpu.core_type<tc>, window_params = [{transform_indices = @transform_0, window_bounds = array<i64: 2048, 128>}, {transform_indices = @transform_1, window_bounds = array<i64: 2048, 128>}, {transform_indices = @transform_2, window_bounds = array<i64: 2048, 1>}, {transform_indices = @transform_3, window_bounds = array<i64: 2048, 1>}, {pipeline_mode = #tpu.pipeline_mode<synchronous>, transform_indices = @transform_4, window_bounds = array<i64: 128, 256>}, {pipeline_mode = #tpu.pipeline_mode<synchronous>, transform_indices = @transform_5, window_bounds = array<i64: 256>}, {pipeline_mode = #tpu.pipeline_mode<synchronous>, transform_indices = @transform_6, window_bounds = array<i64: 256, 128>}, {transform_indices = @transform_7, window_bounds = array<i64: 2048, 128>}]} {
    %get3A = arith.constant 0 : index
    %get3A_0 = arith.constant 0 : index
    %get3A_1 = vector.load %arg3[%get3A, %get3A_0] : memref<2048x1xf32, #tpu.memory_space<vmem>>, vector<2048x1xf32>
    %get3A_2 = arith.constant 0 : index
    %get3A_3 = arith.constant 0 : index
    %get3A_4 = vector.load %arg4[%get3A_2, %get3A_3] : memref<2048x1xf32, #tpu.memory_space<vmem>>, vector<2048x1xf32>
    %add3A = arith.addf %get3A_1, %get3A_4 : vector<2048x1xf32>
    %rsqrt3A = math.rsqrt %add3A : vector<2048x1xf32>
    %get3A_5 = arith.constant 0 : index
    %get3A_6 = arith.constant 0 : index
    %get3A_7 = vector.load %arg1[%get3A_5, %get3A_6] : memref<2048x128xf32, #tpu.memory_space<vmem>>, vector<2048x128xf32>
    %get3A_8 = arith.constant 0 : index
    %get3A_9 = arith.constant 0 : index
    %get3A_10 = vector.load %arg2[%get3A_8, %get3A_9] : memref<2048x128xf32, #tpu.memory_space<vmem>>, vector<2048x128xf32>
    %add3A_11 = arith.addf %get3A_7, %get3A_10 : vector<2048x128xf32>
    %mul3A = vector.broadcast %rsqrt3A : vector<2048x1xf32> to vector<2048x128xf32>
    %mul3A_12 = arith.mulf %add3A_11, %mul3A : vector<2048x128xf32>
    %get3A_13 = arith.constant 0 : index
    %get3A_14 = arith.constant 0 : index
    %get3A_15 = vector.load %arg5[%get3A_13, %get3A_14] : memref<128x256xf32, #tpu.memory_space<vmem>>, vector<128x256xf32>
    %get3A_16 = arith.constant 0 : index
    %get3A_17 = arith.constant 0 : index
    %get3A_18 = vector.load %arg7[%get3A_16, %get3A_17] : memref<256x128xf32, #tpu.memory_space<vmem>>, vector<256x128xf32>
    %dot_general3A = arith.constant dense<0.000000e+00> : vector<128x128xf32>
    %dot_general3A_19 = tpu.matmul %get3A_15, %get3A_18, %dot_general3A {dimension_numbers = #tpu.dot_dimension_numbers<[1], [0], [0], [1], [0, 0, 1, 1], [], []>, transpose_lhs_hint = false} : vector<128x256xf32>, vector<256x128xf32>, vector<128x128xf32> -> vector<128x128xf32>
    %dot_general3A_20 = arith.constant dense<0.000000e+00> : vector<2048x128xf32>
    %dot_general3A_21 = tpu.matmul %mul3A_12, %dot_general3A_19, %dot_general3A_20 {dimension_numbers = #tpu.dot_dimension_numbers<[1], [0], [0], [1], [0, 0, 1, 1], [], []>, transpose_lhs_hint = false} : vector<2048x128xf32>, vector<128x128xf32>, vector<2048x128xf32> -> vector<2048x128xf32>
    %get3A_22 = arith.constant 0 : index
    %get3A_23 = vector.load %arg6[%get3A_22] : memref<256xf32, #tpu.memory_space<vmem>>, vector<256xf32>
    %reshape3A = vector.shape_cast %get3A_23 : vector<256xf32> to vector<1x256xf32>
    %get3A_24 = arith.constant 0 : index
    %get3A_25 = arith.constant 0 : index
    %get3A_26 = vector.load %arg7[%get3A_24, %get3A_25] : memref<256x128xf32, #tpu.memory_space<vmem>>, vector<256x128xf32>
    %dot_general3A_27 = arith.constant dense<0.000000e+00> : vector<1x128xf32>
    %dot_general3A_28 = tpu.matmul %reshape3A, %get3A_26, %dot_general3A_27 {dimension_numbers = #tpu.dot_dimension_numbers<[1], [0], [0], [1], [0, 0, 1, 1], [], []>, transpose_lhs_hint = false} : vector<1x256xf32>, vector<256x128xf32>, vector<1x128xf32> -> vector<1x128xf32>
    %add3A_29 = vector.broadcast %dot_general3A_28 : vector<1x128xf32> to vector<2048x128xf32>
    %add3A_30 = arith.addf %dot_general3A_21, %add3A_29 : vector<2048x128xf32>
    %mul3A_31 = vector.broadcast %rsqrt3A : vector<2048x1xf32> to vector<2048x128xf32>
    %mul3A_32 = arith.mulf %add3A_30, %mul3A_31 : vector<2048x128xf32>
    %swap3A = arith.constant 0 : index
    %swap3A_33 = arith.constant 0 : index
    %swap3A_34 = vector.load %arg8[%swap3A, %swap3A_33] : memref<2048x128xf32, #tpu.memory_space<vmem>>, vector<2048x128xf32>
    tpu.vector_store %arg8[%swap3A, %swap3A_33], %mul3A_32 {strides = array<i32>} : memref<2048x128xf32, #tpu.memory_space<vmem>>, vector<2048x128xf32>,
    return
  }
  func.func @transform_0(%arg0: i32) -> (i32, i32) {
    %c0_i32 = arith.constant 0 : i32
    %c0_i32_0 = arith.constant 0 : i32
    return %arg0, %c0_i32 : i32, i32
  }
  func.func @transform_1(%arg0: i32) -> (i32, i32) {
    %c0_i32 = arith.constant 0 : i32
    %c0_i32_0 = arith.constant 0 : i32
    return %arg0, %c0_i32 : i32, i32
  }
  func.func @transform_2(%arg0: i32) -> (i32, i32) {
    %c0_i32 = arith.constant 0 : i32
    %c0_i32_0 = arith.constant 0 : i32
    return %arg0, %c0_i32 : i32, i32
  }
  func.func @transform_3(%arg0: i32) -> (i32, i32) {
    %c0_i32 = arith.constant 0 : i32
    %c0_i32_0 = arith.constant 0 : i32
    return %arg0, %c0_i32 : i32, i32
  }
  func.func @transform_4(%arg0: i32) -> (i32, i32) {
    %c0_i32 = arith.constant 0 : i32
    %c0_i32_0 = arith.constant 0 : i32
    %c0_i32_1 = arith.constant 0 : i32
    return %c0_i32, %c0_i32_0 : i32, i32
  }
  func.func @transform_5(%arg0: i32) -> i32 {
    %c0_i32 = arith.constant 0 : i32
    %c0_i32_0 = arith.constant 0 : i32
    return %c0_i32 : i32
  }
  func.func @transform_6(%arg0: i32) -> (i32, i32) {
    %c0_i32 = arith.constant 0 : i32
    %c0_i32_0 = arith.constant 0 : i32
    %c0_i32_1 = arith.constant 0 : i32
    return %c0_i32, %c0_i32_0 : i32, i32
  }
  func.func @transform_7(%arg0: i32) -> (i32, i32) {
    %c0_i32 = arith.constant 0 : i32
    %c0_i32_0 = arith.constant 0 : i32
    return %arg0, %c0_i32 : i32, i32
  }
}

module attributes {stable_mosaic.version = 14 : i64} {
  func.func @_final_body(%arg0: i32, %arg1: memref<2048x128xf32, #tpu.memory_space<vmem>>, %arg2: memref<2048x128xf32, #tpu.memory_space<vmem>>, %arg3: memref<2048x1xf32, #tpu.memory_space<vmem>>, %arg4: memref<2048x1xf32, #tpu.memory_space<vmem>>, %arg5: memref<128xf32, #tpu.memory_space<vmem>>, %arg6: memref<2048x128xf32, #tpu.memory_space<vmem>>) attributes {dimension_semantics = [#tpu.dimension_semantics<arbitrary>], iteration_bounds = array<i64: 5>, scalar_prefetch = 0 : i64, scratch_operands = 0 : i64, tpu.core_type = #tpu.core_type<tc>, window_params = [{transform_indices = @transform_0, window_bounds = array<i64: 2048, 128>}, {transform_indices = @transform_1, window_bounds = array<i64: 2048, 128>}, {transform_indices = @transform_2, window_bounds = array<i64: 2048, 1>}, {transform_indices = @transform_3, window_bounds = array<i64: 2048, 1>}, {pipeline_mode = #tpu.pipeline_mode<synchronous>, transform_indices = @transform_4, window_bounds = array<i64: 128>}, {transform_indices = @transform_5, window_bounds = array<i64: 2048, 128>}]} {
    %get3A = arith.constant 0 : index
    %get3A_0 = arith.constant 0 : index
    %get3A_1 = vector.load %arg3[%get3A, %get3A_0] : memref<2048x1xf32, #tpu.memory_space<vmem>>, vector<2048x1xf32>
    %get3A_2 = arith.constant 0 : index
    %get3A_3 = arith.constant 0 : index
    %get3A_4 = vector.load %arg4[%get3A_2, %get3A_3] : memref<2048x1xf32, #tpu.memory_space<vmem>>, vector<2048x1xf32>
    %add3A = arith.addf %get3A_1, %get3A_4 : vector<2048x1xf32>
    %rsqrt3A = math.rsqrt %add3A : vector<2048x1xf32>
    %get3A_5 = arith.constant 0 : index
    %get3A_6 = arith.constant 0 : index
    %get3A_7 = vector.load %arg1[%get3A_5, %get3A_6] : memref<2048x128xf32, #tpu.memory_space<vmem>>, vector<2048x128xf32>
    %get3A_8 = arith.constant 0 : index
    %get3A_9 = arith.constant 0 : index
    %get3A_10 = vector.load %arg2[%get3A_8, %get3A_9] : memref<2048x128xf32, #tpu.memory_space<vmem>>, vector<2048x128xf32>
    %add3A_11 = arith.addf %get3A_7, %get3A_10 : vector<2048x128xf32>
    %mul3A = vector.broadcast %rsqrt3A : vector<2048x1xf32> to vector<2048x128xf32>
    %mul3A_12 = arith.mulf %add3A_11, %mul3A : vector<2048x128xf32>
    %get3A_13 = arith.constant 0 : index
    %get3A_14 = vector.load %arg5[%get3A_13] : memref<128xf32, #tpu.memory_space<vmem>>, vector<128xf32>
    %broadcast_in_dim3A = vector.shape_cast %get3A_14 : vector<128xf32> to vector<1x128xf32>
    %add3A_15 = vector.broadcast %broadcast_in_dim3A : vector<1x128xf32> to vector<2048x128xf32>
    %add3A_16 = arith.addf %mul3A_12, %add3A_15 : vector<2048x128xf32>
    %max3A = arith.constant 0.000000e+00 : f32
    %max3A_17 = vector.broadcast %max3A : f32 to vector<2048x128xf32>
    %max3A_18 = arith.maximumf %add3A_16, %max3A_17 : vector<2048x128xf32>
    %swap3A = arith.constant 0 : index
    %swap3A_19 = arith.constant 0 : index
    %swap3A_20 = vector.load %arg6[%swap3A, %swap3A_19] : memref<2048x128xf32, #tpu.memory_space<vmem>>, vector<2048x128xf32>
    tpu.vector_store %arg6[%swap3A, %swap3A_19], %max3A_18 {strides = array<i32>} : memref<2048x128xf32, #tpu.memory_space<vmem>>, vector<2048x128xf32>,
    return
  }
  func.func @transform_0(%arg0: i32) -> (i32, i32) {
    %c0_i32 = arith.constant 0 : i32
    %c0_i32_0 = arith.constant 0 : i32
    return %arg0, %c0_i32 : i32, i32
  }
  func.func @transform_1(%arg0: i32) -> (i32, i32) {
    %c0_i32 = arith.constant 0 : i32
    %c0_i32_0 = arith.constant 0 : i32
    return %arg0, %c0_i32 : i32, i32
  }
  func.func @transform_2(%arg0: i32) -> (i32, i32) {
    %c0_i32 = arith.constant 0 : i32
    %c0_i32_0 = arith.constant 0 : i32
    return %arg0, %c0_i32 : i32, i32
  }
  func.func @transform_3(%arg0: i32) -> (i32, i32) {
    %c0_i32 = arith.constant 0 : i32
    %c0_i32_0 = arith.constant 0 : i32
    return %arg0, %c0_i32 : i32, i32
  }
  func.func @transform_4(%arg0: i32) -> i32 {
    %c0_i32 = arith.constant 0 : i32
    %c0_i32_0 = arith.constant 0 : i32
    return %c0_i32 : i32
  }
  func.func @transform_5(%arg0: i32) -> (i32, i32) {
    %c0_i32 = arith.constant 0 : i32
    %c0_i32_0 = arith.constant 0 : i32
    return %arg0, %c0_i32 : i32, i32
  }
}

</mosaic_0001>

<sc_bundles>
// kernel: kernel.11.cloned.1.call-start
scs
__scs_entry_jumppad:
0x0: {  	(pc) =	sbr.rel $0x88, $3  }
0x1: {  	(tag) =	ssettag $0x0;
	lr =	simm.s32 $0x1  }
0x2: {  	[smem:$0x3F9B] =	sst lr;
	_ =	strace $0xD0000000  }
0x3: {  	_ = 	snop  }
0x4: {  	_ = 	snop  }
0x5: {  	_ = 	snop  }
0x6: {  	_ = 	snop  }
0x7: {  	_ = 	snop  }
__scs_overlays_trampoline_lowered:
0x8: {  	[smem:$0x3FAA] =	sst s0  }
0x9: {  	[smem:$0x3FAB] =	sst s1  }
0xa: {  	[smem:$0x3FAC] =	sst s2  }
0xb: {  	[smem:$0x3FAD] =	sst s3  }
0xc: {  	[smem:$0x3FAE] =	sst s4  }
0xd: {  	[smem:$0x3FAF] =	sst s5  }
0xe: {  	[smem:$0x3FB0] =	sst s6  }
0xf: {  	[smem:$0x3FB1] =	sst s7  }
0x10: {  	[smem:$0x3FB2] =	sst s8  }
0x11: {  	[smem:$0x3FB3] =	sst s9;
	s0 =	simm.s32 @!p0 $0x0  }
0x12: {  	s1 =	sld [smem:$0x3F99];
	s0 =	simm.s32 @p0 $0x1  }
0x13: {  	[smem:$0x3FB4] =	sst s0;
	s0 =	simm.s32 @!p1 $0x0  }
0x14: {  	s2 =	sld [smem:$0x3F98];
	s0 =	simm.s32 @p1 $0x1  }
0x15: {  	[smem:$0x3FB5] =	sst s0;
	s0 =	simm.s32 @!p2 $0x0  }
0x16: {  	s3 =	sld [smem:$0x3FDB];
	s0 =	simm.s32 @p2 $0x1  }
0x17: {  	s4 =	simm.s32 $0x1BF5;
	[smem:$0x3FB7] =	sst s0  }
0x18: {  	s0 =	sld [smem:$0x3F9A];
	_ =	swait.ge [sflag:s4], $0x0  }
0x19: {  	s7 =	sld [smem:$0x3F9B]  }
0x1a: {  	s8 =	sadd.s32 $0xFFFFE003, lr  }
0x1b: {  	s9 =	sadd.s32 $0xFFFFFEF7, lr;
	s5 =	simm.s32 $0xFFFFFFFF;
	p2 =	slt.u32 s8, $0xFFFFF086  }
0x1c: {  	p1 =	slt.u32 s9, $0xF7A;
	s5 =	simm.s32 @!p2 $0x0  }
0x1d: {  	s5 =	simm.s32 @p1 $0x1;
	p0 =	seq.s32 s7, s2  }
0x1e: {  	s7 =	smul.u32 @!p0 $0xF7A, s2;
	p2 =	seq.s32 @!p0 s5, $0x0  }
0x1f: {  	s9 =	smul.u32 $0xF7A, s1;
	s8 =	simm.s32 @!p0 $0x1BF5;
	p2 =	por !p2, p0  }
0x20: {  	[sflag:s8] =	ssyncset.s32 @!p0 $0xFFFFF086;
	s6 =	sadd.s32 @!p0 s3, s7;
	s7 =	simm.s32 @!p0 $0x108  }
0x21: {  	s3 =	sadd.s32 s3, s9;
	s6 =	sadd.s32 @!p0 $0x88, s6;
	s7 =	simm.s32 @p2 $0x1082  }
0x22: {  	[simem:s7], [sflag:s8] =	dma.local @!p0 [hbm:s6], $0xF7A  }
0x23: {  	s9 =	sor.u32 $0xD0000000, s2;
	s6 =	simm.s32 $0x108;
	_ =	swait.ge @!p0 [sflag:s8], $0x0  }
0x24: {  	s3 =	sadd.s32 $0x88, s3;
	s6 =	simm.s32 @!p1 $0x1082;
	[sflag:s4] =	ssyncset.s32 $0xFFFFF086  }
0x25: {  	[simem:s6], [sflag:s4] =	dma.local [hbm:s3], $0xF7A  }
0x26: {  	[smem:$0x3F9B] =	sst s1;
	(tag) =	ssettag s2;
	_ =	strace s9  }
0x27: {  	s1 =	sld [smem:$0x3FAB]  }
0x28: {  	s2 =	sld [smem:$0x3FAC]  }
0x29: {  	s4 =	sld [smem:$0x3FAE]  }
0x2a: {  	p0 =	seq.s32 s5, $0x0;
	s5 =	sld [smem:$0x3FAF]  }
0x2b: {  	s6 =	sld [smem:$0x3FB0]  }
0x2c: {  	s7 =	sld [smem:$0x3FB1]  }
0x2d: {  	s3 =	simm.s32 $0x108;
	s8 =	sld [smem:$0x3FB2]  }
0x2e: {  	s3 =	simm.s32 @!p0 $0x1082;
	s9 =	sld [smem:$0x3FB3]  }
0x2f: {  	lr =	sadd.s32 s0, s3;
	s0 =	sld [smem:$0x3FAA]  }
0x30: {  	s3 =	sld [smem:$0x3FAD]  }
0x31: {  	[smem:$0x3FB6] =	sst s10  }
0x32: {  	s10 =	sld [smem:$0x3FB4];
	_ =	sdelay $0x3  }
0x33: {  	p0 =	seq.s32 s10, $0x1;
	s10 =	sld [smem:$0x3FB6];
	_ =	sdelay $0x3  }
0x34: {  	[smem:$0x3FB6] =	sst s10  }
0x35: {  	s10 =	sld [smem:$0x3FB5];
	_ =	sdelay $0x3  }
0x36: {  	p1 =	seq.s32 s10, $0x1;
	s10 =	sld [smem:$0x3FB6];
	_ =	sdelay $0x3  }
0x37: {  	[smem:$0x3FB6] =	sst s10  }
0x38: {  	s10 =	sld [smem:$0x3FB7]  }
0x39: {  	_ = 	snop;
	(pc) =	sbr.ind lr, $3  }
0x3a: {  	_ = 	snop  }
0x3b: {  	_ = 	snop  }
0x3c: {  	p2 =	seq.s32 s10, $0x1;
	s10 =	sld [smem:$0x3FB6]  }
0x3d: {  	_ =	shalt  }
0x3e: {  	_ =	shalt  }
0x3f: {  	_ =	shalt  }
0x40: {  	_ =	shalt  }
0x41: {  	_ =	shalt  }
0x42: {  	_ =	shalt  }
0x43: {  	_ =	shalt  }
0x44: {  	_ =	shalt  }
0x45: {  	_ =	shalt  }
0x46: {  	_ =	shalt  }
0x47: {  	_ =	shalt  }
0x48: {  	_ =	shalt  }
0x49: {  	_ =	shalt  }
0x4a: {  	_ =	shalt  }
0x4b: {  	_ =	shalt  }
0x4c: {  	_ =	shalt  }
0x4d: {  	_ =	shalt  }
0x4e: {  	_ =	shalt  }
0x4f: {  	_ =	shalt  }
0x50: {  	_ =	shalt  }
0x51: {  	_ =	shalt  }
0x52: {  	_ =	shalt  }
0x53: {  	_ =	shalt  }
0x54: {  	_ =	shalt  }
0x55: {  	_ =	shalt  }
0x56: {  	_ =	shalt  }
0x57: {  	_ =	shalt  }
0x58: {  	_ =	shalt  }
0x59: {  	_ =	shalt  }
0x5a: {  	_ =	shalt  }
0x5b: {  	_ =	shalt  }
0x5c: {  	_ =	shalt  }
0x5d: {  	_ =	shalt  }
0x5e: {  	_ =	shalt  }
0x5f: {  	_ =	shalt  }
0x60: {  	_ =	shalt  }
0x61: {  	_ =	shalt  }
0x62: {  	_ =	shalt  }
0x63: {  	_ =	shalt  }
0x64: {  	_ =	shalt  }
0x65: {  	_ =	shalt  }
0x66: {  	_ =	shalt  }
0x67: {  	_ =	shalt  }
0x68: {  	_ =	shalt  }
0x69: {  	_ =	shalt  }
0x6a: {  	_ =	shalt  }
0x6b: {  	_ =	shalt  }
0x6c: {  	_ =	shalt  }
0x6d: {  	_ =	shalt  }
0x6e: {  	_ =	shalt  }
0x6f: {  	_ =	shalt  }
0x70: {  	_ =	shalt  }
0x71: {  	_ =	shalt  }
0x72: {  	_ =	shalt  }
0x73: {  	_ =	shalt  }
0x74: {  	_ =	shalt  }
0x75: {  	_ =	shalt  }
0x76: {  	_ =	shalt  }
0x77: {  	_ =	shalt  }
0x78: {  	_ =	shalt  }
0x79: {  	_ =	shalt  }
0x7a: {  	_ =	shalt  }
0x7b: {  	_ =	shalt  }
0x7c: {  	_ =	shalt  }
0x7d: {  	_ =	shalt  }
0x7e: {  	_ =	shalt  }
0x7f: {  	_ =	shalt  }
0x80: {  	_ =	shalt  }
0x81: {  	_ =	shalt  }
0x82: {  	_ =	shalt  }
0x83: {  	_ =	shalt  }
0x84: {  	_ =	shalt  }
0x85: {  	_ =	shalt  }
0x86: {  	_ =	shalt  }
0x87: {  	_ =	shalt  }
.Lfunc_end0:
.L_simem_size_0:
called_computation.1_lowered:
.L_overlay_start_0:
0x88: {  	s2 =	sld [smem:$0x3FD9]  }
0x89: {  	s3 =	sld [smem:$0x3FFE];
	_ =	sdelay $0x1  }
0x8a: {  	s1 =	srdreg.scid  }
0x8b: {  	s0 =	sand.u32 $0x1, s1  }
0x8c: {  	s17 =	sshll.u32 s0, $0xA;
	s2 =	sadd.s32 s3, s2  }
0x8d: {  	s2 =	sadd.s32 s2, s17  }
0x8e: {  	[smem:$0x3FC2] =	sst s2  }
0x8f: {  	_ = 	snop  }
0x90: {  	s2 =	sld [smem:$0x3FD0];
	(tm) =	ssettm $0x1  }
0x91: {  	s18 =	sld [smem:$0x3FFB];
	_ =	sdelay $0x3  }
0x92: {  	_ =	strace s18  }
0x93: {  	s3 =	sld [smem:$0x3FFC];
	_ =	sdelay $0x3  }
0x94: {  	_ =	strace s3  }
0x95: {  	s3 =	sld [smem:$0x3FFD];
	_ =	sdelay $0x3  }
0x96: {  	_ =	strace s3  }
0x97: {  	_ =	strace $0x8FFFFFFF  }
0x98: {  	s19 =	sld [smem:$0x3FDB];
	_ =	sdelay $0x1  }
0x99: {  	s4 =	simm.s32 $_scs_section_size  }
0x9a: {  	s5 =	simm.s32 $_size__tile_overlayer_lowered;
	s6 =	simm.s32 $_tile_overlayer_lowered  }
0x9b: {  	s22 =	simm.s32 $0x1BFF;
	s21 =	sshll.u32 s6, $0x1;
	s3 =	sadd.s32 s4, s19  }
0x9c: {  	s7 =	simm.s32 $0x0;
	s20 =	sshll.u32 s5, $0x1;
	s5 =	sadd.s32 s21, s3  }
0x9d: {  	[timem:s7], [sflag:s22] =	dma.local [hbm:s5], s20  }
0x9e: {  	_ =	swait.ge [sflag:s22], s20  }
0x9f: {  	s4 =	ssub.s32 $0x0, s20;
	[sflag:s22] =	ssyncset.done $0x0  }
0xa0: {  	[sflag:s22] =	ssyncadd.s32 s4;
	_ =	sdelay $0x1  }
0xa1: {  	s23 =	simm.s32 $0x1B8B  }
0xa2: {  	_ =	swait.ge [sflag:s23], $0x1  }
0xa3: {  	[sflag:s23] =	ssyncset.done $0x0  }
0xa4: {  	s25 =	simm.s32 $0x1B8E;
	s24 =	sld [smem:$0x3FFE];
	[sflag:s23] =	ssyncadd.s32 $0xFFFFFFFF  }
0xa5: {  	s26 =	simm.s32 $execute0_lowered;
	[smem:$0x3FD2] =	sst s25  }
0xa6: {  	s5 =	sshll.u32 s26, $0x1;
	_ =	strace $0x80000049;
	[dreg:$0x1] =	wrdreg $0xFFFFFFFF  }
0xa7: {  	s28 =	simm.s32 $_size_execute0_lowered;
	s3 =	sadd.s32 s3, s5;
	[dreg:$0x0] =	wrdreg $0x0  }
0xa8: {  	s5 =	sshll.u32 s28, $0x1;
	[dreg:$0x2] =	wrdreg s3  }
0xa9: {  	[dreg:$0x3] =	wrdreg s5  }
0xaa: {  	[dreg:$0x4] =	wrdreg $0xC0  }
0xab: {  	_ =	task [dreg:s7], $0x5FFFF  }
0xac: {  	[dreg:$0x1] =	wrdreg $0xFFFFFFFF  }
0xad: {  	[dreg:$0x0] =	wrdreg $0x60  }
0xae: {  	[dreg:$0x2] =	wrdreg s24  }
0xaf: {  	[dreg:$0x3] =	wrdreg s2  }
0xb0: {  	[dreg:$0x4] =	wrdreg $0x0  }
0xb1: {  	[dreg:$0x5] =	wrdreg $0x9  }
0xb2: {  	_ =	task.clear_ibuf [dreg:s7], $0x6FFFF;
	_ =	strace $0x90000049  }
0xb3: {  	s29 =	simm.s32 $0x9;
	_ =	strace $0x8000004B  }
0xb4: {  	_ =	swait.ge [sflag:s29], $0x1  }
0xb5: {  	[sflag:s29] =	ssyncadd.s32 $0xFFFFFFFF  }
0xb6: {  	_ =	strace $0x9000004B  }
0xb7: {  	_ =	sfence  }
0xb8: {  	s30 =	sld [smem:$0x0];
	_ =	sdelay $0x2  }
0xb9: {  	s31 =	sshll.u32 s1, $0xD;
	s1 =	sshrl.u32 s1, $0x2  }
0xba: {  	s3 =	sand.u32 $0x4000, s31;
	s1 =	sadd.s32 s1, s30  }
0xbb: {  	s0 =	sor.u32 s3, s0;
	s1 =	sshll.u32 s1, $0x11  }
0xbc: {  	s0 =	sor.u32 s1, s0  }
0xbd: {  	s0 =	sadd.s32 $0x8F2B, s0  }
0xbe: {  	[sflag:s0] =	ssyncadd.remote.s32 $0x1  }
0xbf: {  	_ =	sfence.sel $0xFFFF  }
0xc0: {  	[dreg:$0x0] =	wrdreg $0xFFFFFFFF;
	(pc) =	sbr.abs _section_cstart, $3  }
0xc1: {  	[dreg:$0x1] =	wrdreg $0xFFFFFFFF  }
0xc2: {  	_ =	task.clear_ibuf [dreg:s7], $0x2FFFF;
	_ =	strace $0x9FFFFFFF  }
0xc3: {  	(tm) =	ssettm $0x7FFFFFFF  }
tec
execute0_lowered:
.L_overlay_start_1:
0x0: {  	(tag) =	ssettag $0x1  }
0x1: {  	s0 =	rddreg [dreg:$0x0]  }
0x2: {  	s1 =	rddreg [dreg:$0x1]  }
0x3: {  	s2 =	rddreg [dreg:$0x2]  }
0x4: {  	s4 =	srdreg.scid;
	s13 =	stileid.u32  }
0x5: {  	s3 =	simm.s32 $0x0;
	s30 =	simm.s32 $0x9;
	s16 =	simm.s32 $0x2  }
0x6: {  	s6 =	sand.u32 $0x1, s4;
	s18 =	sshll.u32 s13, $0x1;
	s20 =	smul.u32 $0x50000, s13  }
0x7: {  	[smem:$0x7FF] =	sst s3;
	s4 =	sadd.s32 $0x35400, s0;
	s24 =	smul.u32 $0x2800, s13  }
0x8: {  	s8 =	sadd.s32 $0x5D400, s0;
	s10 =	sadd.s32 $0x85400, s0;
	s26 =	smul.u32 $0x4E20, s13  }
0x9: {  	s28 =	sshll.u32 s13, $0x6;
	s13 =	simm.s32 $0x1B800;
	s5 =	sor.u32 s6, s18  }
0xa: {  	_ =	strace $0x8000004A;
	s9 =	ssub.s32 $0x2, s6;
	p0 =	seq.s32 s6, $0x0  }
0xb: {  	s6 =	smul.u32 $0x2710, s6;
	s17 =	sor.u32 $0x1C09, s28;
	s18 =	simm.s32 $0x3  }
0xc: {  	s7 =	smul.u32 $0x2710, s5;
	s5 =	sadd.s32 $0x2A00, s0;
	s11 =	sshrl.u32 s9, $0x1  }
0xd: {  	s0 =	sadd.s32 $0xAD400, s0;
	s23 =	sshrl.u32 s20, $0x2;
	s8 =	smov.u32 @p0 s4  }
0xe: {  	[dreg:$0xf] =	wrdreg s17;
	s9 =	ssub.s32 s9, s11;
	s8 =	sadd.s32 s8, s24  }
0xf: {  	s0 =	smov.u32 @p0 s10;
	s29 =	sadd.s32 s6, s26;
	s26 =	simm.s32 $0x1E280  }
0x10: {  	s10 =	simm.s32 $0x1E300;
	s7 =	sshrl.u32 s7, $0x3;
	s9 =	smax.u32 s9, $0x1  }
0x11: {  	[dreg:$0xe] =	wrdreg s8;
	s0 =	sadd.s32 s0, s24;
	s6 =	sadd.s32 $0x190, s29  }
0x12: {  	s31 =	sadd.s32 $0xF0, s29;
	s24 =	simm.s32 $0x0;
	[dreg:$0xd] =	wrdreg s9  }
0x13: {  	s19 =	sadd.s32 $0xA, s7;
	s15 =	sadd.s32 s5, s7;
	[dreg:$0x10] =	wrdreg s0  }
0x14: {  	s14 =	sadd.s32 s1, s7;
	s7 =	sadd.s32 $0x4D8, s7;
	[dreg:$0x6] =	wrdreg s15  }
0x15: {  	s6 =	sshrl.u32 s6, $0x3;
	s0 =	sadd.s32 $0xA0, s29;
	[dreg:$0x4] =	wrdreg s14  }
0x16: {  	s8 =	sshrl.u32 s31, $0x3;
	s12 =	sadd.s32 s1, s19;
	[dreg:$0x11] =	wrdreg s0  }
0x17: {  	s9 =	simm.s32 $0x4;
	s11 =	sadd.s32 s5, s19;
	[dreg:$0x5] =	wrdreg s12  }
0x18: {  	s21 =	sadd.s32 $0x14, s14;
	s22 =	sadd.s32 $0x1E, s14;
	[dreg:$0x7] =	wrdreg s11  }
0x19: {  	s25 =	sadd.s32 s1, s7;
	s7 =	sadd.s32 s5, s7;
	[dreg:$0x8] =	wrdreg s21  }
0x1a: {  	s19 =	sadd.s32 s6, s1;
	s0 =	simm.s32 $0x50;
	[dreg:$0x9] =	wrdreg s22  }
0x1b: {  	s15 =	simm.s32 $0x8;
	s6 =	simm.s32 $0x5;
	[dreg:$0xb] =	wrdreg s25  }
.Ltmp0:
0x1c: {  	s11 =	sadd.s32 s23, s2;
	[dreg:$0xc] =	wrdreg s7;
	(pc) =	sbr.rel .LBB2_1-.Ltmp0, $4  }
0x1d: {  	s7 =	sadd.s32 $0x140, s29;
	s21 =	sadd.s32 s8, s5;
	s22 =	simm.s32 $0x1E000  }
0x1e: {  	s25 =	simm.s32 $0x1E200;
	s8 =	simm.s32 $0x6;
	s12 =	simm.s32 $0x1E380  }
0x1f: {  	[dreg:$0xa] =	wrdreg s11;
	s7 =	sshrl.u32 s7, $0x3;
	s11 =	simm.s32 $0x19000  }
0x20: {  	s20 =	sadd.s32 s7, s1;
	s1 =	simm.s32 $0x14000;
	s7 =	simm.s32 $0x16800  }
.LBB2_10:
0x21: {  	s14 =	simm.s32 $0x7  }
0x22: {  	_ =	swait.ge [sflag:s14], $0x2800  }
0x23: {  	[sflag:s14] =	ssyncset.done $0x0  }
0x24: {  	[sflag:s14] =	ssyncadd.s32 $0xFFFFD800  }
0x25: {  	_ =	swait.ge [sflag:s14], $0x2800  }
0x26: {  	[sflag:s14] =	ssyncset.done $0x0  }
0x27: {  	[sflag:s14] =	ssyncadd.s32 $0xFFFFD800  }
0x28: {  	_ =	swait.ge [sflag:s15], $0x2800  }
0x29: {  	[sflag:s15] =	ssyncset.done $0x0  }
0x2a: {  	[sflag:s15] =	ssyncadd.s32 $0xFFFFD800  }
0x2b: {  	_ =	swait.ge [sflag:s15], $0x2800  }
0x2c: {  	[sflag:s15] =	ssyncset.done $0x0  }
0x2d: {  	s22 =	simm.s32 $0x1E000;
	s23 =	rddreg [dreg:$0xb];
	[sflag:s15] =	ssyncadd.s32 $0xFFFFD800  }
0x2e: {  	[tilespmem:s22], [sflag:$0x9] =	stream.linear.gather [hbm4b:s23+s3], $0x50, $0x38;
	[tilespmem:$0x1E400] =	vst v63  }
0x2f: {  	_ =	swait.ge [sflag:s30], $0x50  }
0x30: {  	[sflag:s30] =	ssyncset.done $0x0  }
0x31: {  	s28 =	rddreg [dreg:$0xc];
	[sflag:s30] =	ssyncadd.s32 $0xFFFFFFB0  }
0x32: {  	[tilespmem:s25], [sflag:$0x9] =	stream.linear.gather [hbm4b:s28+s3], $0x50, $0x38;
	[tilespmem:$0x1E400] =	vst v63  }
0x33: {  	_ =	swait.ge [sflag:s30], $0x50  }
0x34: {  	[sflag:s30] =	ssyncset.done $0x0  }
0x35: {  	[sflag:s30] =	ssyncadd.s32 $0xFFFFFFB0  }
0x36: {  	[tilespmem:s1], [sflag:$0x5] =	stream.indirect.gather [hbm4b:s4+s0], $0x80, s22, s0, $0xb8;
	[tilespmem:$0x1E400] =	vst v63  }
0x37: {  	_ =	swait.ge [sflag:s6], $0x2800  }
0x38: {  	[sflag:s6] =	ssyncset.done $0x0  }
0x39: {  	[sflag:s6] =	ssyncadd.s32 $0xFFFFD800  }
0x3a: {  	[spmem:s2] =	stream.indirect.scatter.add.f32 [tilespmem:s1], [sflag:$0x9], $0x80, s25, s0, $0xb8;
	[tilespmem:$0x1E400] =	vst v63  }
0x3b: {  	_ =	swait.ge [sflag:s30], $0x2800  }
0x3c: {  	[sflag:s30] =	ssyncset.done $0x0  }
0x3d: {  	[sflag:s30] =	ssyncadd.s32 $0xFFFFD800  }
0x3e: {  	[bflag:$0x0] =	sbarrier.arrive $0xFFFF  }
0x3f: {  	s17 =	rddreg [dreg:$0xf]  }
0x40: {  	s29 =	rddreg [dreg:$0x10]  }
0x41: {  	s23 =	rddreg [dreg:$0x12]  }
0x42: {  	[hbm:s29], [sflag:s17] =	dma.local [spmem:s23], $0x2800  }
0x43: {  	_ =	swait.ge [sflag:s30], $0x2800  }
0x44: {  	s24 =	sadd.s32 $0x1, s24;
	s31 =	rddreg [dreg:$0xd]  }
0x45: {  	p0 =	sne.s32 s24, s31  }
.Ltmp1:
0x46: {  	_ = 	snop;
	(pc) =	sbr.rel @!p0 .LBB2_11-.Ltmp1, $3  }
0x47: {  	_ =	sdelay $0x1  }
0x48: {  	[sflag:s30] =	ssyncset.done $0x0  }
0x49: {  	[sflag:s30] =	ssyncadd.s32 $0xFFFFD800  }
.LBB2_1:
0x4a: {  	s14 =	rddreg [dreg:$0x4]  }
0x4b: {  	[tilespmem:s22], [sflag:$0x1] =	stream.linear.gather [hbm4b:s14+s3], $0x50, $0x38;
	[tilespmem:$0x1E400] =	vst v63  }
0x4c: {  	s28 =	rddreg [dreg:$0x5];
	s23 =	simm.s32 $0x1E080  }
0x4d: {  	[tilespmem:s23], [sflag:$0x1] =	stream.linear.gather [hbm4b:s28+s3], $0x50, $0x38;
	[tilespmem:$0x1E400] =	vst v63  }
0x4e: {  	s29 =	rddreg [dreg:$0x6]  }
0x4f: {  	[tilespmem:s25], [sflag:$0x3] =	stream.linear.gather [hbm4b:s29+s3], $0x50, $0x38;
	[tilespmem:$0x1E400] =	vst v63  }
0x50: {  	s28 =	rddreg [dreg:$0x7]  }
0x51: {  	[tilespmem:s26], [sflag:$0x3] =	stream.linear.gather [hbm4b:s28+s3], $0x50, $0x38;
	[tilespmem:$0x1E400] =	vst v63  }
0x52: {  	s29 =	rddreg [dreg:$0x8];
	s28 =	simm.s32 $0x1E100  }
0x53: {  	[tilespmem:s28], [sflag:$0x2] =	stream.linear.gather [hbm4b:s29+s3], $0x50, $0x38;
	[tilespmem:$0x1E400] =	vst v63  }
0x54: {  	s14 =	rddreg [dreg:$0x9];
	s29 =	simm.s32 $0x1E180  }
0x55: {  	[tilespmem:s29], [sflag:$0x2] =	stream.linear.gather [hbm4b:s14+s3], $0x50, $0x38;
	[tilespmem:$0x1E400] =	vst v63  }
0x56: {  	s29 =	rddreg [dreg:$0xa]  }
0x57: {  	s14 =	sshrl.u32 s29, $0x3;
	s29 =	rddreg [dreg:$0xe]  }
0x58: {  	[dreg:$0x12] =	wrdreg s14  }
0x59: {  	[spmem:s14], [sflag:s17] =	dma.local [hbm:s29], $0x2800  }
0x5a: {  	_ =	swait.ge [sflag:s30], $0x2800  }
0x5b: {  	[sflag:s30] =	ssyncset.done $0x0  }
0x5c: {  	[sflag:s30] =	ssyncadd.s32 $0xFFFFD800  }
0x5d: {  	s29 =	simm.s32 $0x1;
	[bflag:$0x0] =	sbarrier.arrive $0xFFFF  }
0x5e: {  	_ =	swait.ge [sflag:s29], $0x50  }
0x5f: {  	[sflag:s29] =	ssyncset.done $0x0  }
0x60: {  	[sflag:s29] =	ssyncadd.s32 $0xFFFFFFB0  }
0x61: {  	_ =	swait.ge [sflag:s29], $0x50  }
0x62: {  	[sflag:s29] =	ssyncset.done $0x0  }
.Ltmp2:
0x63: {  	[sflag:s29] =	ssyncadd.s32 $0xFFFFFFB0;
	(pc) =	sbr.rel .LBB2_2-.Ltmp2, $4  }
0x64: {  	[tilespmem:s1], [sflag:$0x5] =	stream.indirect.gather [hbm4b:s4+s0], $0x80, s22, s0, $0xb8;
	[tilespmem:$0x1E400] =	vst v63  }
0x65: {  	_ = 	snop  }
0x66: {  	[tilespmem:s7], [sflag:$0x5] =	stream.indirect.gather [hbm4b:s4+s0], $0x80, s23, s0, $0xb8;
	[tilespmem:$0x1E400] =	vst v63  }
0x67: {  	s31 =	simm.s32 $0x0;
	s17 =	rddreg [dreg:$0x11];
	s23 =	simm.s32 $0x0  }
.LBB2_8:
0x68: {  	p0 =	seq.s32 s23, $0x4C4  }
0x69: {  	s14 =	simm.s32 @!p0 $0x7  }
0x6a: {  	_ =	swait.ge @!p0 [sflag:s14], $0x2800  }
0x6b: {  	[sflag:s14] =	ssyncset.done @!p0 $0x0  }
0x6c: {  	[sflag:s14] =	ssyncadd.s32 @!p0 $0xFFFFD800  }
0x6d: {  	_ =	swait.ge @!p0 [sflag:s14], $0x2800  }
0x6e: {  	[sflag:s14] =	ssyncset.done @!p0 $0x0  }
0x6f: {  	[sflag:s14] =	ssyncadd.s32 @!p0 $0xFFFFD800;
	s14 =	sshrl.u32 @!p0 s17, $0x3  }
0x70: {  	s22 =	simm.s32 @!p0 $0x0;
	s28 =	simm.s32 @!p0 $0x1E200;
	s14 =	sadd.s32 @!p0 s5, s14  }
0x71: {  	[tilespmem:s28], [sflag:$0x3] =	stream.linear.gather @!p0 [hbm4b:s14+s22], $0x50, $0x38;
	[tilespmem:$0x1E400] =	vst v63  }
0x72: {  	s14 =	sadd.s32 @!p0 s23, s21;
	s28 =	simm.s32 @!p0 $0x1E280  }
0x73: {  	[tilespmem:s28], [sflag:$0x3] =	stream.linear.gather @!p0 [hbm4b:s14+s22], $0x50, $0x38;
	[tilespmem:$0x1E400] =	vst v63  }
0x74: {  	s14 =	simm.s32 @!p0 $0x1  }
0x75: {  	_ =	swait.ge @!p0 [sflag:s14], $0x50  }
0x76: {  	[sflag:s14] =	ssyncset.done @!p0 $0x0  }
0x77: {  	[sflag:s14] =	ssyncadd.s32 @!p0 $0xFFFFFFB0  }
0x78: {  	_ =	swait.ge @!p0 [sflag:s14], $0x50  }
0x79: {  	s22 =	simm.s32 @!p0 $0x1E000;
	[sflag:s14] =	ssyncset.done @!p0 $0x0  }
0x7a: {  	s28 =	simm.s32 @!p0 $0x14000;
	[sflag:s14] =	ssyncadd.s32 @!p0 $0xFFFFFFB0;
	s14 =	simm.s32 @!p0 $0x50  }
0x7b: {  	[tilespmem:s28], [sflag:$0x5] =	stream.indirect.gather @!p0 [hbm4b:s4+s14], $0x80, s22, s14, $0xb8;
	[tilespmem:$0x1E400] =	vst v63  }
0x7c: {  	s22 =	simm.s32 @!p0 $0x1E080;
	s28 =	simm.s32 @!p0 $0x16800  }
0x7d: {  	[tilespmem:s28], [sflag:$0x5] =	stream.indirect.gather @!p0 [hbm4b:s4+s14], $0x80, s22, s14, $0xb8;
	[tilespmem:$0x1E400] =	vst v63  }
0x7e: {  	_ =	swait.ge [sflag:s8], $0x2800  }
0x7f: {  	[sflag:s8] =	ssyncset.done $0x0  }
0x80: {  	[sflag:s8] =	ssyncadd.s32 $0xFFFFD800  }
0x81: {  	p0 =	sgt.u32 s31, $0x3B;
	_ =	swait.ge [sflag:s8], $0x2800  }
0x82: {  	s14 =	sadd.s32 @!p0 s23, s20;
	[sflag:s8] =	ssyncset.done $0x0  }
0x83: {  	s22 =	simm.s32 @!p0 $0x0;
	s28 =	simm.s32 @!p0 $0x1E100;
	[sflag:s8] =	ssyncadd.s32 $0xFFFFD800  }
0x84: {  	[tilespmem:s28], [sflag:$0x2] =	stream.linear.gather @!p0 [hbm4b:s14+s22], $0x50, $0x38;
	[tilespmem:$0x1E400] =	vst v63  }
0x85: {  	s14 =	sadd.s32 @!p0 s23, s19;
	s28 =	simm.s32 @!p0 $0x1E180  }
0x86: {  	[tilespmem:s28], [sflag:$0x2] =	stream.linear.gather @!p0 [hbm4b:s14+s22], $0x50, $0x38;
	[tilespmem:$0x1E400] =	vst v63  }
0x87: {  	_ =	swait.ge [sflag:s9], $0x50  }
0x88: {  	[sflag:s9] =	ssyncset.done $0x0  }
0x89: {  	[sflag:s9] =	ssyncadd.s32 $0xFFFFFFB0  }
0x8a: {  	_ =	swait.ge [sflag:s9], $0x50  }
0x8b: {  	[sflag:s9] =	ssyncset.done $0x0  }
0x8c: {  	[sflag:s9] =	ssyncadd.s32 $0xFFFFFFB0  }
0x8d: {  	[spmem:s2] =	stream.indirect.scatter.add.f32 [tilespmem:s11], [sflag:$0x8], $0x80, s10, s0, $0xb8;
	[tilespmem:$0x1E400] =	vst v63  }
0x8e: {  	_ = 	snop  }
0x8f: {  	[spmem:s2] =	stream.indirect.scatter.add.f32 [tilespmem:s13], [sflag:$0x8], $0x80, s12, s0, $0xb8;
	[tilespmem:$0x1E400] =	vst v63  }
.LBB2_9:
0x90: {  	s23 =	sadd.s32 $0x14, s23  }
0x91: {  	p0 =	sne.s32 s23, $0x4D8  }
.Ltmp3:
0x92: {  	_ = 	snop;
	(pc) =	sbr.rel @!p0 .LBB2_10-.Ltmp3, $2  }
0x93: {  	_ =	sdelay $0x2  }
0x94: {  	s31 =	sadd.s32 $0x1, s31;
	s17 =	sadd.s32 $0xA0, s17  }
.LBB2_2:
0x95: {  	s14 =	sand.u32 $0x1, s31  }
0x96: {  	p0 =	seq.s32 s14, $0x1  }
.Ltmp4:
0x97: {  	_ = 	snop;
	(pc) =	sbr.rel @p0 .LBB2_8-.Ltmp4, $1  }
0x98: {  	_ =	sdelay $0x3  }
0x99: {  	p0 =	seq.s32 s31, $0x0  }
.Ltmp5:
0x9a: {  	_ = 	snop;
	(pc) =	sbr.rel @p0 .LBB2_6-.Ltmp5, $1  }
0x9b: {  	_ =	sdelay $0x3  }
0x9c: {  	p0 =	seq.s32 s31, $0x3D  }
.Ltmp6:
0x9d: {  	_ = 	snop;
	(pc) =	sbr.rel @p0 .LBB2_7-.Ltmp6, $1  }
0x9e: {  	_ =	sdelay $0x3  }
0x9f: {  	_ =	swait.ge [sflag:s15], $0x2800  }
0xa0: {  	[sflag:s15] =	ssyncset.done $0x0  }
0xa1: {  	[sflag:s15] =	ssyncadd.s32 $0xFFFFD800  }
0xa2: {  	_ =	swait.ge [sflag:s15], $0x2800  }
0xa3: {  	[sflag:s15] =	ssyncset.done $0x0  }
0xa4: {  	[sflag:s15] =	ssyncadd.s32 $0xFFFFD800  }
.LBB2_6:
0xa5: {  	s22 =	sshrl.u32 s17, $0x3  }
0xa6: {  	s22 =	sadd.s32 s5, s22  }
0xa7: {  	[tilespmem:s10], [sflag:$0x4] =	stream.linear.gather [hbm4b:s22+s3], $0x50, $0x38;
	[tilespmem:$0x1E400] =	vst v63  }
0xa8: {  	s29 =	sadd.s32 s23, s21  }
0xa9: {  	[tilespmem:s12], [sflag:$0x4] =	stream.linear.gather [hbm4b:s29+s3], $0x50, $0x38;
	[tilespmem:$0x1E400] =	vst v63  }
0xaa: {  	_ =	swait.ge [sflag:s16], $0x50  }
0xab: {  	[sflag:s16] =	ssyncset.done $0x0  }
0xac: {  	[sflag:s16] =	ssyncadd.s32 $0xFFFFFFB0  }
0xad: {  	_ =	swait.ge [sflag:s16], $0x50  }
0xae: {  	[sflag:s16] =	ssyncset.done $0x0  }
0xaf: {  	s28 =	simm.s32 $0x1E100;
	[sflag:s16] =	ssyncadd.s32 $0xFFFFFFB0  }
0xb0: {  	[tilespmem:s11], [sflag:$0x6] =	stream.indirect.gather [hbm4b:s4+s0], $0x80, s28, s0, $0xb8;
	[tilespmem:$0x1E400] =	vst v63  }
0xb1: {  	s29 =	simm.s32 $0x1E180  }
0xb2: {  	[tilespmem:s13], [sflag:$0x6] =	stream.indirect.gather [hbm4b:s4+s0], $0x80, s29, s0, $0xb8;
	[tilespmem:$0x1E400] =	vst v63  }
.LBB2_7:
0xb3: {  	_ =	swait.ge [sflag:s6], $0x2800  }
0xb4: {  	[sflag:s6] =	ssyncset.done $0x0  }
0xb5: {  	[sflag:s6] =	ssyncadd.s32 $0xFFFFD800  }
0xb6: {  	p0 =	sgt.u32 s31, $0x3B;
	_ =	swait.ge [sflag:s6], $0x2800  }
0xb7: {  	s22 =	sadd.s32 @!p0 s23, s20;
	[sflag:s6] =	ssyncset.done $0x0  }
0xb8: {  	s28 =	simm.s32 @!p0 $0x0;
	s29 =	simm.s32 @!p0 $0x1E000;
	[sflag:s6] =	ssyncadd.s32 $0xFFFFD800  }
0xb9: {  	[tilespmem:s29], [sflag:$0x1] =	stream.linear.gather @!p0 [hbm4b:s22+s28], $0x50, $0x38;
	[tilespmem:$0x1E400] =	vst v63  }
0xba: {  	s22 =	sadd.s32 @!p0 s23, s19;
	s29 =	simm.s32 @!p0 $0x1E080  }
0xbb: {  	[tilespmem:s29], [sflag:$0x1] =	stream.linear.gather @!p0 [hbm4b:s22+s28], $0x50, $0x38;
	[tilespmem:$0x1E400] =	vst v63  }
0xbc: {  	_ =	swait.ge [sflag:s18], $0x50  }
0xbd: {  	[sflag:s18] =	ssyncset.done $0x0  }
0xbe: {  	[sflag:s18] =	ssyncadd.s32 $0xFFFFFFB0  }
0xbf: {  	p0 =	seq.s32 s14, $0x0;
	_ =	swait.ge [sflag:s18], $0x50  }
.Ltmp7:
0xc0: {  	[sflag:s18] =	ssyncset.done $0x0;
	(pc) =	sbr.rel @p0 .LBB2_9-.Ltmp7, $4  }
.Ltmp8:
0xc1: {  	[sflag:s18] =	ssyncadd.s32 $0xFFFFFFB0;
	(pc) =	sbr.rel @!p0 .LBB2_8-.Ltmp8, $4  }
0xc2: {  	[spmem:s2] =	stream.indirect.scatter.add.f32 [tilespmem:s1], [sflag:$0x7], $0x80, s25, s0, $0xb8;
	[tilespmem:$0x1E400] =	vst v63  }
0xc3: {  	_ = 	snop  }
0xc4: {  	[spmem:s2] =	stream.indirect.scatter.add.f32 [tilespmem:s7], [sflag:$0x7], $0x80, s26, s0, $0xb8;
	[tilespmem:$0x1E400] =	vst v63  }
0xc5: {  	_ = 	snop  }
.LBB2_11:
0xc6: {  	_ =	sfence.sel $0x180000  }
0xc7: {  	[bflag:$0x0] =	sbarrier.arrive $0xFFFF  }
0xc8: {  	_ =	strace $0x9000004A  }
0xc9: {  	s0 =	stileid.u32;
	[bflag:$0x2] =	sbarrier.arrive $0xFFFF  }
0xca: {  	p0 =	sne.s32 s0, $0x0;
	s0 =	rddreg [dreg:$0x3]  }
0xcb: {  	s0 =	sadd.s32 @!p0 $0x100000, s0  }
0xcc: {  	[sflag:s0] =	ssyncadd.tile.s32 @!p0 $0x1;
	_ =	shalt  }
.Lfunc_end2:
_tile_overlayer_lowered:
.L_overlay_start_2:
0xcd: {  	(tag) =	ssettag $0x2  }
0xce: {  	s0 =	rddreg [dreg:$0x0];
	s2 =	stileid.u32  }
0xcf: {  	s1 =	rddreg [dreg:$0x1];
	p0 =	sne.s32 s2, $0x0  }
0xd0: {  	s3 =	rddreg [dreg:$0x2];
	[bflag:$0x3] =	sbarrier.arrive $0xFFFF;
	s2 =	simm.s32 @!p0 $0x1C09  }
0xd1: {  	[timem:s3], [sflag:s2] =	dma.local @!p0 [hbm:s0], s1  }
0xd2: {  	s0 =	simm.s32 @!p0 $0x9  }
0xd3: {  	_ =	swait.ge @!p0 [sflag:s0], s1  }
0xd4: {  	s1 =	ssub.s32 @!p0 $0x0, s1;
	[sflag:s0] =	ssyncset.done @!p0 $0x0  }
0xd5: {  	[sflag:s0] =	ssyncadd.s32 @!p0 s1  }
0xd6: {  	[bflag:$0x3] =	sbarrier.arrive $0xFFFF  }
0xd7: {  	_ =	shalt  }

// kernel: kernel.14.cloned.1.call-start
scs
__scs_entry_jumppad:
0x0: {  	(pc) =	sbr.rel $0x88, $3  }
0x1: {  	(tag) =	ssettag $0x0;
	lr =	simm.s32 $0x1  }
0x2: {  	[smem:$0x3F9B] =	sst lr;
	_ =	strace $0xD0000000  }
0x3: {  	_ = 	snop  }
0x4: {  	_ = 	snop  }
0x5: {  	_ = 	snop  }
0x6: {  	_ = 	snop  }
0x7: {  	_ = 	snop  }
__scs_overlays_trampoline_lowered:
0x8: {  	[smem:$0x3FAA] =	sst s0  }
0x9: {  	[smem:$0x3FAB] =	sst s1  }
0xa: {  	[smem:$0x3FAC] =	sst s2  }
0xb: {  	[smem:$0x3FAD] =	sst s3  }
0xc: {  	[smem:$0x3FAE] =	sst s4  }
0xd: {  	[smem:$0x3FAF] =	sst s5  }
0xe: {  	[smem:$0x3FB0] =	sst s6  }
0xf: {  	[smem:$0x3FB1] =	sst s7  }
0x10: {  	[smem:$0x3FB2] =	sst s8  }
0x11: {  	[smem:$0x3FB3] =	sst s9;
	s0 =	simm.s32 @!p0 $0x0  }
0x12: {  	s1 =	sld [smem:$0x3F99];
	s0 =	simm.s32 @p0 $0x1  }
0x13: {  	[smem:$0x3FB4] =	sst s0;
	s0 =	simm.s32 @!p1 $0x0  }
0x14: {  	s2 =	sld [smem:$0x3F98];
	s0 =	simm.s32 @p1 $0x1  }
0x15: {  	[smem:$0x3FB5] =	sst s0;
	s0 =	simm.s32 @!p2 $0x0  }
0x16: {  	s3 =	sld [smem:$0x3FDB];
	s0 =	simm.s32 @p2 $0x1  }
0x17: {  	s4 =	simm.s32 $0x1BF5;
	[smem:$0x3FB7] =	sst s0  }
0x18: {  	s0 =	sld [smem:$0x3F9A];
	_ =	swait.ge [sflag:s4], $0x0  }
0x19: {  	s7 =	sld [smem:$0x3F9B]  }
0x1a: {  	s8 =	sadd.s32 $0xFFFFE003, lr  }
0x1b: {  	s9 =	sadd.s32 $0xFFFFFEF7, lr;
	s5 =	simm.s32 $0xFFFFFFFF;
	p2 =	slt.u32 s8, $0xFFFFF086  }
0x1c: {  	p1 =	slt.u32 s9, $0xF7A;
	s5 =	simm.s32 @!p2 $0x0  }
0x1d: {  	s5 =	simm.s32 @p1 $0x1;
	p0 =	seq.s32 s7, s2  }
0x1e: {  	s7 =	smul.u32 @!p0 $0xF7A, s2;
	p2 =	seq.s32 @!p0 s5, $0x0  }
0x1f: {  	s9 =	smul.u32 $0xF7A, s1;
	s8 =	simm.s32 @!p0 $0x1BF5;
	p2 =	por !p2, p0  }
0x20: {  	[sflag:s8] =	ssyncset.s32 @!p0 $0xFFFFF086;
	s6 =	sadd.s32 @!p0 s3, s7;
	s7 =	simm.s32 @!p0 $0x108  }
0x21: {  	s3 =	sadd.s32 s3, s9;
	s6 =	sadd.s32 @!p0 $0x88, s6;
	s7 =	simm.s32 @p2 $0x1082  }
0x22: {  	[simem:s7], [sflag:s8] =	dma.local @!p0 [hbm:s6], $0xF7A  }
0x23: {  	s9 =	sor.u32 $0xD0000000, s2;
	s6 =	simm.s32 $0x108;
	_ =	swait.ge @!p0 [sflag:s8], $0x0  }
0x24: {  	s3 =	sadd.s32 $0x88, s3;
	s6 =	simm.s32 @!p1 $0x1082;
	[sflag:s4] =	ssyncset.s32 $0xFFFFF086  }
0x25: {  	[simem:s6], [sflag:s4] =	dma.local [hbm:s3], $0xF7A  }
0x26: {  	[smem:$0x3F9B] =	sst s1;
	(tag) =	ssettag s2;
	_ =	strace s9  }
0x27: {  	s1 =	sld [smem:$0x3FAB]  }
0x28: {  	s2 =	sld [smem:$0x3FAC]  }
0x29: {  	s4 =	sld [smem:$0x3FAE]  }
0x2a: {  	p0 =	seq.s32 s5, $0x0;
	s5 =	sld [smem:$0x3FAF]  }
0x2b: {  	s6 =	sld [smem:$0x3FB0]  }
0x2c: {  	s7 =	sld [smem:$0x3FB1]  }
0x2d: {  	s3 =	simm.s32 $0x108;
	s8 =	sld [smem:$0x3FB2]  }
0x2e: {  	s3 =	simm.s32 @!p0 $0x1082;
	s9 =	sld [smem:$0x3FB3]  }
0x2f: {  	lr =	sadd.s32 s0, s3;
	s0 =	sld [smem:$0x3FAA]  }
0x30: {  	s3 =	sld [smem:$0x3FAD]  }
0x31: {  	[smem:$0x3FB6] =	sst s10  }
0x32: {  	s10 =	sld [smem:$0x3FB4];
	_ =	sdelay $0x3  }
0x33: {  	p0 =	seq.s32 s10, $0x1;
	s10 =	sld [smem:$0x3FB6];
	_ =	sdelay $0x3  }
0x34: {  	[smem:$0x3FB6] =	sst s10  }
0x35: {  	s10 =	sld [smem:$0x3FB5];
	_ =	sdelay $0x3  }
0x36: {  	p1 =	seq.s32 s10, $0x1;
	s10 =	sld [smem:$0x3FB6];
	_ =	sdelay $0x3  }
0x37: {  	[smem:$0x3FB6] =	sst s10  }
0x38: {  	s10 =	sld [smem:$0x3FB7]  }
0x39: {  	_ = 	snop;
	(pc) =	sbr.ind lr, $3  }
0x3a: {  	_ = 	snop  }
0x3b: {  	_ = 	snop  }
0x3c: {  	p2 =	seq.s32 s10, $0x1;
	s10 =	sld [smem:$0x3FB6]  }
0x3d: {  	_ =	shalt  }
0x3e: {  	_ =	shalt  }
0x3f: {  	_ =	shalt  }
0x40: {  	_ =	shalt  }
0x41: {  	_ =	shalt  }
0x42: {  	_ =	shalt  }
0x43: {  	_ =	shalt  }
0x44: {  	_ =	shalt  }
0x45: {  	_ =	shalt  }
0x46: {  	_ =	shalt  }
0x47: {  	_ =	shalt  }
0x48: {  	_ =	shalt  }
0x49: {  	_ =	shalt  }
0x4a: {  	_ =	shalt  }
0x4b: {  	_ =	shalt  }
0x4c: {  	_ =	shalt  }
0x4d: {  	_ =	shalt  }
0x4e: {  	_ =	shalt  }
0x4f: {  	_ =	shalt  }
0x50: {  	_ =	shalt  }
0x51: {  	_ =	shalt  }
0x52: {  	_ =	shalt  }
0x53: {  	_ =	shalt  }
0x54: {  	_ =	shalt  }
0x55: {  	_ =	shalt  }
0x56: {  	_ =	shalt  }
0x57: {  	_ =	shalt  }
0x58: {  	_ =	shalt  }
0x59: {  	_ =	shalt  }
0x5a: {  	_ =	shalt  }
0x5b: {  	_ =	shalt  }
0x5c: {  	_ =	shalt  }
0x5d: {  	_ =	shalt  }
0x5e: {  	_ =	shalt  }
0x5f: {  	_ =	shalt  }
0x60: {  	_ =	shalt  }
0x61: {  	_ =	shalt  }
0x62: {  	_ =	shalt  }
0x63: {  	_ =	shalt  }
0x64: {  	_ =	shalt  }
0x65: {  	_ =	shalt  }
0x66: {  	_ =	shalt  }
0x67: {  	_ =	shalt  }
0x68: {  	_ =	shalt  }
0x69: {  	_ =	shalt  }
0x6a: {  	_ =	shalt  }
0x6b: {  	_ =	shalt  }
0x6c: {  	_ =	shalt  }
0x6d: {  	_ =	shalt  }
0x6e: {  	_ =	shalt  }
0x6f: {  	_ =	shalt  }
0x70: {  	_ =	shalt  }
0x71: {  	_ =	shalt  }
0x72: {  	_ =	shalt  }
0x73: {  	_ =	shalt  }
0x74: {  	_ =	shalt  }
0x75: {  	_ =	shalt  }
0x76: {  	_ =	shalt  }
0x77: {  	_ =	shalt  }
0x78: {  	_ =	shalt  }
0x79: {  	_ =	shalt  }
0x7a: {  	_ =	shalt  }
0x7b: {  	_ =	shalt  }
0x7c: {  	_ =	shalt  }
0x7d: {  	_ =	shalt  }
0x7e: {  	_ =	shalt  }
0x7f: {  	_ =	shalt  }
0x80: {  	_ =	shalt  }
0x81: {  	_ =	shalt  }
0x82: {  	_ =	shalt  }
0x83: {  	_ =	shalt  }
0x84: {  	_ =	shalt  }
0x85: {  	_ =	shalt  }
0x86: {  	_ =	shalt  }
0x87: {  	_ =	shalt  }
.Lfunc_end0:
.L_simem_size_0:
called_computation.2_lowered:
.L_overlay_start_0:
0x88: {  	s2 =	sld [smem:$0x3FD9]  }
0x89: {  	s3 =	sld [smem:$0x3FFE];
	_ =	sdelay $0x1  }
0x8a: {  	s1 =	srdreg.scid  }
0x8b: {  	s0 =	sand.u32 $0x1, s1  }
0x8c: {  	s17 =	sshll.u32 s0, $0xA;
	s2 =	sadd.s32 s3, s2  }
0x8d: {  	s2 =	sadd.s32 s2, s17  }
0x8e: {  	[smem:$0x3FC2] =	sst s2  }
0x8f: {  	_ = 	snop  }
0x90: {  	s2 =	sld [smem:$0x3FD0];
	(tm) =	ssettm $0x1  }
0x91: {  	s18 =	sld [smem:$0x3FFB];
	_ =	sdelay $0x3  }
0x92: {  	_ =	strace s18  }
0x93: {  	s3 =	sld [smem:$0x3FFC];
	_ =	sdelay $0x3  }
0x94: {  	_ =	strace s3  }
0x95: {  	s3 =	sld [smem:$0x3FFD];
	_ =	sdelay $0x3  }
0x96: {  	_ =	strace s3  }
0x97: {  	_ =	strace $0x8FFFFFFF  }
0x98: {  	s19 =	sld [smem:$0x3FDB];
	_ =	sdelay $0x1  }
0x99: {  	s4 =	simm.s32 $_scs_section_size  }
0x9a: {  	s5 =	simm.s32 $_size__tile_overlayer_lowered;
	s6 =	simm.s32 $_tile_overlayer_lowered  }
0x9b: {  	s22 =	simm.s32 $0x1BFF;
	s21 =	sshll.u32 s6, $0x1;
	s3 =	sadd.s32 s4, s19  }
0x9c: {  	s7 =	simm.s32 $0x0;
	s20 =	sshll.u32 s5, $0x1;
	s5 =	sadd.s32 s21, s3  }
0x9d: {  	[timem:s7], [sflag:s22] =	dma.local [hbm:s5], s20  }
0x9e: {  	_ =	swait.ge [sflag:s22], s20  }
0x9f: {  	s4 =	ssub.s32 $0x0, s20;
	[sflag:s22] =	ssyncset.done $0x0  }
0xa0: {  	[sflag:s22] =	ssyncadd.s32 s4;
	_ =	sdelay $0x1  }
0xa1: {  	s23 =	simm.s32 $0x1B8B  }
0xa2: {  	_ =	swait.ge [sflag:s23], $0x1  }
0xa3: {  	[sflag:s23] =	ssyncset.done $0x0  }
0xa4: {  	s25 =	simm.s32 $0x1B8E;
	s24 =	sld [smem:$0x3FFE];
	[sflag:s23] =	ssyncadd.s32 $0xFFFFFFFF  }
0xa5: {  	s26 =	simm.s32 $execute0_lowered;
	[smem:$0x3FD2] =	sst s25  }
0xa6: {  	s5 =	sshll.u32 s26, $0x1;
	_ =	strace $0x8000004C;
	[dreg:$0x1] =	wrdreg $0xFFFFFFFF  }
0xa7: {  	s28 =	simm.s32 $_size_execute0_lowered;
	s3 =	sadd.s32 s3, s5;
	[dreg:$0x0] =	wrdreg $0x0  }
0xa8: {  	s5 =	sshll.u32 s28, $0x1;
	[dreg:$0x2] =	wrdreg s3  }
0xa9: {  	[dreg:$0x3] =	wrdreg s5  }
0xaa: {  	[dreg:$0x4] =	wrdreg $0xC0  }
0xab: {  	_ =	task [dreg:s7], $0x5FFFF  }
0xac: {  	[dreg:$0x1] =	wrdreg $0xFFFFFFFF  }
0xad: {  	[dreg:$0x0] =	wrdreg $0x60  }
0xae: {  	[dreg:$0x2] =	wrdreg s24  }
0xaf: {  	[dreg:$0x3] =	wrdreg s2  }
0xb0: {  	[dreg:$0x4] =	wrdreg $0x0  }
0xb1: {  	[dreg:$0x5] =	wrdreg $0x9  }
0xb2: {  	_ =	task.clear_ibuf [dreg:s7], $0x6FFFF;
	_ =	strace $0x9000004C  }
0xb3: {  	s29 =	simm.s32 $0x9;
	_ =	strace $0x8000004E  }
0xb4: {  	_ =	swait.ge [sflag:s29], $0x1  }
0xb5: {  	[sflag:s29] =	ssyncadd.s32 $0xFFFFFFFF  }
0xb6: {  	_ =	strace $0x9000004E  }
0xb7: {  	_ =	sfence  }
0xb8: {  	s30 =	sld [smem:$0x0];
	_ =	sdelay $0x2  }
0xb9: {  	s31 =	sshll.u32 s1, $0xD;
	s1 =	sshrl.u32 s1, $0x2  }
0xba: {  	s3 =	sand.u32 $0x4000, s31;
	s1 =	sadd.s32 s1, s30  }
0xbb: {  	s0 =	sor.u32 s3, s0;
	s1 =	sshll.u32 s1, $0x11  }
0xbc: {  	s0 =	sor.u32 s1, s0  }
0xbd: {  	s0 =	sadd.s32 $0x8F2B, s0  }
0xbe: {  	[sflag:s0] =	ssyncadd.remote.s32 $0x1  }
0xbf: {  	_ =	sfence.sel $0xFFFF  }
0xc0: {  	[dreg:$0x0] =	wrdreg $0xFFFFFFFF;
	(pc) =	sbr.abs _section_cstart, $3  }
0xc1: {  	[dreg:$0x1] =	wrdreg $0xFFFFFFFF  }
0xc2: {  	_ =	task.clear_ibuf [dreg:s7], $0x2FFFF;
	_ =	strace $0x9FFFFFFF  }
0xc3: {  	(tm) =	ssettm $0x7FFFFFFF  }
tec
execute0_lowered:
.L_overlay_start_1:
0x0: {  	(tag) =	ssettag $0x1  }
0x1: {  	s0 =	rddreg [dreg:$0x0]  }
0x2: {  	s1 =	rddreg [dreg:$0x1]  }
0x3: {  	s2 =	rddreg [dreg:$0x2]  }
0x4: {  	s4 =	srdreg.scid;
	s13 =	stileid.u32  }
0x5: {  	s3 =	simm.s32 $0x0;
	s30 =	simm.s32 $0x9;
	s16 =	simm.s32 $0x2  }
0x6: {  	s6 =	sand.u32 $0x1, s4;
	s18 =	sshll.u32 s13, $0x1;
	s20 =	smul.u32 $0x50000, s13  }
0x7: {  	[smem:$0x7FF] =	sst s3;
	s4 =	sadd.s32 $0x35400, s0;
	s24 =	smul.u32 $0x2800, s13  }
0x8: {  	s8 =	sadd.s32 $0x5D400, s0;
	s10 =	sadd.s32 $0x85400, s0;
	s26 =	smul.u32 $0x4E20, s13  }
0x9: {  	s28 =	sshll.u32 s13, $0x6;
	s13 =	simm.s32 $0x1B800;
	s5 =	sor.u32 s6, s18  }
0xa: {  	_ =	strace $0x8000004D;
	s9 =	ssub.s32 $0x2, s6;
	p0 =	seq.s32 s6, $0x0  }
0xb: {  	s6 =	smul.u32 $0x2710, s6;
	s17 =	sor.u32 $0x1C09, s28;
	s18 =	simm.s32 $0x3  }
0xc: {  	s7 =	smul.u32 $0x2710, s5;
	s5 =	sadd.s32 $0x2A00, s0;
	s11 =	sshrl.u32 s9, $0x1  }
0xd: {  	s0 =	sadd.s32 $0xAD400, s0;
	s23 =	sshrl.u32 s20, $0x2;
	s8 =	smov.u32 @p0 s4  }
0xe: {  	[dreg:$0xf] =	wrdreg s17;
	s9 =	ssub.s32 s9, s11;
	s8 =	sadd.s32 s8, s24  }
0xf: {  	s0 =	smov.u32 @p0 s10;
	s29 =	sadd.s32 s6, s26;
	s26 =	simm.s32 $0x1E280  }
0x10: {  	s10 =	simm.s32 $0x1E300;
	s7 =	sshrl.u32 s7, $0x3;
	s9 =	smax.u32 s9, $0x1  }
0x11: {  	[dreg:$0xe] =	wrdreg s8;
	s0 =	sadd.s32 s0, s24;
	s6 =	sadd.s32 $0x190, s29  }
0x12: {  	s31 =	sadd.s32 $0xF0, s29;
	s24 =	simm.s32 $0x0;
	[dreg:$0xd] =	wrdreg s9  }
0x13: {  	s19 =	sadd.s32 $0xA, s7;
	s15 =	sadd.s32 s5, s7;
	[dreg:$0x10] =	wrdreg s0  }
0x14: {  	s14 =	sadd.s32 s1, s7;
	s7 =	sadd.s32 $0x4D8, s7;
	[dreg:$0x6] =	wrdreg s15  }
0x15: {  	s6 =	sshrl.u32 s6, $0x3;
	s0 =	sadd.s32 $0xA0, s29;
	[dreg:$0x4] =	wrdreg s14  }
0x16: {  	s8 =	sshrl.u32 s31, $0x3;
	s12 =	sadd.s32 s1, s19;
	[dreg:$0x11] =	wrdreg s0  }
0x17: {  	s9 =	simm.s32 $0x4;
	s11 =	sadd.s32 s5, s19;
	[dreg:$0x5] =	wrdreg s12  }
0x18: {  	s21 =	sadd.s32 $0x14, s14;
	s22 =	sadd.s32 $0x1E, s14;
	[dreg:$0x7] =	wrdreg s11  }
0x19: {  	s25 =	sadd.s32 s1, s7;
	s7 =	sadd.s32 s5, s7;
	[dreg:$0x8] =	wrdreg s21  }
0x1a: {  	s19 =	sadd.s32 s6, s1;
	s0 =	simm.s32 $0x50;
	[dreg:$0x9] =	wrdreg s22  }
0x1b: {  	s15 =	simm.s32 $0x8;
	s6 =	simm.s32 $0x5;
	[dreg:$0xb] =	wrdreg s25  }
.Ltmp0:
0x1c: {  	s11 =	sadd.s32 s23, s2;
	[dreg:$0xc] =	wrdreg s7;
	(pc) =	sbr.rel .LBB2_1-.Ltmp0, $4  }
0x1d: {  	s7 =	sadd.s32 $0x140, s29;
	s21 =	sadd.s32 s8, s5;
	s22 =	simm.s32 $0x1E000  }
0x1e: {  	s25 =	simm.s32 $0x1E200;
	s8 =	simm.s32 $0x6;
	s12 =	simm.s32 $0x1E380  }
0x1f: {  	[dreg:$0xa] =	wrdreg s11;
	s7 =	sshrl.u32 s7, $0x3;
	s11 =	simm.s32 $0x19000  }
0x20: {  	s20 =	sadd.s32 s7, s1;
	s1 =	simm.s32 $0x14000;
	s7 =	simm.s32 $0x16800  }
.LBB2_10:
0x21: {  	s14 =	simm.s32 $0x7  }
0x22: {  	_ =	swait.ge [sflag:s14], $0x2800  }
0x23: {  	[sflag:s14] =	ssyncset.done $0x0  }
0x24: {  	[sflag:s14] =	ssyncadd.s32 $0xFFFFD800  }
0x25: {  	_ =	swait.ge [sflag:s14], $0x2800  }
0x26: {  	[sflag:s14] =	ssyncset.done $0x0  }
0x27: {  	[sflag:s14] =	ssyncadd.s32 $0xFFFFD800  }
0x28: {  	_ =	swait.ge [sflag:s15], $0x2800  }
0x29: {  	[sflag:s15] =	ssyncset.done $0x0  }
0x2a: {  	[sflag:s15] =	ssyncadd.s32 $0xFFFFD800  }
0x2b: {  	_ =	swait.ge [sflag:s15], $0x2800  }
0x2c: {  	[sflag:s15] =	ssyncset.done $0x0  }
0x2d: {  	s22 =	simm.s32 $0x1E000;
	s23 =	rddreg [dreg:$0xb];
	[sflag:s15] =	ssyncadd.s32 $0xFFFFD800  }
0x2e: {  	[tilespmem:s22], [sflag:$0x9] =	stream.linear.gather [hbm4b:s23+s3], $0x50, $0x38;
	[tilespmem:$0x1E400] =	vst v63  }
0x2f: {  	_ =	swait.ge [sflag:s30], $0x50  }
0x30: {  	[sflag:s30] =	ssyncset.done $0x0  }
0x31: {  	s28 =	rddreg [dreg:$0xc];
	[sflag:s30] =	ssyncadd.s32 $0xFFFFFFB0  }
0x32: {  	[tilespmem:s25], [sflag:$0x9] =	stream.linear.gather [hbm4b:s28+s3], $0x50, $0x38;
	[tilespmem:$0x1E400] =	vst v63  }
0x33: {  	_ =	swait.ge [sflag:s30], $0x50  }
0x34: {  	[sflag:s30] =	ssyncset.done $0x0  }
0x35: {  	[sflag:s30] =	ssyncadd.s32 $0xFFFFFFB0  }
0x36: {  	[tilespmem:s1], [sflag:$0x5] =	stream.indirect.gather [hbm4b:s4+s0], $0x80, s22, s0, $0xb8;
	[tilespmem:$0x1E400] =	vst v63  }
0x37: {  	_ =	swait.ge [sflag:s6], $0x2800  }
0x38: {  	[sflag:s6] =	ssyncset.done $0x0  }
0x39: {  	[sflag:s6] =	ssyncadd.s32 $0xFFFFD800  }
0x3a: {  	[spmem:s2] =	stream.indirect.scatter.add.f32 [tilespmem:s1], [sflag:$0x9], $0x80, s25, s0, $0xb8;
	[tilespmem:$0x1E400] =	vst v63  }
0x3b: {  	_ =	swait.ge [sflag:s30], $0x2800  }
0x3c: {  	[sflag:s30] =	ssyncset.done $0x0  }
0x3d: {  	[sflag:s30] =	ssyncadd.s32 $0xFFFFD800  }
0x3e: {  	[bflag:$0x0] =	sbarrier.arrive $0xFFFF  }
0x3f: {  	s17 =	rddreg [dreg:$0xf]  }
0x40: {  	s29 =	rddreg [dreg:$0x10]  }
0x41: {  	s23 =	rddreg [dreg:$0x12]  }
0x42: {  	[hbm:s29], [sflag:s17] =	dma.local [spmem:s23], $0x2800  }
0x43: {  	_ =	swait.ge [sflag:s30], $0x2800  }
0x44: {  	s24 =	sadd.s32 $0x1, s24;
	s31 =	rddreg [dreg:$0xd]  }
0x45: {  	p0 =	sne.s32 s24, s31  }
.Ltmp1:
0x46: {  	_ = 	snop;
	(pc) =	sbr.rel @!p0 .LBB2_11-.Ltmp1, $3  }
0x47: {  	_ =	sdelay $0x1  }
0x48: {  	[sflag:s30] =	ssyncset.done $0x0  }
0x49: {  	[sflag:s30] =	ssyncadd.s32 $0xFFFFD800  }
.LBB2_1:
0x4a: {  	s14 =	rddreg [dreg:$0x4]  }
0x4b: {  	[tilespmem:s22], [sflag:$0x1] =	stream.linear.gather [hbm4b:s14+s3], $0x50, $0x38;
	[tilespmem:$0x1E400] =	vst v63  }
0x4c: {  	s28 =	rddreg [dreg:$0x5];
	s23 =	simm.s32 $0x1E080  }
0x4d: {  	[tilespmem:s23], [sflag:$0x1] =	stream.linear.gather [hbm4b:s28+s3], $0x50, $0x38;
	[tilespmem:$0x1E400] =	vst v63  }
0x4e: {  	s29 =	rddreg [dreg:$0x6]  }
0x4f: {  	[tilespmem:s25], [sflag:$0x3] =	stream.linear.gather [hbm4b:s29+s3], $0x50, $0x38;
	[tilespmem:$0x1E400] =	vst v63  }
0x50: {  	s28 =	rddreg [dreg:$0x7]  }
0x51: {  	[tilespmem:s26], [sflag:$0x3] =	stream.linear.gather [hbm4b:s28+s3], $0x50, $0x38;
	[tilespmem:$0x1E400] =	vst v63  }
0x52: {  	s29 =	rddreg [dreg:$0x8];
	s28 =	simm.s32 $0x1E100  }
0x53: {  	[tilespmem:s28], [sflag:$0x2] =	stream.linear.gather [hbm4b:s29+s3], $0x50, $0x38;
	[tilespmem:$0x1E400] =	vst v63  }
0x54: {  	s14 =	rddreg [dreg:$0x9];
	s29 =	simm.s32 $0x1E180  }
0x55: {  	[tilespmem:s29], [sflag:$0x2] =	stream.linear.gather [hbm4b:s14+s3], $0x50, $0x38;
	[tilespmem:$0x1E400] =	vst v63  }
0x56: {  	s29 =	rddreg [dreg:$0xa]  }
0x57: {  	s14 =	sshrl.u32 s29, $0x3;
	s29 =	rddreg [dreg:$0xe]  }
0x58: {  	[dreg:$0x12] =	wrdreg s14  }
0x59: {  	[spmem:s14], [sflag:s17] =	dma.local [hbm:s29], $0x2800  }
0x5a: {  	_ =	swait.ge [sflag:s30], $0x2800  }
0x5b: {  	[sflag:s30] =	ssyncset.done $0x0  }
0x5c: {  	[sflag:s30] =	ssyncadd.s32 $0xFFFFD800  }
0x5d: {  	s29 =	simm.s32 $0x1;
	[bflag:$0x0] =	sbarrier.arrive $0xFFFF  }
0x5e: {  	_ =	swait.ge [sflag:s29], $0x50  }
0x5f: {  	[sflag:s29] =	ssyncset.done $0x0  }
0x60: {  	[sflag:s29] =	ssyncadd.s32 $0xFFFFFFB0  }
0x61: {  	_ =	swait.ge [sflag:s29], $0x50  }
0x62: {  	[sflag:s29] =	ssyncset.done $0x0  }
.Ltmp2:
0x63: {  	[sflag:s29] =	ssyncadd.s32 $0xFFFFFFB0;
	(pc) =	sbr.rel .LBB2_2-.Ltmp2, $4  }
0x64: {  	[tilespmem:s1], [sflag:$0x5] =	stream.indirect.gather [hbm4b:s4+s0], $0x80, s22, s0, $0xb8;
	[tilespmem:$0x1E400] =	vst v63  }
0x65: {  	_ = 	snop  }
0x66: {  	[tilespmem:s7], [sflag:$0x5] =	stream.indirect.gather [hbm4b:s4+s0], $0x80, s23, s0, $0xb8;
	[tilespmem:$0x1E400] =	vst v63  }
0x67: {  	s31 =	simm.s32 $0x0;
	s17 =	rddreg [dreg:$0x11];
	s23 =	simm.s32 $0x0  }
.LBB2_8:
0x68: {  	p0 =	seq.s32 s23, $0x4C4  }
0x69: {  	s14 =	simm.s32 @!p0 $0x7  }
0x6a: {  	_ =	swait.ge @!p0 [sflag:s14], $0x2800  }
0x6b: {  	[sflag:s14] =	ssyncset.done @!p0 $0x0  }
0x6c: {  	[sflag:s14] =	ssyncadd.s32 @!p0 $0xFFFFD800  }
0x6d: {  	_ =	swait.ge @!p0 [sflag:s14], $0x2800  }
0x6e: {  	[sflag:s14] =	ssyncset.done @!p0 $0x0  }
0x6f: {  	[sflag:s14] =	ssyncadd.s32 @!p0 $0xFFFFD800;
	s14 =	sshrl.u32 @!p0 s17, $0x3  }
0x70: {  	s22 =	simm.s32 @!p0 $0x0;
	s28 =	simm.s32 @!p0 $0x1E200;
	s14 =	sadd.s32 @!p0 s5, s14  }
0x71: {  	[tilespmem:s28], [sflag:$0x3] =	stream.linear.gather @!p0 [hbm4b:s14+s22], $0x50, $0x38;
	[tilespmem:$0x1E400] =	vst v63  }
0x72: {  	s14 =	sadd.s32 @!p0 s23, s21;
	s28 =	simm.s32 @!p0 $0x1E280  }
0x73: {  	[tilespmem:s28], [sflag:$0x3] =	stream.linear.gather @!p0 [hbm4b:s14+s22], $0x50, $0x38;
	[tilespmem:$0x1E400] =	vst v63  }
0x74: {  	s14 =	simm.s32 @!p0 $0x1  }
0x75: {  	_ =	swait.ge @!p0 [sflag:s14], $0x50  }
0x76: {  	[sflag:s14] =	ssyncset.done @!p0 $0x0  }
0x77: {  	[sflag:s14] =	ssyncadd.s32 @!p0 $0xFFFFFFB0  }
0x78: {  	_ =	swait.ge @!p0 [sflag:s14], $0x50  }
0x79: {  	s22 =	simm.s32 @!p0 $0x1E000;
	[sflag:s14] =	ssyncset.done @!p0 $0x0  }
0x7a: {  	s28 =	simm.s32 @!p0 $0x14000;
	[sflag:s14] =	ssyncadd.s32 @!p0 $0xFFFFFFB0;
	s14 =	simm.s32 @!p0 $0x50  }
0x7b: {  	[tilespmem:s28], [sflag:$0x5] =	stream.indirect.gather @!p0 [hbm4b:s4+s14], $0x80, s22, s14, $0xb8;
	[tilespmem:$0x1E400] =	vst v63  }
0x7c: {  	s22 =	simm.s32 @!p0 $0x1E080;
	s28 =	simm.s32 @!p0 $0x16800  }
0x7d: {  	[tilespmem:s28], [sflag:$0x5] =	stream.indirect.gather @!p0 [hbm4b:s4+s14], $0x80, s22, s14, $0xb8;
	[tilespmem:$0x1E400] =	vst v63  }
0x7e: {  	_ =	swait.ge [sflag:s8], $0x2800  }
0x7f: {  	[sflag:s8] =	ssyncset.done $0x0  }
0x80: {  	[sflag:s8] =	ssyncadd.s32 $0xFFFFD800  }
0x81: {  	p0 =	sgt.u32 s31, $0x3B;
	_ =	swait.ge [sflag:s8], $0x2800  }
0x82: {  	s14 =	sadd.s32 @!p0 s23, s20;
	[sflag:s8] =	ssyncset.done $0x0  }
0x83: {  	s22 =	simm.s32 @!p0 $0x0;
	s28 =	simm.s32 @!p0 $0x1E100;
	[sflag:s8] =	ssyncadd.s32 $0xFFFFD800  }
0x84: {  	[tilespmem:s28], [sflag:$0x2] =	stream.linear.gather @!p0 [hbm4b:s14+s22], $0x50, $0x38;
	[tilespmem:$0x1E400] =	vst v63  }
0x85: {  	s14 =	sadd.s32 @!p0 s23, s19;
	s28 =	simm.s32 @!p0 $0x1E180  }
0x86: {  	[tilespmem:s28], [sflag:$0x2] =	stream.linear.gather @!p0 [hbm4b:s14+s22], $0x50, $0x38;
	[tilespmem:$0x1E400] =	vst v63  }
0x87: {  	_ =	swait.ge [sflag:s9], $0x50  }
0x88: {  	[sflag:s9] =	ssyncset.done $0x0  }
0x89: {  	[sflag:s9] =	ssyncadd.s32 $0xFFFFFFB0  }
0x8a: {  	_ =	swait.ge [sflag:s9], $0x50  }
0x8b: {  	[sflag:s9] =	ssyncset.done $0x0  }
0x8c: {  	[sflag:s9] =	ssyncadd.s32 $0xFFFFFFB0  }
0x8d: {  	[spmem:s2] =	stream.indirect.scatter.add.f32 [tilespmem:s11], [sflag:$0x8], $0x80, s10, s0, $0xb8;
	[tilespmem:$0x1E400] =	vst v63  }
0x8e: {  	_ = 	snop  }
0x8f: {  	[spmem:s2] =	stream.indirect.scatter.add.f32 [tilespmem:s13], [sflag:$0x8], $0x80, s12, s0, $0xb8;
	[tilespmem:$0x1E400] =	vst v63  }
.LBB2_9:
0x90: {  	s23 =	sadd.s32 $0x14, s23  }
0x91: {  	p0 =	sne.s32 s23, $0x4D8  }
.Ltmp3:
0x92: {  	_ = 	snop;
	(pc) =	sbr.rel @!p0 .LBB2_10-.Ltmp3, $2  }
0x93: {  	_ =	sdelay $0x2  }
0x94: {  	s31 =	sadd.s32 $0x1, s31;
	s17 =	sadd.s32 $0xA0, s17  }
.LBB2_2:
0x95: {  	s14 =	sand.u32 $0x1, s31  }
0x96: {  	p0 =	seq.s32 s14, $0x1  }
.Ltmp4:
0x97: {  	_ = 	snop;
	(pc) =	sbr.rel @p0 .LBB2_8-.Ltmp4, $1  }
0x98: {  	_ =	sdelay $0x3  }
0x99: {  	p0 =	seq.s32 s31, $0x0  }
.Ltmp5:
0x9a: {  	_ = 	snop;
	(pc) =	sbr.rel @p0 .LBB2_6-.Ltmp5, $1  }
0x9b: {  	_ =	sdelay $0x3  }
0x9c: {  	p0 =	seq.s32 s31, $0x3D  }
.Ltmp6:
0x9d: {  	_ = 	snop;
	(pc) =	sbr.rel @p0 .LBB2_7-.Ltmp6, $1  }
0x9e: {  	_ =	sdelay $0x3  }
0x9f: {  	_ =	swait.ge [sflag:s15], $0x2800  }
0xa0: {  	[sflag:s15] =	ssyncset.done $0x0  }
0xa1: {  	[sflag:s15] =	ssyncadd.s32 $0xFFFFD800  }
0xa2: {  	_ =	swait.ge [sflag:s15], $0x2800  }
0xa3: {  	[sflag:s15] =	ssyncset.done $0x0  }
0xa4: {  	[sflag:s15] =	ssyncadd.s32 $0xFFFFD800  }
.LBB2_6:
0xa5: {  	s22 =	sshrl.u32 s17, $0x3  }
0xa6: {  	s22 =	sadd.s32 s5, s22  }
0xa7: {  	[tilespmem:s10], [sflag:$0x4] =	stream.linear.gather [hbm4b:s22+s3], $0x50, $0x38;
	[tilespmem:$0x1E400] =	vst v63  }
0xa8: {  	s29 =	sadd.s32 s23, s21  }
0xa9: {  	[tilespmem:s12], [sflag:$0x4] =	stream.linear.gather [hbm4b:s29+s3], $0x50, $0x38;
	[tilespmem:$0x1E400] =	vst v63  }
0xaa: {  	_ =	swait.ge [sflag:s16], $0x50  }
0xab: {  	[sflag:s16] =	ssyncset.done $0x0  }
0xac: {  	[sflag:s16] =	ssyncadd.s32 $0xFFFFFFB0  }
0xad: {  	_ =	swait.ge [sflag:s16], $0x50  }
0xae: {  	[sflag:s16] =	ssyncset.done $0x0  }
0xaf: {  	s28 =	simm.s32 $0x1E100;
	[sflag:s16] =	ssyncadd.s32 $0xFFFFFFB0  }
0xb0: {  	[tilespmem:s11], [sflag:$0x6] =	stream.indirect.gather [hbm4b:s4+s0], $0x80, s28, s0, $0xb8;
	[tilespmem:$0x1E400] =	vst v63  }
0xb1: {  	s29 =	simm.s32 $0x1E180  }
0xb2: {  	[tilespmem:s13], [sflag:$0x6] =	stream.indirect.gather [hbm4b:s4+s0], $0x80, s29, s0, $0xb8;
	[tilespmem:$0x1E400] =	vst v63  }
.LBB2_7:
0xb3: {  	_ =	swait.ge [sflag:s6], $0x2800  }
0xb4: {  	[sflag:s6] =	ssyncset.done $0x0  }
0xb5: {  	[sflag:s6] =	ssyncadd.s32 $0xFFFFD800  }
0xb6: {  	p0 =	sgt.u32 s31, $0x3B;
	_ =	swait.ge [sflag:s6], $0x2800  }
0xb7: {  	s22 =	sadd.s32 @!p0 s23, s20;
	[sflag:s6] =	ssyncset.done $0x0  }
0xb8: {  	s28 =	simm.s32 @!p0 $0x0;
	s29 =	simm.s32 @!p0 $0x1E000;
	[sflag:s6] =	ssyncadd.s32 $0xFFFFD800  }
0xb9: {  	[tilespmem:s29], [sflag:$0x1] =	stream.linear.gather @!p0 [hbm4b:s22+s28], $0x50, $0x38;
	[tilespmem:$0x1E400] =	vst v63  }
0xba: {  	s22 =	sadd.s32 @!p0 s23, s19;
	s29 =	simm.s32 @!p0 $0x1E080  }
0xbb: {  	[tilespmem:s29], [sflag:$0x1] =	stream.linear.gather @!p0 [hbm4b:s22+s28], $0x50, $0x38;
	[tilespmem:$0x1E400] =	vst v63  }
0xbc: {  	_ =	swait.ge [sflag:s18], $0x50  }
0xbd: {  	[sflag:s18] =	ssyncset.done $0x0  }
0xbe: {  	[sflag:s18] =	ssyncadd.s32 $0xFFFFFFB0  }
0xbf: {  	p0 =	seq.s32 s14, $0x0;
	_ =	swait.ge [sflag:s18], $0x50  }
.Ltmp7:
0xc0: {  	[sflag:s18] =	ssyncset.done $0x0;
	(pc) =	sbr.rel @p0 .LBB2_9-.Ltmp7, $4  }
.Ltmp8:
0xc1: {  	[sflag:s18] =	ssyncadd.s32 $0xFFFFFFB0;
	(pc) =	sbr.rel @!p0 .LBB2_8-.Ltmp8, $4  }
0xc2: {  	[spmem:s2] =	stream.indirect.scatter.add.f32 [tilespmem:s1], [sflag:$0x7], $0x80, s25, s0, $0xb8;
	[tilespmem:$0x1E400] =	vst v63  }
0xc3: {  	_ = 	snop  }
0xc4: {  	[spmem:s2] =	stream.indirect.scatter.add.f32 [tilespmem:s7], [sflag:$0x7], $0x80, s26, s0, $0xb8;
	[tilespmem:$0x1E400] =	vst v63  }
0xc5: {  	_ = 	snop  }
.LBB2_11:
0xc6: {  	_ =	sfence.sel $0x180000  }
0xc7: {  	[bflag:$0x0] =	sbarrier.arrive $0xFFFF  }
0xc8: {  	_ =	strace $0x9000004D  }
0xc9: {  	s0 =	stileid.u32;
	[bflag:$0x2] =	sbarrier.arrive $0xFFFF  }
0xca: {  	p0 =	sne.s32 s0, $0x0;
	s0 =	rddreg [dreg:$0x3]  }
0xcb: {  	s0 =	sadd.s32 @!p0 $0x100000, s0  }
0xcc: {  	[sflag:s0] =	ssyncadd.tile.s32 @!p0 $0x1;
	_ =	shalt  }
.Lfunc_end2:
_tile_overlayer_lowered:
.L_overlay_start_2:
0xcd: {  	(tag) =	ssettag $0x2  }
0xce: {  	s0 =	rddreg [dreg:$0x0];
	s2 =	stileid.u32  }
0xcf: {  	s1 =	rddreg [dreg:$0x1];
	p0 =	sne.s32 s2, $0x0  }
0xd0: {  	s3 =	rddreg [dreg:$0x2];
	[bflag:$0x3] =	sbarrier.arrive $0xFFFF;
	s2 =	simm.s32 @!p0 $0x1C09  }
0xd1: {  	[timem:s3], [sflag:s2] =	dma.local @!p0 [hbm:s0], s1  }
0xd2: {  	s0 =	simm.s32 @!p0 $0x9  }
0xd3: {  	_ =	swait.ge @!p0 [sflag:s0], s1  }
0xd4: {  	s1 =	ssub.s32 @!p0 $0x0, s1;
	[sflag:s0] =	ssyncset.done @!p0 $0x0  }
0xd5: {  	[sflag:s0] =	ssyncadd.s32 @!p0 s1  }
0xd6: {  	[bflag:$0x3] =	sbarrier.arrive $0xFFFF  }
0xd7: {  	_ =	shalt  }

// kernel: kernel.8.cloned.1.call-start
scs
__scs_entry_jumppad:
0x0: {  	(pc) =	sbr.rel $0x88, $3  }
0x1: {  	(tag) =	ssettag $0x0;
	lr =	simm.s32 $0x1  }
0x2: {  	[smem:$0x3F9B] =	sst lr;
	_ =	strace $0xD0000000  }
0x3: {  	_ = 	snop  }
0x4: {  	_ = 	snop  }
0x5: {  	_ = 	snop  }
0x6: {  	_ = 	snop  }
0x7: {  	_ = 	snop  }
__scs_overlays_trampoline_lowered:
0x8: {  	[smem:$0x3FAA] =	sst s0  }
0x9: {  	[smem:$0x3FAB] =	sst s1  }
0xa: {  	[smem:$0x3FAC] =	sst s2  }
0xb: {  	[smem:$0x3FAD] =	sst s3  }
0xc: {  	[smem:$0x3FAE] =	sst s4  }
0xd: {  	[smem:$0x3FAF] =	sst s5  }
0xe: {  	[smem:$0x3FB0] =	sst s6  }
0xf: {  	[smem:$0x3FB1] =	sst s7  }
0x10: {  	[smem:$0x3FB2] =	sst s8  }
0x11: {  	[smem:$0x3FB3] =	sst s9;
	s0 =	simm.s32 @!p0 $0x0  }
0x12: {  	s1 =	sld [smem:$0x3F99];
	s0 =	simm.s32 @p0 $0x1  }
0x13: {  	[smem:$0x3FB4] =	sst s0;
	s0 =	simm.s32 @!p1 $0x0  }
0x14: {  	s2 =	sld [smem:$0x3F98];
	s0 =	simm.s32 @p1 $0x1  }
0x15: {  	[smem:$0x3FB5] =	sst s0;
	s0 =	simm.s32 @!p2 $0x0  }
0x16: {  	s3 =	sld [smem:$0x3FDB];
	s0 =	simm.s32 @p2 $0x1  }
0x17: {  	s4 =	simm.s32 $0x1BF5;
	[smem:$0x3FB7] =	sst s0  }
0x18: {  	s0 =	sld [smem:$0x3F9A];
	_ =	swait.ge [sflag:s4], $0x0  }
0x19: {  	s7 =	sld [smem:$0x3F9B]  }
0x1a: {  	s8 =	sadd.s32 $0xFFFFE003, lr  }
0x1b: {  	s9 =	sadd.s32 $0xFFFFFEF7, lr;
	s5 =	simm.s32 $0xFFFFFFFF;
	p2 =	slt.u32 s8, $0xFFFFF086  }
0x1c: {  	p1 =	slt.u32 s9, $0xF7A;
	s5 =	simm.s32 @!p2 $0x0  }
0x1d: {  	s5 =	simm.s32 @p1 $0x1;
	p0 =	seq.s32 s7, s2  }
0x1e: {  	s7 =	smul.u32 @!p0 $0xF7A, s2;
	p2 =	seq.s32 @!p0 s5, $0x0  }
0x1f: {  	s9 =	smul.u32 $0xF7A, s1;
	s8 =	simm.s32 @!p0 $0x1BF5;
	p2 =	por !p2, p0  }
0x20: {  	[sflag:s8] =	ssyncset.s32 @!p0 $0xFFFFF086;
	s6 =	sadd.s32 @!p0 s3, s7;
	s7 =	simm.s32 @!p0 $0x108  }
0x21: {  	s3 =	sadd.s32 s3, s9;
	s6 =	sadd.s32 @!p0 $0x88, s6;
	s7 =	simm.s32 @p2 $0x1082  }
0x22: {  	[simem:s7], [sflag:s8] =	dma.local @!p0 [hbm:s6], $0xF7A  }
0x23: {  	s9 =	sor.u32 $0xD0000000, s2;
	s6 =	simm.s32 $0x108;
	_ =	swait.ge @!p0 [sflag:s8], $0x0  }
0x24: {  	s3 =	sadd.s32 $0x88, s3;
	s6 =	simm.s32 @!p1 $0x1082;
	[sflag:s4] =	ssyncset.s32 $0xFFFFF086  }
0x25: {  	[simem:s6], [sflag:s4] =	dma.local [hbm:s3], $0xF7A  }
0x26: {  	[smem:$0x3F9B] =	sst s1;
	(tag) =	ssettag s2;
	_ =	strace s9  }
0x27: {  	s1 =	sld [smem:$0x3FAB]  }
0x28: {  	s2 =	sld [smem:$0x3FAC]  }
0x29: {  	s4 =	sld [smem:$0x3FAE]  }
0x2a: {  	p0 =	seq.s32 s5, $0x0;
	s5 =	sld [smem:$0x3FAF]  }
0x2b: {  	s6 =	sld [smem:$0x3FB0]  }
0x2c: {  	s7 =	sld [smem:$0x3FB1]  }
0x2d: {  	s3 =	simm.s32 $0x108;
	s8 =	sld [smem:$0x3FB2]  }
0x2e: {  	s3 =	simm.s32 @!p0 $0x1082;
	s9 =	sld [smem:$0x3FB3]  }
0x2f: {  	lr =	sadd.s32 s0, s3;
	s0 =	sld [smem:$0x3FAA]  }
0x30: {  	s3 =	sld [smem:$0x3FAD]  }
0x31: {  	[smem:$0x3FB6] =	sst s10  }
0x32: {  	s10 =	sld [smem:$0x3FB4];
	_ =	sdelay $0x3  }
0x33: {  	p0 =	seq.s32 s10, $0x1;
	s10 =	sld [smem:$0x3FB6];
	_ =	sdelay $0x3  }
0x34: {  	[smem:$0x3FB6] =	sst s10  }
0x35: {  	s10 =	sld [smem:$0x3FB5];
	_ =	sdelay $0x3  }
0x36: {  	p1 =	seq.s32 s10, $0x1;
	s10 =	sld [smem:$0x3FB6];
	_ =	sdelay $0x3  }
0x37: {  	[smem:$0x3FB6] =	sst s10  }
0x38: {  	s10 =	sld [smem:$0x3FB7]  }
0x39: {  	_ = 	snop;
	(pc) =	sbr.ind lr, $3  }
0x3a: {  	_ = 	snop  }
0x3b: {  	_ = 	snop  }
0x3c: {  	p2 =	seq.s32 s10, $0x1;
	s10 =	sld [smem:$0x3FB6]  }
0x3d: {  	_ =	shalt  }
0x3e: {  	_ =	shalt  }
0x3f: {  	_ =	shalt  }
0x40: {  	_ =	shalt  }
0x41: {  	_ =	shalt  }
0x42: {  	_ =	shalt  }
0x43: {  	_ =	shalt  }
0x44: {  	_ =	shalt  }
0x45: {  	_ =	shalt  }
0x46: {  	_ =	shalt  }
0x47: {  	_ =	shalt  }
0x48: {  	_ =	shalt  }
0x49: {  	_ =	shalt  }
0x4a: {  	_ =	shalt  }
0x4b: {  	_ =	shalt  }
0x4c: {  	_ =	shalt  }
0x4d: {  	_ =	shalt  }
0x4e: {  	_ =	shalt  }
0x4f: {  	_ =	shalt  }
0x50: {  	_ =	shalt  }
0x51: {  	_ =	shalt  }
0x52: {  	_ =	shalt  }
0x53: {  	_ =	shalt  }
0x54: {  	_ =	shalt  }
0x55: {  	_ =	shalt  }
0x56: {  	_ =	shalt  }
0x57: {  	_ =	shalt  }
0x58: {  	_ =	shalt  }
0x59: {  	_ =	shalt  }
0x5a: {  	_ =	shalt  }
0x5b: {  	_ =	shalt  }
0x5c: {  	_ =	shalt  }
0x5d: {  	_ =	shalt  }
0x5e: {  	_ =	shalt  }
0x5f: {  	_ =	shalt  }
0x60: {  	_ =	shalt  }
0x61: {  	_ =	shalt  }
0x62: {  	_ =	shalt  }
0x63: {  	_ =	shalt  }
0x64: {  	_ =	shalt  }
0x65: {  	_ =	shalt  }
0x66: {  	_ =	shalt  }
0x67: {  	_ =	shalt  }
0x68: {  	_ =	shalt  }
0x69: {  	_ =	shalt  }
0x6a: {  	_ =	shalt  }
0x6b: {  	_ =	shalt  }
0x6c: {  	_ =	shalt  }
0x6d: {  	_ =	shalt  }
0x6e: {  	_ =	shalt  }
0x6f: {  	_ =	shalt  }
0x70: {  	_ =	shalt  }
0x71: {  	_ =	shalt  }
0x72: {  	_ =	shalt  }
0x73: {  	_ =	shalt  }
0x74: {  	_ =	shalt  }
0x75: {  	_ =	shalt  }
0x76: {  	_ =	shalt  }
0x77: {  	_ =	shalt  }
0x78: {  	_ =	shalt  }
0x79: {  	_ =	shalt  }
0x7a: {  	_ =	shalt  }
0x7b: {  	_ =	shalt  }
0x7c: {  	_ =	shalt  }
0x7d: {  	_ =	shalt  }
0x7e: {  	_ =	shalt  }
0x7f: {  	_ =	shalt  }
0x80: {  	_ =	shalt  }
0x81: {  	_ =	shalt  }
0x82: {  	_ =	shalt  }
0x83: {  	_ =	shalt  }
0x84: {  	_ =	shalt  }
0x85: {  	_ =	shalt  }
0x86: {  	_ =	shalt  }
0x87: {  	_ =	shalt  }
.Lfunc_end0:
.L_simem_size_0:
called_computation_lowered:
.L_overlay_start_0:
0x88: {  	s2 =	sld [smem:$0x3FD9]  }
0x89: {  	s3 =	sld [smem:$0x3FFE];
	_ =	sdelay $0x1  }
0x8a: {  	s1 =	srdreg.scid  }
0x8b: {  	s0 =	sand.u32 $0x1, s1  }
0x8c: {  	s16 =	sshll.u32 s0, $0xA;
	s2 =	sadd.s32 s3, s2  }
0x8d: {  	s2 =	sadd.s32 s2, s16  }
0x8e: {  	[smem:$0x3FC2] =	sst s2  }
0x8f: {  	_ = 	snop  }
0x90: {  	(tm) =	ssettm $0x1  }
0x91: {  	s17 =	sld [smem:$0x3FFB];
	_ =	sdelay $0x3  }
0x92: {  	_ =	strace s17  }
0x93: {  	s2 =	sld [smem:$0x3FFC];
	_ =	sdelay $0x3  }
0x94: {  	_ =	strace s2  }
0x95: {  	s2 =	sld [smem:$0x3FFD];
	_ =	sdelay $0x3  }
0x96: {  	_ =	strace s2  }
0x97: {  	_ =	strace $0x8FFFFFFF  }
0x98: {  	s18 =	sld [smem:$0x3FDB];
	_ =	sdelay $0x1  }
0x99: {  	s19 =	simm.s32 $_scs_section_size  }
0x9a: {  	s4 =	simm.s32 $_size__tile_overlayer_lowered;
	s5 =	simm.s32 $_tile_overlayer_lowered  }
0x9b: {  	s22 =	simm.s32 $0x1BFF;
	s21 =	sshll.u32 s5, $0x1;
	s2 =	sadd.s32 s19, s18  }
0x9c: {  	s6 =	simm.s32 $0x0;
	s20 =	sshll.u32 s4, $0x1;
	s4 =	sadd.s32 s21, s2  }
0x9d: {  	[timem:s6], [sflag:s22] =	dma.local [hbm:s4], s20  }
0x9e: {  	_ =	swait.ge [sflag:s22], s20  }
0x9f: {  	s3 =	ssub.s32 $0x0, s20;
	[sflag:s22] =	ssyncset.done $0x0  }
0xa0: {  	[sflag:s22] =	ssyncadd.s32 s3;
	_ =	sdelay $0x1  }
0xa1: {  	s23 =	simm.s32 $0x1B8B  }
0xa2: {  	_ =	swait.ge [sflag:s23], $0x1  }
0xa3: {  	[sflag:s23] =	ssyncset.done $0x0  }
0xa4: {  	s25 =	simm.s32 $0x1B8E;
	s24 =	sld [smem:$0x3FFE];
	[sflag:s23] =	ssyncadd.s32 $0xFFFFFFFF  }
0xa5: {  	s26 =	simm.s32 $execute0_lowered;
	[smem:$0x3FD2] =	sst s25  }
0xa6: {  	s4 =	sshll.u32 s26, $0x1;
	_ =	strace $0x80000046;
	[dreg:$0x1] =	wrdreg $0xFFFFFFFF  }
0xa7: {  	s28 =	simm.s32 $_size_execute0_lowered;
	s2 =	sadd.s32 s2, s4;
	[dreg:$0x0] =	wrdreg $0x0  }
0xa8: {  	s4 =	sshll.u32 s28, $0x1;
	[dreg:$0x2] =	wrdreg s2  }
0xa9: {  	[dreg:$0x3] =	wrdreg s4  }
0xaa: {  	[dreg:$0x4] =	wrdreg $0xC0  }
0xab: {  	_ =	task [dreg:s6], $0x5FFFF  }
0xac: {  	[dreg:$0x1] =	wrdreg $0xFFFFFFFF  }
0xad: {  	[dreg:$0x0] =	wrdreg $0x60  }
0xae: {  	[dreg:$0x2] =	wrdreg s24  }
0xaf: {  	[dreg:$0x3] =	wrdreg $0x0  }
0xb0: {  	[dreg:$0x4] =	wrdreg $0x9  }
0xb1: {  	_ =	task.clear_ibuf [dreg:s6], $0x5FFFF;
	_ =	strace $0x90000046  }
0xb2: {  	s29 =	simm.s32 $0x9;
	_ =	strace $0x80000048  }
0xb3: {  	_ =	swait.ge [sflag:s29], $0x1  }
0xb4: {  	[sflag:s29] =	ssyncadd.s32 $0xFFFFFFFF  }
0xb5: {  	_ =	strace $0x90000048  }
0xb6: {  	_ =	sfence  }
0xb7: {  	s30 =	sld [smem:$0x0];
	_ =	sdelay $0x2  }
0xb8: {  	s31 =	sshll.u32 s1, $0xD;
	s1 =	sshrl.u32 s1, $0x2  }
0xb9: {  	s3 =	sand.u32 $0x4000, s31;
	s1 =	sadd.s32 s1, s30  }
0xba: {  	s0 =	sor.u32 s3, s0;
	s1 =	sshll.u32 s1, $0x11  }
0xbb: {  	s0 =	sor.u32 s1, s0  }
0xbc: {  	s0 =	sadd.s32 $0x8F2B, s0  }
0xbd: {  	[sflag:s0] =	ssyncadd.remote.s32 $0x1  }
0xbe: {  	_ =	sfence.sel $0xFFFF  }
0xbf: {  	[dreg:$0x0] =	wrdreg $0xFFFFFFFF;
	(pc) =	sbr.abs _section_cstart, $3  }
0xc0: {  	[dreg:$0x1] =	wrdreg $0xFFFFFFFF  }
0xc1: {  	_ =	task.clear_ibuf [dreg:s6], $0x2FFFF;
	_ =	strace $0x9FFFFFFF  }
0xc2: {  	(tm) =	ssettm $0x7FFFFFFF  }
0xc3: {  	_ =	shalt  }
tec
execute0_lowered:
.L_overlay_start_1:
0x0: {  	(tag) =	ssettag $0x1  }
0x1: {  	s1 =	srdreg.scid;
	s4 =	rddreg [dreg:$0x0]  }
0x2: {  	s0 =	stileid.u32;
	s2 =	rddreg [dreg:$0x1];
	s3 =	simm.s32 $0x0  }
0x3: {  	s17 =	simm.f32 $1.000000000e+00;
	s11 =	simm.s32 $0x50;
	s12 =	simm.s32 $0x2D00  }
0x4: {  	s13 =	simm.s32 $0x500;
	s14 =	simm.s32 $0x2D80;
	s15 =	simm.s32 $0x1  }
0x5: {  	s16 =	simm.s32 $0x2;
	s5 =	sand.u32 $0x1, s1;
	s1 =	rddreg [dreg:$0x2]  }
0x6: {  	s19 =	simm.s32 $0x0;
	s30 =	sshll.u32 s0, $0x1;
	[smem:$0x7FF] =	sst s3  }
0x7: {  	s8 =	sadd.s32 $0xCE00, s4;
	s9 =	sadd.s32 $0xC800, s4;
	s10 =	smul.u32 $0x280, s0  }
0x8: {  	s18 =	sshll.u32 s0, $0x6;
	s6 =	sor.u32 s5, s30;
	_ =	strace $0x80000047  }
0x9: {  	s7 =	ssub.s32 $0x2, s5;
	p0 =	seq.s32 s5, $0x0;
	s6 =	smul.u32 $0x4E2, s6  }
0xa: {  	s31 =	sshrl.u32 s7, $0x1;
	s17 =	simm.s32 @!p0 $0x0;
	s5 =	sadd.s32 s10, s2  }
0xb: {  	s10 =	sshrl.u32 s10, $0x3;
	s9 =	smov.u32 @p0 s8;
	s8 =	simm.s32 $0x580  }
0xc: {  	s7 =	ssub.s32 s7, s31;
	v0 =	vmov s17;
	s17 =	sor.u32 $0x1C03, s18;
	s6 =	sadd.s32 s6, s4  }
0xd: {  	s18 =	sshrl.u32 s5, $0x3;
	s4 =	sadd.s32 $0x2A00, s6;
	s6 =	smax.u32 s7, $0x1  }
0xe: {  	v1 =	vimm.f32 $1.000000000e+00;
	s7 =	sadd.s32 s9, s10;
	s9 =	simm.s32 $0x3;
	s10 =	simm.s32 $0x280  }
.LBB2_1:
0xf: {  	[tilespmem:$0x280] =	vst v0  }
0x10: {  	[tilespmem:$0x290] =	vst v0  }
0x11: {  	[tilespmem:$0x2A0] =	vst v0  }
0x12: {  	[tilespmem:$0x2B0] =	vst v0  }
0x13: {  	[tilespmem:$0x2C0] =	vst v0  }
0x14: {  	[tilespmem:$0x2D0] =	vst v0  }
0x15: {  	[tilespmem:$0x2E0] =	vst v0  }
0x16: {  	[tilespmem:$0x2F0] =	vst v0  }
0x17: {  	[tilespmem:$0x300] =	vst v0  }
0x18: {  	[tilespmem:$0x310] =	vst v0  }
0x19: {  	[tilespmem:$0x320] =	vst v0  }
0x1a: {  	[tilespmem:$0x330] =	vst v0  }
0x1b: {  	[tilespmem:$0x340] =	vst v0  }
0x1c: {  	[tilespmem:$0x350] =	vst v0  }
0x1d: {  	[tilespmem:$0x360] =	vst v0  }
0x1e: {  	[tilespmem:$0x370] =	vst v0  }
0x1f: {  	[tilespmem:$0x380] =	vst v0  }
0x20: {  	[tilespmem:$0x390] =	vst v0  }
0x21: {  	[tilespmem:$0x3A0] =	vst v0  }
0x22: {  	[tilespmem:$0x3B0] =	vst v0  }
0x23: {  	[tilespmem:$0x3C0] =	vst v0  }
0x24: {  	[tilespmem:$0x3D0] =	vst v0  }
0x25: {  	[tilespmem:$0x3E0] =	vst v0  }
0x26: {  	[tilespmem:$0x3F0] =	vst v0  }
0x27: {  	[tilespmem:$0x400] =	vst v0  }
0x28: {  	[tilespmem:$0x410] =	vst v0  }
0x29: {  	[tilespmem:$0x420] =	vst v0  }
0x2a: {  	[tilespmem:$0x430] =	vst v0  }
0x2b: {  	[tilespmem:$0x440] =	vst v0  }
0x2c: {  	[tilespmem:$0x450] =	vst v0  }
0x2d: {  	[tilespmem:$0x460] =	vst v0  }
0x2e: {  	[tilespmem:$0x470] =	vst v0  }
0x2f: {  	[tilespmem:$0x480] =	vst v0  }
0x30: {  	[tilespmem:$0x490] =	vst v0  }
0x31: {  	[tilespmem:$0x4A0] =	vst v0  }
0x32: {  	[tilespmem:$0x4B0] =	vst v0  }
0x33: {  	[tilespmem:$0x4C0] =	vst v0  }
0x34: {  	[tilespmem:$0x4D0] =	vst v0  }
0x35: {  	[tilespmem:$0x4E0] =	vst v0  }
0x36: {  	[tilespmem:$0x4F0] =	vst v0  }
0x37: {  	[tilespmem:$0x500] =	vst v1  }
0x38: {  	[tilespmem:$0x510] =	vst v1  }
0x39: {  	[tilespmem:$0x520] =	vst v1  }
0x3a: {  	[tilespmem:$0x530] =	vst v1  }
0x3b: {  	[tilespmem:$0x540] =	vst v1  }
0x3c: {  	[tilespmem:s8], [sflag:$0x3] =	stream.linear.gather [hbm4b:s4+s3], $0x2710, $0x38;
	[tilespmem:$0x2E00] =	vst v63  }
0x3d: {  	_ =	swait.ge [sflag:s9], $0x2710  }
0x3e: {  	[sflag:s9] =	ssyncset.done $0x0  }
0x3f: {  	[sflag:s9] =	ssyncadd.s32 $0xFFFFD8F0  }
0x40: {  	[spmem:s5] =	stream.linear.scatter [tilespmem:s10], [sflag:$0x3], $0x280, $0x38;
	[tilespmem:$0x2E00] =	vst v63  }
0x41: {  	_ =	swait.ge [sflag:s9], $0x280  }
0x42: {  	[sflag:s9] =	ssyncset.done $0x0  }
0x43: {  	[sflag:s9] =	ssyncadd.s32 $0xFFFFFD80  }
0x44: {  	s20 =	simm.s32 $0x5D0;
	[bflag:$0x0] =	sbarrier.arrive $0xFFFF  }
0x45: {  	v2 =	vld [tilespmem:s20+$0xFFFFFFB0];
	_ =	sdelay $0x4  }
0x46: {  	[tilespmem:$0x2D00] =	vst v2  }
0x47: {  	v2 =	vld [tilespmem:s20+$0xFFFFFFC0];
	_ =	sdelay $0x4  }
0x48: {  	[tilespmem:$0x2D10] =	vst v2  }
0x49: {  	v2 =	vld [tilespmem:s20+$0xFFFFFFD0];
	_ =	sdelay $0x4  }
0x4a: {  	[tilespmem:$0x2D20] =	vst v2  }
0x4b: {  	v2 =	vld [tilespmem:s20+$0xFFFFFFE0];
	_ =	sdelay $0x4  }
0x4c: {  	[tilespmem:$0x2D30] =	vst v2  }
0x4d: {  	v2 =	vld [tilespmem:s20+$0xFFFFFFF0];
	_ =	sdelay $0x4  }
0x4e: {  	[tilespmem:$0x2D40] =	vst v2  }
0x4f: {  	v2 =	vld [tilespmem:s20+$0x0];
	_ =	sdelay $0x4  }
0x50: {  	[tilespmem:$0x2D80] =	vst v2  }
0x51: {  	v2 =	vld [tilespmem:s20+$0x10];
	_ =	sdelay $0x4  }
0x52: {  	[tilespmem:$0x2D90] =	vst v2  }
0x53: {  	v2 =	vld [tilespmem:s20+$0x20];
	_ =	sdelay $0x4  }
0x54: {  	s21 =	sand.u32 $0x3FE0, s3;
	[tilespmem:$0x2DA0] =	vst v2  }
0x55: {  	v2 =	vld [tilespmem:s21+$0x600];
	_ =	sdelay $0x4  }
0x56: {  	[tilespmem:$0x2DB0] =	vst v2  }
0x57: {  	v2 =	vld [tilespmem:s20+$0x40];
	_ =	sdelay $0x4  }
0x58: {  	[tilespmem:$0x2DC0] =	vst v2  }
0x59: {  	[spmem:s2] =	stream.indirect.scatter.add.f32 [tilespmem:s13], [sflag:$0x1], $0x1, s12, s11, $0xb8;
	[tilespmem:$0x2E00] =	vst v63  }
0x5a: {  	_ = 	snop  }
0x5b: {  	[spmem:s2] =	stream.indirect.scatter.add.f32 [tilespmem:s13], [sflag:$0x2], $0x1, s14, s11, $0xb8;
	[tilespmem:$0x2E00] =	vst v63  }
0x5c: {  	_ =	swait.ge [sflag:s15], $0x50  }
0x5d: {  	[sflag:s15] =	ssyncset.done $0x0  }
0x5e: {  	[sflag:s15] =	ssyncadd.s32 $0xFFFFFFB0  }
0x5f: {  	_ =	swait.ge [sflag:s16], $0x50  }
0x60: {  	s21 =	simm.s32 $0xA0;
	[sflag:s16] =	ssyncset.done $0x0  }
.LBB2_2:
0x61: {  	p0 =	sne.s32 s21, $0x2620;
	[sflag:s16] =	ssyncadd.s32 $0xFFFFFFB0;
	s20 =	sadd.s32 $0xA0, s20  }
0x62: {  	s22 =	smov.u32 s21;
	s21 =	sadd.s32 $0xA0, s21;
	v2 =	vld [tilespmem:s20+$0xFFFFFFB0];
	_ =	sdelay $0x4  }
0x63: {  	[tilespmem:$0x2D00] =	vst v2  }
0x64: {  	v2 =	vld [tilespmem:s20+$0xFFFFFFC0];
	_ =	sdelay $0x4  }
0x65: {  	[tilespmem:$0x2D10] =	vst v2  }
0x66: {  	v2 =	vld [tilespmem:s20+$0xFFFFFFD0];
	_ =	sdelay $0x4  }
0x67: {  	[tilespmem:$0x2D20] =	vst v2  }
0x68: {  	v2 =	vld [tilespmem:s20+$0xFFFFFFE0];
	_ =	sdelay $0x4  }
0x69: {  	[tilespmem:$0x2D30] =	vst v2  }
0x6a: {  	v2 =	vld [tilespmem:s20+$0xFFFFFFF0];
	_ =	sdelay $0x4  }
0x6b: {  	[tilespmem:$0x2D40] =	vst v2  }
0x6c: {  	v2 =	vld [tilespmem:s20+$0x0];
	_ =	sdelay $0x4  }
0x6d: {  	[tilespmem:$0x2D80] =	vst v2  }
0x6e: {  	v2 =	vld [tilespmem:s20+$0x10];
	_ =	sdelay $0x4  }
0x6f: {  	[tilespmem:$0x2D90] =	vst v2  }
0x70: {  	v2 =	vld [tilespmem:s20+$0x20];
	_ =	sdelay $0x4  }
0x71: {  	s22 =	sand.u32 $0x3FE0, s22;
	[tilespmem:$0x2DA0] =	vst v2  }
0x72: {  	v2 =	vld [tilespmem:s22+$0x600];
	_ =	sdelay $0x4  }
0x73: {  	[tilespmem:$0x2DB0] =	vst v2  }
0x74: {  	v2 =	vld [tilespmem:s20+$0x40];
	_ =	sdelay $0x4  }
0x75: {  	[tilespmem:$0x2DC0] =	vst v2  }
0x76: {  	[spmem:s2] =	stream.indirect.scatter.add.f32 [tilespmem:s13], [sflag:$0x1], $0x1, s12, s11, $0xb8;
	[tilespmem:$0x2E00] =	vst v63  }
0x77: {  	_ = 	snop  }
0x78: {  	[spmem:s2] =	stream.indirect.scatter.add.f32 [tilespmem:s13], [sflag:$0x2], $0x1, s14, s11, $0xb8;
	[tilespmem:$0x2E00] =	vst v63  }
.Ltmp0:
0x79: {  	_ =	swait.ge [sflag:s15], $0x50;
	(pc) =	sbr.rel @p0 .LBB2_2-.Ltmp0, $4  }
0x7a: {  	[sflag:s15] =	ssyncset.done $0x0  }
0x7b: {  	[sflag:s15] =	ssyncadd.s32 $0xFFFFFFB0  }
0x7c: {  	_ =	swait.ge [sflag:s16], $0x50  }
0x7d: {  	[sflag:s16] =	ssyncset.done $0x0  }
0x7e: {  	[sflag:s16] =	ssyncadd.s32 $0xFFFFFFB0  }
0x7f: {  	v2 =	vld [tilespmem:$0x2C40]  }
0x80: {  	v3 =	vld [tilespmem:$0x2C50]  }
0x81: {  	v4 =	vld [tilespmem:$0x2C60]  }
0x82: {  	v5 =	vld [tilespmem:$0x2C70]  }
0x83: {  	v6 =	vld [tilespmem:$0x2C80]  }
0x84: {  	[tilespmem:$0x2D00] =	vst v2  }
0x85: {  	[tilespmem:$0x2D10] =	vst v3  }
0x86: {  	[tilespmem:$0x2D20] =	vst v4  }
0x87: {  	[tilespmem:$0x2D30] =	vst v5  }
0x88: {  	[tilespmem:$0x2D40] =	vst v6  }
0x89: {  	[spmem:s2] =	stream.indirect.scatter.add.f32 [tilespmem:s13], [sflag:$0x3], $0x1, s12, s11, $0xb8;
	[tilespmem:$0x2E00] =	vst v63  }
0x8a: {  	_ =	swait.ge [sflag:s9], $0x50  }
0x8b: {  	s19 =	sadd.s32 $0x1, s19;
	[sflag:s9] =	ssyncset.done $0x0  }
0x8c: {  	p0 =	sne.s32 s19, s6;
	[sflag:s9] =	ssyncadd.s32 $0xFFFFFFB0  }
.Ltmp1:
0x8d: {  	[bflag:$0x0] =	sbarrier.arrive $0xFFFF;
	(pc) =	sbr.rel @p0 .LBB2_1-.Ltmp1, $4  }
0x8e: {  	[hbm:s7], [sflag:s17] =	dma.local [spmem:s18], $0x50  }
0x8f: {  	_ =	swait.ge [sflag:s9], $0x50  }
0x90: {  	[sflag:s9] =	ssyncset.done $0x0  }
0x91: {  	[sflag:s9] =	ssyncadd.s32 $0xFFFFFFB0  }
0x92: {  	_ =	sfence.sel $0x180000  }
0x93: {  	[bflag:$0x0] =	sbarrier.arrive $0xFFFF  }
0x94: {  	p0 =	sne.s32 s0, $0x0;
	_ =	strace $0x90000047  }
0x95: {  	s0 =	sadd.s32 @!p0 $0x100000, s1;
	[bflag:$0x2] =	sbarrier.arrive $0xFFFF  }
0x96: {  	[sflag:s0] =	ssyncadd.tile.s32 @!p0 $0x1;
	_ =	shalt  }
.Lfunc_end2:
_tile_overlayer_lowered:
.L_overlay_start_2:
0x97: {  	(tag) =	ssettag $0x2  }
0x98: {  	s0 =	rddreg [dreg:$0x0];
	s2 =	stileid.u32  }
0x99: {  	s1 =	rddreg [dreg:$0x1];
	p0 =	sne.s32 s2, $0x0  }
0x9a: {  	s3 =	rddreg [dreg:$0x2];
	[bflag:$0x3] =	sbarrier.arrive $0xFFFF;
	s2 =	simm.s32 @!p0 $0x1C03  }
0x9b: {  	[timem:s3], [sflag:s2] =	dma.local @!p0 [hbm:s0], s1  }
0x9c: {  	s0 =	simm.s32 @!p0 $0x3  }
0x9d: {  	_ =	swait.ge @!p0 [sflag:s0], s1  }
0x9e: {  	s1 =	ssub.s32 @!p0 $0x0, s1;
	[sflag:s0] =	ssyncset.done @!p0 $0x0  }
0x9f: {  	[sflag:s0] =	ssyncadd.s32 @!p0 s1  }
0xa0: {  	[bflag:$0x3] =	sbarrier.arrive $0xFFFF  }
0xa1: {  	_ =	shalt  }

</sc_bundles>
